<compile_context>
chip_gen: v7x
topology: tpu7x:2x2x1
jax: 0.10.2.dev20260603
libtpu: 0.0.44.dev20260713+nightly
codegen_flags: <defaults>
</compile_context>

<pallas_src>
import jax
import jax.numpy as jnp
from jax import lax
from jax.experimental import pallas as pl
from jax.experimental.pallas import tpu as pltpu
from jax.experimental.pallas import tpu_sc as plsc

_D = 128
_N = 200
_L = 16
_TILES = 16
_LAST_OFF = 184
_NEG_BASE = 24
_LN2 = 0.6931471805599453


def _body(table, src, ctx, neg, out,
          idx, rows, part, shared, allbuf, res, sem, sem2):
    t = lax.axis_index("s")

    off = jnp.minimum(t * _L, _LAST_OFF)
    cp_c = pltpu.async_copy(ctx.at[pl.ds(off, _L)], idx.at[pl.ds(0, _L)], sem)
    cp_s = pltpu.async_copy(src, idx.at[pl.ds(_L, 1)], sem)
    cp_n = pltpu.async_copy(neg.at[pl.ds(off, _L)], idx.at[pl.ds(2 * _L, _L)], sem)
    cp_c.wait()
    cp_s.wait()
    cp_n.wait()
    g1 = pltpu.async_copy(table.at[idx.at[pl.ds(0, _L + 1)]],
                          rows.at[pl.ds(0, _L + 1)], sem)
    g2 = pltpu.async_copy(table.at[idx.at[pl.ds(2 * _L, _L)]],
                          rows.at[pl.ds(_NEG_BASE, _L)], sem2)
    g1.wait()

    s_chunks = [rows[_L, pl.ds(_L * k, _L)] for k in range(_D // _L)]
    lane = lax.iota(jnp.int32, _L)
    valid = off + lane >= t * _L

    def dots(base):
        d = jnp.zeros((_L,), jnp.float32)
        for j in range(_L):
            acc = rows[base + j, pl.ds(0, _L)] * s_chunks[0]
            for k in range(1, _D // _L):
                acc = acc + rows[base + j, pl.ds(_L * k, _L)] * s_chunks[k]
            d = jnp.where(lane == j, jnp.sum(acc), d)
        return d

    zero = jnp.zeros((_L,), jnp.float32)
    pos_vec = jnp.where(valid, dots(0), zero)
    g2.wait()
    sig = 1.0 / (1.0 + jnp.exp(dots(_NEG_BASE)))
    neg_vec = jnp.where(valid, sig, zero)

    part[pl.ds(0, _L)] = pos_vec
    part[pl.ds(_L, _L)] = neg_vec
    pltpu.sync_copy(part, shared.at[t])
    plsc.subcore_barrier()

    @pl.when(t == 0)
    def _finish():
        pltpu.sync_copy(shared, allbuf)
        pos = jnp.zeros((_L,), jnp.float32)
        negs = jnp.zeros((_L,), jnp.float32)
        for tt in range(_TILES):
            pos = pos + allbuf[tt, pl.ds(0, _L)]
            negs = negs + allbuf[tt, pl.ds(_L, _L)]
        s_tot = jnp.broadcast_to(jnp.sum(pos), (_L,))
        n_tot = jnp.broadcast_to(jnp.sum(negs), (_L,))

        y = 1.0 / (1.0 + jnp.exp(-s_tot))
        y = jnp.minimum(jnp.maximum(y, 1e-7), 1.0 - 1e-7)
        bits = plsc.bitcast(y, jnp.int32)
        x = (bits.astype(jnp.float32) * 1.1920929e-7 - 126.94269504) * _LN2
        for _ in range(3):
            x = x + y * jnp.exp(-x) - 1.0
        n_clip = jnp.minimum(jnp.maximum(n_tot, 1e-7), 1.0 - 1e-7)
        res[...] = -x - n_clip
        pltpu.sync_copy(res.at[pl.ds(0, 1)], out)


@jax.jit
def _sc_loss(embedding, src, ctx, neg):
    mesh = plsc.VectorSubcoreMesh(
        core_axis_name="c", subcore_axis_name="s", num_cores=1)
    f = pl.kernel(
        _body,
        out_type=jax.ShapeDtypeStruct((1,), jnp.float32),
        mesh=mesh,
        compiler_params=pltpu.CompilerParams(needs_layout_passes=False),
        scratch_types=[
            pltpu.VMEM((3 * _L,), jnp.int32),
            pltpu.VMEM((_NEG_BASE + _L, _D), jnp.float32),
            pltpu.VMEM((2 * _L,), jnp.float32),
            pltpu.VMEM_SHARED((_TILES, 2 * _L), jnp.float32),
            pltpu.VMEM((_TILES, 2 * _L), jnp.float32),
            pltpu.VMEM((_L,), jnp.float32),
            pltpu.SemaphoreType.DMA,
            pltpu.SemaphoreType.DMA,
        ],
    )
    return f(embedding, src, ctx, neg)


def kernel(embedding, source_node, context_nodes, neg_samples):
    src = source_node.astype(jnp.int32)
    ctx = context_nodes.astype(jnp.int32)
    neg = neg_samples.astype(jnp.int32)
    out = _sc_loss(embedding, src, ctx, neg)
    return jnp.reshape(out, ())

# --- scband reference (transcript-rebuilt; emitter-appended) ---
"""Pipeline reference for scband-node2-vec-loss-11811160064246 (READ-ONLY COPY).

The authoritative reference and input builder live on the scoring server;
editing this copy changes nothing except your own understanding.
"""

import jax, jax.numpy as jnp
import numpy as np

VOCAB = 100000
EMBED_DIM = 128
N_CONTEXT = 200
N_NEG = 200

def setup_inputs(seed: int = 0) -> dict:
    key = jax.random.key(seed)
    k1, k2, k3, k4 = jax.random.split(key, 4)
    embedding = jax.random.normal(k1, (VOCAB, EMBED_DIM), dtype=jnp.float32)
    source_node = jax.random.randint(k2, (1,), 0, VOCAB, dtype=jnp.int64 if jax.config.jax_enable_x64 else jnp.int32)
    context_nodes = jax.random.randint(k3, (N_CONTEXT,), 0, VOCAB, dtype=jnp.int64 if jax.config.jax_enable_x64 else jnp.int32)
    neg_samples = jax.random.randint(k4, (N_NEG,), 0, VOCAB, dtype=jnp.int64 if jax.config.jax_enable_x64 else jnp.int32)
    return {"embedding": embedding, "source_node": source_node, "context_nodes": context_nodes, "neg_samples": neg_samples}

def reference(embedding, source_node, context_nodes, neg_samples):
    # embedding(source_node).squeeze()
    source_embedding = jnp.squeeze(jnp.take(embedding, source_node, axis=0))  # [d]
    # embedding(context_nodes)
    context_embedding = jnp.take(embedding, context_nodes, axis=0)  # [C, d]
    # embedding(neg_samples)
    neg_samples_embedding = jnp.take(embedding, neg_samples, axis=0)  # [K, d]
    # positives = sigmoid(sum(context_embedding @ source_embedding))
    positives = jax.nn.sigmoid(jnp.sum(context_embedding @ source_embedding))
    positives = jnp.clip(positives, 1e-07, 1.0 - 1e-07)
    # negatives = sigmoid(-(neg_emb @ source_emb[:, None])).sum()
    negatives = jax.nn.sigmoid(-(neg_samples_embedding @ source_embedding[:, None])).sum()
    negatives = jnp.clip(negatives, 1e-07, 1.0 - 1e-07)
    loss = -jnp.log(positives) - negatives
    return loss

if __name__ == "__main__":
    import jax
    _d = setup_inputs()
    print(jax.jit(kernel)(*tuple(_d.values())))

</pallas_src>

<mosaic_0001>
#map = affine_map<(d0, d1) -> (0, 0)>
#map1 = affine_map<(d0, d1) -> (0)>
module attributes {stable_mosaic.version = 14 : i64} {
  func.func @_body(%arg0: i32, %arg1: i32, %arg2: memref<100000x128xf32, #tpu.memory_space<hbm>>, %arg3: memref<1xi32, #tpu.memory_space<hbm>>, %arg4: memref<200xi32, #tpu.memory_space<hbm>>, %arg5: memref<200xi32, #tpu.memory_space<hbm>>, %arg6: memref<1xf32, #tpu.memory_space<hbm>>, %arg7: memref<48xi32, #tpu.memory_space<vmem>>, %arg8: memref<40x128xf32, #tpu.memory_space<vmem>>, %arg9: memref<32xf32, #tpu.memory_space<vmem>>, %arg10: memref<16x32xf32, #tpu.memory_space<vmem_shared>>, %arg11: memref<16x32xf32, #tpu.memory_space<vmem>>, %arg12: memref<16xf32, #tpu.memory_space<vmem>>, %arg13: memref<!tpu.dma_semaphore, #tpu.memory_space<semaphore_mem>>, %arg14: memref<!tpu.dma_semaphore, #tpu.memory_space<semaphore_mem>>) attributes {dimension_semantics = [#tpu.dimension_semantics<core_parallel>, #tpu.dimension_semantics<subcore_parallel>], iteration_bounds = array<i64: 1, 16>, scalar_prefetch = 0 : i64, scratch_operands = 8 : i64, tpu.core_type = #tpu.core_type<sc_vector_subcore>, window_params = [{transform_indices = #map}, {transform_indices = #map1}, {transform_indices = #map1}, {transform_indices = #map1}, {transform_indices = #map1}]} {
    %mul3A = arith.constant 16 : i32
    %mul3A_0 = arith.muli %arg1, %mul3A : i32
    %min3A = arith.constant 184 : i32
    %min3A_1 = arith.minsi %mul3A_0, %min3A : i32
    %dma_start3A = arith.constant 0 : i32
    %dma_start3A_2 = tpu.memref_slice %arg7[%dma_start3A] : memref<48xi32, #tpu.memory_space<vmem>> -> memref<16xi32, #tpu.memory_space<vmem>>
    %dma_start3A_3 = tpu.memref_slice %arg4[%min3A_1] : memref<200xi32, #tpu.memory_space<hbm>> -> memref<16xi32, #tpu.memory_space<hbm>>
    %dma_start3A_4 = arith.constant 0 : i32
    %dma_start3A_5 = tpu.memref_slice %arg7[%dma_start3A_4] : memref<48xi32, #tpu.memory_space<vmem>> -> memref<16xi32, #tpu.memory_space<vmem>>
    %dma_start3A_6 = tpu.memref_slice %arg4[%min3A_1] : memref<200xi32, #tpu.memory_space<hbm>> -> memref<16xi32, #tpu.memory_space<hbm>>
    tpu.enqueue_dma source(%dma_start3A_6 : memref<16xi32, #tpu.memory_space<hbm>>) target(%dma_start3A_5 : memref<16xi32, #tpu.memory_space<vmem>>) target_semaphore(%arg13 : memref<!tpu.dma_semaphore, #tpu.memory_space<semaphore_mem>>)
    %dma_start3A_7 = arith.constant 16 : i32
    %dma_start3A_8 = tpu.memref_slice %arg7[%dma_start3A_7] : memref<48xi32, #tpu.memory_space<vmem>> -> memref<1xi32, #tpu.memory_space<vmem>>
    %dma_start3A_9 = arith.constant 16 : i32
    %dma_start3A_10 = tpu.memref_slice %arg7[%dma_start3A_9] : memref<48xi32, #tpu.memory_space<vmem>> -> memref<1xi32, #tpu.memory_space<vmem>>
    tpu.enqueue_dma source(%arg3 : memref<1xi32, #tpu.memory_space<hbm>>) target(%dma_start3A_10 : memref<1xi32, #tpu.memory_space<vmem>>) target_semaphore(%arg13 : memref<!tpu.dma_semaphore, #tpu.memory_space<semaphore_mem>>)
    %dma_start3A_11 = arith.constant 32 : i32
    %dma_start3A_12 = tpu.memref_slice %arg7[%dma_start3A_11] : memref<48xi32, #tpu.memory_space<vmem>> -> memref<16xi32, #tpu.memory_space<vmem>>
    %dma_start3A_13 = tpu.memref_slice %arg5[%min3A_1] : memref<200xi32, #tpu.memory_space<hbm>> -> memref<16xi32, #tpu.memory_space<hbm>>
    %dma_start3A_14 = arith.constant 32 : i32
    %dma_start3A_15 = tpu.memref_slice %arg7[%dma_start3A_14] : memref<48xi32, #tpu.memory_space<vmem>> -> memref<16xi32, #tpu.memory_space<vmem>>
    %dma_start3A_16 = tpu.memref_slice %arg5[%min3A_1] : memref<200xi32, #tpu.memory_space<hbm>> -> memref<16xi32, #tpu.memory_space<hbm>>
    tpu.enqueue_dma source(%dma_start3A_16 : memref<16xi32, #tpu.memory_space<hbm>>) target(%dma_start3A_15 : memref<16xi32, #tpu.memory_space<vmem>>) target_semaphore(%arg13 : memref<!tpu.dma_semaphore, #tpu.memory_space<semaphore_mem>>)
    %dma_wait3A = arith.constant 0 : i32
    %dma_wait3A_17 = tpu.memref_slice %arg7[%dma_wait3A] : memref<48xi32, #tpu.memory_space<vmem>> -> memref<16xi32, #tpu.memory_space<vmem>>
    %dma_wait3A_18 = tpu.memref_slice %arg4[%min3A_1] : memref<200xi32, #tpu.memory_space<hbm>> -> memref<16xi32, #tpu.memory_space<hbm>>
    %dma_wait3A_19 = arith.constant 0 : i32
    %dma_wait3A_20 = tpu.memref_slice %arg7[%dma_wait3A_19] : memref<48xi32, #tpu.memory_space<vmem>> -> memref<16xi32, #tpu.memory_space<vmem>>
    %dma_wait3A_21 = tpu.memref_slice %arg4[%min3A_1] : memref<200xi32, #tpu.memory_space<hbm>> -> memref<16xi32, #tpu.memory_space<hbm>>
    tpu.wait_dma2 semaphore(%arg13 : memref<!tpu.dma_semaphore, #tpu.memory_space<semaphore_mem>>) src(%dma_wait3A_21 : memref<16xi32, #tpu.memory_space<hbm>>) dst(%dma_wait3A_20 : memref<16xi32, #tpu.memory_space<vmem>>)
    %dma_wait3A_22 = arith.constant 16 : i32
    %dma_wait3A_23 = tpu.memref_slice %arg7[%dma_wait3A_22] : memref<48xi32, #tpu.memory_space<vmem>> -> memref<1xi32, #tpu.memory_space<vmem>>
    %dma_wait3A_24 = arith.constant 16 : i32
    %dma_wait3A_25 = tpu.memref_slice %arg7[%dma_wait3A_24] : memref<48xi32, #tpu.memory_space<vmem>> -> memref<1xi32, #tpu.memory_space<vmem>>
    tpu.wait_dma2 semaphore(%arg13 : memref<!tpu.dma_semaphore, #tpu.memory_space<semaphore_mem>>) src(%arg3 : memref<1xi32, #tpu.memory_space<hbm>>) dst(%dma_wait3A_25 : memref<1xi32, #tpu.memory_space<vmem>>)
    %dma_wait3A_26 = arith.constant 32 : i32
    %dma_wait3A_27 = tpu.memref_slice %arg7[%dma_wait3A_26] : memref<48xi32, #tpu.memory_space<vmem>> -> memref<16xi32, #tpu.memory_space<vmem>>
    %dma_wait3A_28 = tpu.memref_slice %arg5[%min3A_1] : memref<200xi32, #tpu.memory_space<hbm>> -> memref<16xi32, #tpu.memory_space<hbm>>
    %dma_wait3A_29 = arith.constant 32 : i32
    %dma_wait3A_30 = tpu.memref_slice %arg7[%dma_wait3A_29] : memref<48xi32, #tpu.memory_space<vmem>> -> memref<16xi32, #tpu.memory_space<vmem>>
    %dma_wait3A_31 = tpu.memref_slice %arg5[%min3A_1] : memref<200xi32, #tpu.memory_space<hbm>> -> memref<16xi32, #tpu.memory_space<hbm>>
    tpu.wait_dma2 semaphore(%arg13 : memref<!tpu.dma_semaphore, #tpu.memory_space<semaphore_mem>>) src(%dma_wait3A_31 : memref<16xi32, #tpu.memory_space<hbm>>) dst(%dma_wait3A_30 : memref<16xi32, #tpu.memory_space<vmem>>)
    %dma_start3A_32 = arith.constant 0 : i32
    %dma_start3A_33 = arith.constant 0 : i32
    %dma_start3A_34 = tpu.memref_slice %arg8[%dma_start3A_32, %dma_start3A_33] : memref<40x128xf32, #tpu.memory_space<vmem>> -> memref<17x128xf32, #tpu.memory_space<vmem>>
    %dma_start3A_35 = arith.constant 0 : i32
    %dma_start3A_36 = tpu.memref_slice %arg7[%dma_start3A_35] : memref<48xi32, #tpu.memory_space<vmem>> -> memref<17xi32, #tpu.memory_space<vmem>>
    %dma_start3A_37 = arith.constant 0 : i32
    %dma_start3A_38 = arith.constant 0 : i32
    %dma_start3A_39 = tpu.memref_slice %arg2[%dma_start3A_37, %dma_start3A_38] : memref<100000x128xf32, #tpu.memory_space<hbm>> -> memref<100000x128xf32, #tpu.memory_space<hbm>>
    tpu.enqueue_indirect_dma source(%dma_start3A_39 : memref<100000x128xf32, #tpu.memory_space<hbm>>) target(%dma_start3A_34 : memref<17x128xf32, #tpu.memory_space<vmem>>) offsets(%dma_start3A_36 : memref<17xi32, #tpu.memory_space<vmem>>) semaphore(%arg13 : memref<!tpu.dma_semaphore, #tpu.memory_space<semaphore_mem>>)
    %dma_start3A_40 = arith.constant 24 : i32
    %dma_start3A_41 = arith.constant 0 : i32
    %dma_start3A_42 = tpu.memref_slice %arg8[%dma_start3A_40, %dma_start3A_41] : memref<40x128xf32, #tpu.memory_space<vmem>> -> memref<16x128xf32, #tpu.memory_space<vmem>>
    %dma_start3A_43 = arith.constant 32 : i32
    %dma_start3A_44 = tpu.memref_slice %arg7[%dma_start3A_43] : memref<48xi32, #tpu.memory_space<vmem>> -> memref<16xi32, #tpu.memory_space<vmem>>
    %dma_start3A_45 = arith.constant 0 : i32
    %dma_start3A_46 = arith.constant 0 : i32
    %dma_start3A_47 = tpu.memref_slice %arg2[%dma_start3A_45, %dma_start3A_46] : memref<100000x128xf32, #tpu.memory_space<hbm>> -> memref<100000x128xf32, #tpu.memory_space<hbm>>
    tpu.enqueue_indirect_dma source(%dma_start3A_47 : memref<100000x128xf32, #tpu.memory_space<hbm>>) target(%dma_start3A_42 : memref<16x128xf32, #tpu.memory_space<vmem>>) offsets(%dma_start3A_44 : memref<16xi32, #tpu.memory_space<vmem>>) semaphore(%arg14 : memref<!tpu.dma_semaphore, #tpu.memory_space<semaphore_mem>>)
    %dma_wait3A_48 = arith.constant 0 : i32
    %dma_wait3A_49 = arith.constant 0 : i32
    %dma_wait3A_50 = tpu.memref_slice %arg8[%dma_wait3A_48, %dma_wait3A_49] : memref<40x128xf32, #tpu.memory_space<vmem>> -> memref<17x128xf32, #tpu.memory_space<vmem>>
    %dma_wait3A_51 = arith.constant 0 : i32
    %dma_wait3A_52 = tpu.memref_slice %arg7[%dma_wait3A_51] : memref<48xi32, #tpu.memory_space<vmem>> -> memref<17xi32, #tpu.memory_space<vmem>>
    %dma_wait3A_53 = arith.constant 0 : i32
    %dma_wait3A_54 = arith.constant 0 : i32
    %dma_wait3A_55 = tpu.memref_slice %arg2[%dma_wait3A_53, %dma_wait3A_54] : memref<100000x128xf32, #tpu.memory_space<hbm>> -> memref<100000x128xf32, #tpu.memory_space<hbm>>
    tpu.wait_indirect_dma semaphore(%arg13 : memref<!tpu.dma_semaphore, #tpu.memory_space<semaphore_mem>>) src(%dma_wait3A_55 : memref<100000x128xf32, #tpu.memory_space<hbm>>) dst(%dma_wait3A_50 : memref<17x128xf32, #tpu.memory_space<vmem>>)
    %get3A = arith.constant 16 : i32
    %get3A_56 = arith.index_cast %get3A : i32 to index
    %get3A_57 = arith.constant 0 : index
    %get3A_58 = tpu.vector_load %arg8[%get3A_56, %get3A_57] {strides = array<i32>} : memref<40x128xf32, #tpu.memory_space<vmem>>, vector<16xf32>,
    %get3A_59 = arith.constant 16 : i32
    %get3A_60 = arith.index_cast %get3A_59 : i32 to index
    %get3A_61 = arith.constant 16 : index
    %get3A_62 = tpu.vector_load %arg8[%get3A_60, %get3A_61] {strides = array<i32>} : memref<40x128xf32, #tpu.memory_space<vmem>>, vector<16xf32>,
    %get3A_63 = arith.constant 16 : i32
    %get3A_64 = arith.index_cast %get3A_63 : i32 to index
    %get3A_65 = arith.constant 32 : index
    %get3A_66 = tpu.vector_load %arg8[%get3A_64, %get3A_65] {strides = array<i32>} : memref<40x128xf32, #tpu.memory_space<vmem>>, vector<16xf32>,
    %get3A_67 = arith.constant 16 : i32
    %get3A_68 = arith.index_cast %get3A_67 : i32 to index
    %get3A_69 = arith.constant 48 : index
    %get3A_70 = tpu.vector_load %arg8[%get3A_68, %get3A_69] {strides = array<i32>} : memref<40x128xf32, #tpu.memory_space<vmem>>, vector<16xf32>,
    %get3A_71 = arith.constant 16 : i32
    %get3A_72 = arith.index_cast %get3A_71 : i32 to index
    %get3A_73 = arith.constant 64 : index
    %get3A_74 = tpu.vector_load %arg8[%get3A_72, %get3A_73] {strides = array<i32>} : memref<40x128xf32, #tpu.memory_space<vmem>>, vector<16xf32>,
    %get3A_75 = arith.constant 16 : i32
    %get3A_76 = arith.index_cast %get3A_75 : i32 to index
    %get3A_77 = arith.constant 80 : index
    %get3A_78 = tpu.vector_load %arg8[%get3A_76, %get3A_77] {strides = array<i32>} : memref<40x128xf32, #tpu.memory_space<vmem>>, vector<16xf32>,
    %get3A_79 = arith.constant 16 : i32
    %get3A_80 = arith.index_cast %get3A_79 : i32 to index
    %get3A_81 = arith.constant 96 : index
    %get3A_82 = tpu.vector_load %arg8[%get3A_80, %get3A_81] {strides = array<i32>} : memref<40x128xf32, #tpu.memory_space<vmem>>, vector<16xf32>,
    %get3A_83 = arith.constant 16 : i32
    %get3A_84 = arith.index_cast %get3A_83 : i32 to index
    %get3A_85 = arith.constant 112 : index
    %get3A_86 = tpu.vector_load %arg8[%get3A_84, %get3A_85] {strides = array<i32>} : memref<40x128xf32, #tpu.memory_space<vmem>>, vector<16xf32>,
    %iota3A = tpu.iota {dimensions = array<i32: 0>} : vector<16xi32>
    %add3A = vector.broadcast %min3A_1 : i32 to vector<16xi32>
    %add3A_87 = arith.addi %add3A, %iota3A : vector<16xi32>
    %mul3A_88 = arith.constant 16 : i32
    %mul3A_89 = arith.muli %arg1, %mul3A_88 : i32
    %ge3A = vector.broadcast %mul3A_89 : i32 to vector<16xi32>
    %ge3A_90 = arith.cmpi sge, %add3A_87, %ge3A : vector<16xi32>
    %broadcast_in_dim3A = arith.constant 0.000000e+00 : f32
    %broadcast_in_dim3A_91 = vector.broadcast %broadcast_in_dim3A : f32 to vector<16xf32>
    %broadcast_in_dim3A_92 = arith.constant 0.000000e+00 : f32
    %broadcast_in_dim3A_93 = vector.broadcast %broadcast_in_dim3A_92 : f32 to vector<16xf32>
    %get3A_94 = arith.constant 0 : i32
    %get3A_95 = arith.index_cast %get3A_94 : i32 to index
    %get3A_96 = arith.constant 0 : index
    %get3A_97 = tpu.vector_load %arg8[%get3A_95, %get3A_96] {strides = array<i32>} : memref<40x128xf32, #tpu.memory_space<vmem>>, vector<16xf32>,
    %mul3A_98 = arith.mulf %get3A_97, %get3A_58 : vector<16xf32>
    %get3A_99 = arith.constant 0 : i32
    %get3A_100 = arith.index_cast %get3A_99 : i32 to index
    %get3A_101 = arith.constant 16 : index
    %get3A_102 = tpu.vector_load %arg8[%get3A_100, %get3A_101] {strides = array<i32>} : memref<40x128xf32, #tpu.memory_space<vmem>>, vector<16xf32>,
    %mul3A_103 = arith.mulf %get3A_102, %get3A_62 : vector<16xf32>
    %add3A_104 = arith.addf %mul3A_98, %mul3A_103 : vector<16xf32>
    %get3A_105 = arith.constant 0 : i32
    %get3A_106 = arith.index_cast %get3A_105 : i32 to index
    %get3A_107 = arith.constant 32 : index
    %get3A_108 = tpu.vector_load %arg8[%get3A_106, %get3A_107] {strides = array<i32>} : memref<40x128xf32, #tpu.memory_space<vmem>>, vector<16xf32>,
    %mul3A_109 = arith.mulf %get3A_108, %get3A_66 : vector<16xf32>
    %add3A_110 = arith.addf %add3A_104, %mul3A_109 : vector<16xf32>
    %get3A_111 = arith.constant 0 : i32
    %get3A_112 = arith.index_cast %get3A_111 : i32 to index
    %get3A_113 = arith.constant 48 : index
    %get3A_114 = tpu.vector_load %arg8[%get3A_112, %get3A_113] {strides = array<i32>} : memref<40x128xf32, #tpu.memory_space<vmem>>, vector<16xf32>,
    %mul3A_115 = arith.mulf %get3A_114, %get3A_70 : vector<16xf32>
    %add3A_116 = arith.addf %add3A_110, %mul3A_115 : vector<16xf32>
    %get3A_117 = arith.constant 0 : i32
    %get3A_118 = arith.index_cast %get3A_117 : i32 to index
    %get3A_119 = arith.constant 64 : index
    %get3A_120 = tpu.vector_load %arg8[%get3A_118, %get3A_119] {strides = array<i32>} : memref<40x128xf32, #tpu.memory_space<vmem>>, vector<16xf32>,
    %mul3A_121 = arith.mulf %get3A_120, %get3A_74 : vector<16xf32>
    %add3A_122 = arith.addf %add3A_116, %mul3A_121 : vector<16xf32>
    %get3A_123 = arith.constant 0 : i32
    %get3A_124 = arith.index_cast %get3A_123 : i32 to index
    %get3A_125 = arith.constant 80 : index
    %get3A_126 = tpu.vector_load %arg8[%get3A_124, %get3A_125] {strides = array<i32>} : memref<40x128xf32, #tpu.memory_space<vmem>>, vector<16xf32>,
    %mul3A_127 = arith.mulf %get3A_126, %get3A_78 : vector<16xf32>
    %add3A_128 = arith.addf %add3A_122, %mul3A_127 : vector<16xf32>
    %get3A_129 = arith.constant 0 : i32
    %get3A_130 = arith.index_cast %get3A_129 : i32 to index
    %get3A_131 = arith.constant 96 : index
    %get3A_132 = tpu.vector_load %arg8[%get3A_130, %get3A_131] {strides = array<i32>} : memref<40x128xf32, #tpu.memory_space<vmem>>, vector<16xf32>,
    %mul3A_133 = arith.mulf %get3A_132, %get3A_82 : vector<16xf32>
    %add3A_134 = arith.addf %add3A_128, %mul3A_133 : vector<16xf32>
    %get3A_135 = arith.constant 0 : i32
    %get3A_136 = arith.index_cast %get3A_135 : i32 to index
    %get3A_137 = arith.constant 112 : index
    %get3A_138 = tpu.vector_load %arg8[%get3A_136, %get3A_137] {strides = array<i32>} : memref<40x128xf32, #tpu.memory_space<vmem>>, vector<16xf32>,
    %mul3A_139 = arith.mulf %get3A_138, %get3A_86 : vector<16xf32>
    %add3A_140 = arith.addf %add3A_134, %mul3A_139 : vector<16xf32>
    %eq3A = arith.constant 0 : i32
    %eq3A_141 = vector.broadcast %eq3A : i32 to vector<16xi32>
    %eq3A_142 = arith.cmpi eq, %iota3A, %eq3A_141 : vector<16xi32>
    %reduce_sum3A = arith.constant true
    %reduce_sum3A_143 = vector.broadcast %reduce_sum3A : i1 to vector<16xi1>
    %reduce_sum3A_144 = tpu.scan <sum>, %add3A_140 masked %reduce_sum3A_143 : vector<16xf32>, vector<16xi1> -> vector<16xf32>
    %reduce_sum3A_145 = vector.extract %reduce_sum3A_144[15] : f32 from vector<16xf32>
    %broadcast_in_dim3A_146 = vector.broadcast %reduce_sum3A_145 : f32 to vector<16xf32>
    %select_n3A = arith.select %eq3A_142, %broadcast_in_dim3A_146, %broadcast_in_dim3A_93 : vector<16xi1>, vector<16xf32>
    %get3A_147 = arith.constant 1 : i32
    %get3A_148 = arith.index_cast %get3A_147 : i32 to index
    %get3A_149 = arith.constant 0 : index
    %get3A_150 = tpu.vector_load %arg8[%get3A_148, %get3A_149] {strides = array<i32>} : memref<40x128xf32, #tpu.memory_space<vmem>>, vector<16xf32>,
    %mul3A_151 = arith.mulf %get3A_150, %get3A_58 : vector<16xf32>
    %get3A_152 = arith.constant 1 : i32
    %get3A_153 = arith.index_cast %get3A_152 : i32 to index
    %get3A_154 = arith.constant 16 : index
    %get3A_155 = tpu.vector_load %arg8[%get3A_153, %get3A_154] {strides = array<i32>} : memref<40x128xf32, #tpu.memory_space<vmem>>, vector<16xf32>,
    %mul3A_156 = arith.mulf %get3A_155, %get3A_62 : vector<16xf32>
    %add3A_157 = arith.addf %mul3A_151, %mul3A_156 : vector<16xf32>
    %get3A_158 = arith.constant 1 : i32
    %get3A_159 = arith.index_cast %get3A_158 : i32 to index
    %get3A_160 = arith.constant 32 : index
    %get3A_161 = tpu.vector_load %arg8[%get3A_159, %get3A_160] {strides = array<i32>} : memref<40x128xf32, #tpu.memory_space<vmem>>, vector<16xf32>,
    %mul3A_162 = arith.mulf %get3A_161, %get3A_66 : vector<16xf32>
    %add3A_163 = arith.addf %add3A_157, %mul3A_162 : vector<16xf32>
    %get3A_164 = arith.constant 1 : i32
    %get3A_165 = arith.index_cast %get3A_164 : i32 to index
    %get3A_166 = arith.constant 48 : index
    %get3A_167 = tpu.vector_load %arg8[%get3A_165, %get3A_166] {strides = array<i32>} : memref<40x128xf32, #tpu.memory_space<vmem>>, vector<16xf32>,
    %mul3A_168 = arith.mulf %get3A_167, %get3A_70 : vector<16xf32>
    %add3A_169 = arith.addf %add3A_163, %mul3A_168 : vector<16xf32>
    %get3A_170 = arith.constant 1 : i32
    %get3A_171 = arith.index_cast %get3A_170 : i32 to index
    %get3A_172 = arith.constant 64 : index
    %get3A_173 = tpu.vector_load %arg8[%get3A_171, %get3A_172] {strides = array<i32>} : memref<40x128xf32, #tpu.memory_space<vmem>>, vector<16xf32>,
    %mul3A_174 = arith.mulf %get3A_173, %get3A_74 : vector<16xf32>
    %add3A_175 = arith.addf %add3A_169, %mul3A_174 : vector<16xf32>
    %get3A_176 = arith.constant 1 : i32
    %get3A_177 = arith.index_cast %get3A_176 : i32 to index
    %get3A_178 = arith.constant 80 : index
    %get3A_179 = tpu.vector_load %arg8[%get3A_177, %get3A_178] {strides = array<i32>} : memref<40x128xf32, #tpu.memory_space<vmem>>, vector<16xf32>,
    %mul3A_180 = arith.mulf %get3A_179, %get3A_78 : vector<16xf32>
    %add3A_181 = arith.addf %add3A_175, %mul3A_180 : vector<16xf32>
    %get3A_182 = arith.constant 1 : i32
    %get3A_183 = arith.index_cast %get3A_182 : i32 to index
    %get3A_184 = arith.constant 96 : index
    %get3A_185 = tpu.vector_load %arg8[%get3A_183, %get3A_184] {strides = array<i32>} : memref<40x128xf32, #tpu.memory_space<vmem>>, vector<16xf32>,
    %mul3A_186 = arith.mulf %get3A_185, %get3A_82 : vector<16xf32>
    %add3A_187 = arith.addf %add3A_181, %mul3A_186 : vector<16xf32>
    %get3A_188 = arith.constant 1 : i32
    %get3A_189 = arith.index_cast %get3A_188 : i32 to index
    %get3A_190 = arith.constant 112 : index
    %get3A_191 = tpu.vector_load %arg8[%get3A_189, %get3A_190] {strides = array<i32>} : memref<40x128xf32, #tpu.memory_space<vmem>>, vector<16xf32>,
    %mul3A_192 = arith.mulf %get3A_191, %get3A_86 : vector<16xf32>
    %add3A_193 = arith.addf %add3A_187, %mul3A_192 : vector<16xf32>
    %eq3A_194 = arith.constant 1 : i32
    %eq3A_195 = vector.broadcast %eq3A_194 : i32 to vector<16xi32>
    %eq3A_196 = arith.cmpi eq, %iota3A, %eq3A_195 : vector<16xi32>
    %reduce_sum3A_197 = arith.constant true
    %reduce_sum3A_198 = vector.broadcast %reduce_sum3A_197 : i1 to vector<16xi1>
    %reduce_sum3A_199 = tpu.scan <sum>, %add3A_193 masked %reduce_sum3A_198 : vector<16xf32>, vector<16xi1> -> vector<16xf32>
    %reduce_sum3A_200 = vector.extract %reduce_sum3A_199[15] : f32 from vector<16xf32>
    %broadcast_in_dim3A_201 = vector.broadcast %reduce_sum3A_200 : f32 to vector<16xf32>
    %select_n3A_202 = arith.select %eq3A_196, %broadcast_in_dim3A_201, %select_n3A : vector<16xi1>, vector<16xf32>
    %get3A_203 = arith.constant 2 : i32
    %get3A_204 = arith.index_cast %get3A_203 : i32 to index
    %get3A_205 = arith.constant 0 : index
    %get3A_206 = tpu.vector_load %arg8[%get3A_204, %get3A_205] {strides = array<i32>} : memref<40x128xf32, #tpu.memory_space<vmem>>, vector<16xf32>,
    %mul3A_207 = arith.mulf %get3A_206, %get3A_58 : vector<16xf32>
    %get3A_208 = arith.constant 2 : i32
    %get3A_209 = arith.index_cast %get3A_208 : i32 to index
    %get3A_210 = arith.constant 16 : index
    %get3A_211 = tpu.vector_load %arg8[%get3A_209, %get3A_210] {strides = array<i32>} : memref<40x128xf32, #tpu.memory_space<vmem>>, vector<16xf32>,
    %mul3A_212 = arith.mulf %get3A_211, %get3A_62 : vector<16xf32>
    %add3A_213 = arith.addf %mul3A_207, %mul3A_212 : vector<16xf32>
    %get3A_214 = arith.constant 2 : i32
    %get3A_215 = arith.index_cast %get3A_214 : i32 to index
    %get3A_216 = arith.constant 32 : index
    %get3A_217 = tpu.vector_load %arg8[%get3A_215, %get3A_216] {strides = array<i32>} : memref<40x128xf32, #tpu.memory_space<vmem>>, vector<16xf32>,
    %mul3A_218 = arith.mulf %get3A_217, %get3A_66 : vector<16xf32>
    %add3A_219 = arith.addf %add3A_213, %mul3A_218 : vector<16xf32>
    %get3A_220 = arith.constant 2 : i32
    %get3A_221 = arith.index_cast %get3A_220 : i32 to index
    %get3A_222 = arith.constant 48 : index
    %get3A_223 = tpu.vector_load %arg8[%get3A_221, %get3A_222] {strides = array<i32>} : memref<40x128xf32, #tpu.memory_space<vmem>>, vector<16xf32>,
    %mul3A_224 = arith.mulf %get3A_223, %get3A_70 : vector<16xf32>
    %add3A_225 = arith.addf %add3A_219, %mul3A_224 : vector<16xf32>
    %get3A_226 = arith.constant 2 : i32
    %get3A_227 = arith.index_cast %get3A_226 : i32 to index
    %get3A_228 = arith.constant 64 : index
    %get3A_229 = tpu.vector_load %arg8[%get3A_227, %get3A_228] {strides = array<i32>} : memref<40x128xf32, #tpu.memory_space<vmem>>, vector<16xf32>,
    %mul3A_230 = arith.mulf %get3A_229, %get3A_74 : vector<16xf32>
    %add3A_231 = arith.addf %add3A_225, %mul3A_230 : vector<16xf32>
    %get3A_232 = arith.constant 2 : i32
    %get3A_233 = arith.index_cast %get3A_232 : i32 to index
    %get3A_234 = arith.constant 80 : index
    %get3A_235 = tpu.vector_load %arg8[%get3A_233, %get3A_234] {strides = array<i32>} : memref<40x128xf32, #tpu.memory_space<vmem>>, vector<16xf32>,
    %mul3A_236 = arith.mulf %get3A_235, %get3A_78 : vector<16xf32>
    %add3A_237 = arith.addf %add3A_231, %mul3A_236 : vector<16xf32>
    %get3A_238 = arith.constant 2 : i32
    %get3A_239 = arith.index_cast %get3A_238 : i32 to index
    %get3A_240 = arith.constant 96 : index
    %get3A_241 = tpu.vector_load %arg8[%get3A_239, %get3A_240] {strides = array<i32>} : memref<40x128xf32, #tpu.memory_space<vmem>>, vector<16xf32>,
    %mul3A_242 = arith.mulf %get3A_241, %get3A_82 : vector<16xf32>
    %add3A_243 = arith.addf %add3A_237, %mul3A_242 : vector<16xf32>
    %get3A_244 = arith.constant 2 : i32
    %get3A_245 = arith.index_cast %get3A_244 : i32 to index
    %get3A_246 = arith.constant 112 : index
    %get3A_247 = tpu.vector_load %arg8[%get3A_245, %get3A_246] {strides = array<i32>} : memref<40x128xf32, #tpu.memory_space<vmem>>, vector<16xf32>,
    %mul3A_248 = arith.mulf %get3A_247, %get3A_86 : vector<16xf32>
    %add3A_249 = arith.addf %add3A_243, %mul3A_248 : vector<16xf32>
    %eq3A_250 = arith.constant 2 : i32
    %eq3A_251 = vector.broadcast %eq3A_250 : i32 to vector<16xi32>
    %eq3A_252 = arith.cmpi eq, %iota3A, %eq3A_251 : vector<16xi32>
    %reduce_sum3A_253 = arith.constant true
    %reduce_sum3A_254 = vector.broadcast %reduce_sum3A_253 : i1 to vector<16xi1>
    %reduce_sum3A_255 = tpu.scan <sum>, %add3A_249 masked %reduce_sum3A_254 : vector<16xf32>, vector<16xi1> -> vector<16xf32>
    %reduce_sum3A_256 = vector.extract %reduce_sum3A_255[15] : f32 from vector<16xf32>
    %broadcast_in_dim3A_257 = vector.broadcast %reduce_sum3A_256 : f32 to vector<16xf32>
    %select_n3A_258 = arith.select %eq3A_252, %broadcast_in_dim3A_257, %select_n3A_202 : vector<16xi1>, vector<16xf32>
    %get3A_259 = arith.constant 3 : i32
    %get3A_260 = arith.index_cast %get3A_259 : i32 to index
    %get3A_261 = arith.constant 0 : index
    %get3A_262 = tpu.vector_load %arg8[%get3A_260, %get3A_261] {strides = array<i32>} : memref<40x128xf32, #tpu.memory_space<vmem>>, vector<16xf32>,
    %mul3A_263 = arith.mulf %get3A_262, %get3A_58 : vector<16xf32>
    %get3A_264 = arith.constant 3 : i32
    %get3A_265 = arith.index_cast %get3A_264 : i32 to index
    %get3A_266 = arith.constant 16 : index
    %get3A_267 = tpu.vector_load %arg8[%get3A_265, %get3A_266] {strides = array<i32>} : memref<40x128xf32, #tpu.memory_space<vmem>>, vector<16xf32>,
    %mul3A_268 = arith.mulf %get3A_267, %get3A_62 : vector<16xf32>
    %add3A_269 = arith.addf %mul3A_263, %mul3A_268 : vector<16xf32>
    %get3A_270 = arith.constant 3 : i32
    %get3A_271 = arith.index_cast %get3A_270 : i32 to index
    %get3A_272 = arith.constant 32 : index
    %get3A_273 = tpu.vector_load %arg8[%get3A_271, %get3A_272] {strides = array<i32>} : memref<40x128xf32, #tpu.memory_space<vmem>>, vector<16xf32>,
    %mul3A_274 = arith.mulf %get3A_273, %get3A_66 : vector<16xf32>
    %add3A_275 = arith.addf %add3A_269, %mul3A_274 : vector<16xf32>
    %get3A_276 = arith.constant 3 : i32
    %get3A_277 = arith.index_cast %get3A_276 : i32 to index
    %get3A_278 = arith.constant 48 : index
    %get3A_279 = tpu.vector_load %arg8[%get3A_277, %get3A_278] {strides = array<i32>} : memref<40x128xf32, #tpu.memory_space<vmem>>, vector<16xf32>,
    %mul3A_280 = arith.mulf %get3A_279, %get3A_70 : vector<16xf32>
    %add3A_281 = arith.addf %add3A_275, %mul3A_280 : vector<16xf32>
    %get3A_282 = arith.constant 3 : i32
    %get3A_283 = arith.index_cast %get3A_282 : i32 to index
    %get3A_284 = arith.constant 64 : index
    %get3A_285 = tpu.vector_load %arg8[%get3A_283, %get3A_284] {strides = array<i32>} : memref<40x128xf32, #tpu.memory_space<vmem>>, vector<16xf32>,
    %mul3A_286 = arith.mulf %get3A_285, %get3A_74 : vector<16xf32>
    %add3A_287 = arith.addf %add3A_281, %mul3A_286 : vector<16xf32>
    %get3A_288 = arith.constant 3 : i32
    %get3A_289 = arith.index_cast %get3A_288 : i32 to index
    %get3A_290 = arith.constant 80 : index
    %get3A_291 = tpu.vector_load %arg8[%get3A_289, %get3A_290] {strides = array<i32>} : memref<40x128xf32, #tpu.memory_space<vmem>>, vector<16xf32>,
    %mul3A_292 = arith.mulf %get3A_291, %get3A_78 : vector<16xf32>
    %add3A_293 = arith.addf %add3A_287, %mul3A_292 : vector<16xf32>
    %get3A_294 = arith.constant 3 : i32
    %get3A_295 = arith.index_cast %get3A_294 : i32 to index
    %get3A_296 = arith.constant 96 : index
    %get3A_297 = tpu.vector_load %arg8[%get3A_295, %get3A_296] {strides = array<i32>} : memref<40x128xf32, #tpu.memory_space<vmem>>, vector<16xf32>,
    %mul3A_298 = arith.mulf %get3A_297, %get3A_82 : vector<16xf32>
    %add3A_299 = arith.addf %add3A_293, %mul3A_298 : vector<16xf32>
    %get3A_300 = arith.constant 3 : i32
    %get3A_301 = arith.index_cast %get3A_300 : i32 to index
    %get3A_302 = arith.constant 112 : index
    %get3A_303 = tpu.vector_load %arg8[%get3A_301, %get3A_302] {strides = array<i32>} : memref<40x128xf32, #tpu.memory_space<vmem>>, vector<16xf32>,
    %mul3A_304 = arith.mulf %get3A_303, %get3A_86 : vector<16xf32>
    %add3A_305 = arith.addf %add3A_299, %mul3A_304 : vector<16xf32>
    %eq3A_306 = arith.constant 3 : i32
    %eq3A_307 = vector.broadcast %eq3A_306 : i32 to vector<16xi32>
    %eq3A_308 = arith.cmpi eq, %iota3A, %eq3A_307 : vector<16xi32>
    %reduce_sum3A_309 = arith.constant true
    %reduce_sum3A_310 = vector.broadcast %reduce_sum3A_309 : i1 to vector<16xi1>
    %reduce_sum3A_311 = tpu.scan <sum>, %add3A_305 masked %reduce_sum3A_310 : vector<16xf32>, vector<16xi1> -> vector<16xf32>
    %reduce_sum3A_312 = vector.extract %reduce_sum3A_311[15] : f32 from vector<16xf32>
    %broadcast_in_dim3A_313 = vector.broadcast %reduce_sum3A_312 : f32 to vector<16xf32>
    %select_n3A_314 = arith.select %eq3A_308, %broadcast_in_dim3A_313, %select_n3A_258 : vector<16xi1>, vector<16xf32>
    %get3A_315 = arith.constant 4 : i32
    %get3A_316 = arith.index_cast %get3A_315 : i32 to index
    %get3A_317 = arith.constant 0 : index
    %get3A_318 = tpu.vector_load %arg8[%get3A_316, %get3A_317] {strides = array<i32>} : memref<40x128xf32, #tpu.memory_space<vmem>>, vector<16xf32>,
    %mul3A_319 = arith.mulf %get3A_318, %get3A_58 : vector<16xf32>
    %get3A_320 = arith.constant 4 : i32
    %get3A_321 = arith.index_cast %get3A_320 : i32 to index
    %get3A_322 = arith.constant 16 : index
    %get3A_323 = tpu.vector_load %arg8[%get3A_321, %get3A_322] {strides = array<i32>} : memref<40x128xf32, #tpu.memory_space<vmem>>, vector<16xf32>,
    %mul3A_324 = arith.mulf %get3A_323, %get3A_62 : vector<16xf32>
    %add3A_325 = arith.addf %mul3A_319, %mul3A_324 : vector<16xf32>
    %get3A_326 = arith.constant 4 : i32
    %get3A_327 = arith.index_cast %get3A_326 : i32 to index
    %get3A_328 = arith.constant 32 : index
    %get3A_329 = tpu.vector_load %arg8[%get3A_327, %get3A_328] {strides = array<i32>} : memref<40x128xf32, #tpu.memory_space<vmem>>, vector<16xf32>,
    %mul3A_330 = arith.mulf %get3A_329, %get3A_66 : vector<16xf32>
    %add3A_331 = arith.addf %add3A_325, %mul3A_330 : vector<16xf32>
    %get3A_332 = arith.constant 4 : i32
    %get3A_333 = arith.index_cast %get3A_332 : i32 to index
    %get3A_334 = arith.constant 48 : index
    %get3A_335 = tpu.vector_load %arg8[%get3A_333, %get3A_334] {strides = array<i32>} : memref<40x128xf32, #tpu.memory_space<vmem>>, vector<16xf32>,
    %mul3A_336 = arith.mulf %get3A_335, %get3A_70 : vector<16xf32>
    %add3A_337 = arith.addf %add3A_331, %mul3A_336 : vector<16xf32>
    %get3A_338 = arith.constant 4 : i32
    %get3A_339 = arith.index_cast %get3A_338 : i32 to index
    %get3A_340 = arith.constant 64 : index
    %get3A_341 = tpu.vector_load %arg8[%get3A_339, %get3A_340] {strides = array<i32>} : memref<40x128xf32, #tpu.memory_space<vmem>>, vector<16xf32>,
    %mul3A_342 = arith.mulf %get3A_341, %get3A_74 : vector<16xf32>
    %add3A_343 = arith.addf %add3A_337, %mul3A_342 : vector<16xf32>
    %get3A_344 = arith.constant 4 : i32
    %get3A_345 = arith.index_cast %get3A_344 : i32 to index
    %get3A_346 = arith.constant 80 : index
    %get3A_347 = tpu.vector_load %arg8[%get3A_345, %get3A_346] {strides = array<i32>} : memref<40x128xf32, #tpu.memory_space<vmem>>, vector<16xf32>,
    %mul3A_348 = arith.mulf %get3A_347, %get3A_78 : vector<16xf32>
    %add3A_349 = arith.addf %add3A_343, %mul3A_348 : vector<16xf32>
    %get3A_350 = arith.constant 4 : i32
    %get3A_351 = arith.index_cast %get3A_350 : i32 to index
    %get3A_352 = arith.constant 96 : index
    %get3A_353 = tpu.vector_load %arg8[%get3A_351, %get3A_352] {strides = array<i32>} : memref<40x128xf32, #tpu.memory_space<vmem>>, vector<16xf32>,
    %mul3A_354 = arith.mulf %get3A_353, %get3A_82 : vector<16xf32>
    %add3A_355 = arith.addf %add3A_349, %mul3A_354 : vector<16xf32>
    %get3A_356 = arith.constant 4 : i32
    %get3A_357 = arith.index_cast %get3A_356 : i32 to index
    %get3A_358 = arith.constant 112 : index
    %get3A_359 = tpu.vector_load %arg8[%get3A_357, %get3A_358] {strides = array<i32>} : memref<40x128xf32, #tpu.memory_space<vmem>>, vector<16xf32>,
    %mul3A_360 = arith.mulf %get3A_359, %get3A_86 : vector<16xf32>
    %add3A_361 = arith.addf %add3A_355, %mul3A_360 : vector<16xf32>
    %eq3A_362 = arith.constant 4 : i32
    %eq3A_363 = vector.broadcast %eq3A_362 : i32 to vector<16xi32>
    %eq3A_364 = arith.cmpi eq, %iota3A, %eq3A_363 : vector<16xi32>
    %reduce_sum3A_365 = arith.constant true
    %reduce_sum3A_366 = vector.broadcast %reduce_sum3A_365 : i1 to vector<16xi1>
    %reduce_sum3A_367 = tpu.scan <sum>, %add3A_361 masked %reduce_sum3A_366 : vector<16xf32>, vector<16xi1> -> vector<16xf32>
    %reduce_sum3A_368 = vector.extract %reduce_sum3A_367[15] : f32 from vector<16xf32>
    %broadcast_in_dim3A_369 = vector.broadcast %reduce_sum3A_368 : f32 to vector<16xf32>
    %select_n3A_370 = arith.select %eq3A_364, %broadcast_in_dim3A_369, %select_n3A_314 : vector<16xi1>, vector<16xf32>
    %get3A_371 = arith.constant 5 : i32
    %get3A_372 = arith.index_cast %get3A_371 : i32 to index
    %get3A_373 = arith.constant 0 : index
    %get3A_374 = tpu.vector_load %arg8[%get3A_372, %get3A_373] {strides = array<i32>} : memref<40x128xf32, #tpu.memory_space<vmem>>, vector<16xf32>,
    %mul3A_375 = arith.mulf %get3A_374, %get3A_58 : vector<16xf32>
    %get3A_376 = arith.constant 5 : i32
    %get3A_377 = arith.index_cast %get3A_376 : i32 to index
    %get3A_378 = arith.constant 16 : index
    %get3A_379 = tpu.vector_load %arg8[%get3A_377, %get3A_378] {strides = array<i32>} : memref<40x128xf32, #tpu.memory_space<vmem>>, vector<16xf32>,
    %mul3A_380 = arith.mulf %get3A_379, %get3A_62 : vector<16xf32>
    %add3A_381 = arith.addf %mul3A_375, %mul3A_380 : vector<16xf32>
    %get3A_382 = arith.constant 5 : i32
    %get3A_383 = arith.index_cast %get3A_382 : i32 to index
    %get3A_384 = arith.constant 32 : index
    %get3A_385 = tpu.vector_load %arg8[%get3A_383, %get3A_384] {strides = array<i32>} : memref<40x128xf32, #tpu.memory_space<vmem>>, vector<16xf32>,
    %mul3A_386 = arith.mulf %get3A_385, %get3A_66 : vector<16xf32>
    %add3A_387 = arith.addf %add3A_381, %mul3A_386 : vector<16xf32>
    %get3A_388 = arith.constant 5 : i32
    %get3A_389 = arith.index_cast %get3A_388 : i32 to index
    %get3A_390 = arith.constant 48 : index
    %get3A_391 = tpu.vector_load %arg8[%get3A_389, %get3A_390] {strides = array<i32>} : memref<40x128xf32, #tpu.memory_space<vmem>>, vector<16xf32>,
    %mul3A_392 = arith.mulf %get3A_391, %get3A_70 : vector<16xf32>
    %add3A_393 = arith.addf %add3A_387, %mul3A_392 : vector<16xf32>
    %get3A_394 = arith.constant 5 : i32
    %get3A_395 = arith.index_cast %get3A_394 : i32 to index
    %get3A_396 = arith.constant 64 : index
    %get3A_397 = tpu.vector_load %arg8[%get3A_395, %get3A_396] {strides = array<i32>} : memref<40x128xf32, #tpu.memory_space<vmem>>, vector<16xf32>,
    %mul3A_398 = arith.mulf %get3A_397, %get3A_74 : vector<16xf32>
    %add3A_399 = arith.addf %add3A_393, %mul3A_398 : vector<16xf32>
    %get3A_400 = arith.constant 5 : i32
    %get3A_401 = arith.index_cast %get3A_400 : i32 to index
    %get3A_402 = arith.constant 80 : index
    %get3A_403 = tpu.vector_load %arg8[%get3A_401, %get3A_402] {strides = array<i32>} : memref<40x128xf32, #tpu.memory_space<vmem>>, vector<16xf32>,
    %mul3A_404 = arith.mulf %get3A_403, %get3A_78 : vector<16xf32>
    %add3A_405 = arith.addf %add3A_399, %mul3A_404 : vector<16xf32>
    %get3A_406 = arith.constant 5 : i32
    %get3A_407 = arith.index_cast %get3A_406 : i32 to index
    %get3A_408 = arith.constant 96 : index
    %get3A_409 = tpu.vector_load %arg8[%get3A_407, %get3A_408] {strides = array<i32>} : memref<40x128xf32, #tpu.memory_space<vmem>>, vector<16xf32>,
    %mul3A_410 = arith.mulf %get3A_409, %get3A_82 : vector<16xf32>
    %add3A_411 = arith.addf %add3A_405, %mul3A_410 : vector<16xf32>
    %get3A_412 = arith.constant 5 : i32
    %get3A_413 = arith.index_cast %get3A_412 : i32 to index
    %get3A_414 = arith.constant 112 : index
    %get3A_415 = tpu.vector_load %arg8[%get3A_413, %get3A_414] {strides = array<i32>} : memref<40x128xf32, #tpu.memory_space<vmem>>, vector<16xf32>,
    %mul3A_416 = arith.mulf %get3A_415, %get3A_86 : vector<16xf32>
    %add3A_417 = arith.addf %add3A_411, %mul3A_416 : vector<16xf32>
    %eq3A_418 = arith.constant 5 : i32
    %eq3A_419 = vector.broadcast %eq3A_418 : i32 to vector<16xi32>
    %eq3A_420 = arith.cmpi eq, %iota3A, %eq3A_419 : vector<16xi32>
    %reduce_sum3A_421 = arith.constant true
    %reduce_sum3A_422 = vector.broadcast %reduce_sum3A_421 : i1 to vector<16xi1>
    %reduce_sum3A_423 = tpu.scan <sum>, %add3A_417 masked %reduce_sum3A_422 : vector<16xf32>, vector<16xi1> -> vector<16xf32>
    %reduce_sum3A_424 = vector.extract %reduce_sum3A_423[15] : f32 from vector<16xf32>
    %broadcast_in_dim3A_425 = vector.broadcast %reduce_sum3A_424 : f32 to vector<16xf32>
    %select_n3A_426 = arith.select %eq3A_420, %broadcast_in_dim3A_425, %select_n3A_370 : vector<16xi1>, vector<16xf32>
    %get3A_427 = arith.constant 6 : i32
    %get3A_428 = arith.index_cast %get3A_427 : i32 to index
    %get3A_429 = arith.constant 0 : index
    %get3A_430 = tpu.vector_load %arg8[%get3A_428, %get3A_429] {strides = array<i32>} : memref<40x128xf32, #tpu.memory_space<vmem>>, vector<16xf32>,
    %mul3A_431 = arith.mulf %get3A_430, %get3A_58 : vector<16xf32>
    %get3A_432 = arith.constant 6 : i32
    %get3A_433 = arith.index_cast %get3A_432 : i32 to index
    %get3A_434 = arith.constant 16 : index
    %get3A_435 = tpu.vector_load %arg8[%get3A_433, %get3A_434] {strides = array<i32>} : memref<40x128xf32, #tpu.memory_space<vmem>>, vector<16xf32>,
    %mul3A_436 = arith.mulf %get3A_435, %get3A_62 : vector<16xf32>
    %add3A_437 = arith.addf %mul3A_431, %mul3A_436 : vector<16xf32>
    %get3A_438 = arith.constant 6 : i32
    %get3A_439 = arith.index_cast %get3A_438 : i32 to index
    %get3A_440 = arith.constant 32 : index
    %get3A_441 = tpu.vector_load %arg8[%get3A_439, %get3A_440] {strides = array<i32>} : memref<40x128xf32, #tpu.memory_space<vmem>>, vector<16xf32>,
    %mul3A_442 = arith.mulf %get3A_441, %get3A_66 : vector<16xf32>
    %add3A_443 = arith.addf %add3A_437, %mul3A_442 : vector<16xf32>
    %get3A_444 = arith.constant 6 : i32
    %get3A_445 = arith.index_cast %get3A_444 : i32 to index
    %get3A_446 = arith.constant 48 : index
    %get3A_447 = tpu.vector_load %arg8[%get3A_445, %get3A_446] {strides = array<i32>} : memref<40x128xf32, #tpu.memory_space<vmem>>, vector<16xf32>,
    %mul3A_448 = arith.mulf %get3A_447, %get3A_70 : vector<16xf32>
    %add3A_449 = arith.addf %add3A_443, %mul3A_448 : vector<16xf32>
    %get3A_450 = arith.constant 6 : i32
    %get3A_451 = arith.index_cast %get3A_450 : i32 to index
    %get3A_452 = arith.constant 64 : index
    %get3A_453 = tpu.vector_load %arg8[%get3A_451, %get3A_452] {strides = array<i32>} : memref<40x128xf32, #tpu.memory_space<vmem>>, vector<16xf32>,
    %mul3A_454 = arith.mulf %get3A_453, %get3A_74 : vector<16xf32>
    %add3A_455 = arith.addf %add3A_449, %mul3A_454 : vector<16xf32>
    %get3A_456 = arith.constant 6 : i32
    %get3A_457 = arith.index_cast %get3A_456 : i32 to index
    %get3A_458 = arith.constant 80 : index
    %get3A_459 = tpu.vector_load %arg8[%get3A_457, %get3A_458] {strides = array<i32>} : memref<40x128xf32, #tpu.memory_space<vmem>>, vector<16xf32>,
    %mul3A_460 = arith.mulf %get3A_459, %get3A_78 : vector<16xf32>
    %add3A_461 = arith.addf %add3A_455, %mul3A_460 : vector<16xf32>
    %get3A_462 = arith.constant 6 : i32
    %get3A_463 = arith.index_cast %get3A_462 : i32 to index
    %get3A_464 = arith.constant 96 : index
    %get3A_465 = tpu.vector_load %arg8[%get3A_463, %get3A_464] {strides = array<i32>} : memref<40x128xf32, #tpu.memory_space<vmem>>, vector<16xf32>,
    %mul3A_466 = arith.mulf %get3A_465, %get3A_82 : vector<16xf32>
    %add3A_467 = arith.addf %add3A_461, %mul3A_466 : vector<16xf32>
    %get3A_468 = arith.constant 6 : i32
    %get3A_469 = arith.index_cast %get3A_468 : i32 to index
    %get3A_470 = arith.constant 112 : index
    %get3A_471 = tpu.vector_load %arg8[%get3A_469, %get3A_470] {strides = array<i32>} : memref<40x128xf32, #tpu.memory_space<vmem>>, vector<16xf32>,
    %mul3A_472 = arith.mulf %get3A_471, %get3A_86 : vector<16xf32>
    %add3A_473 = arith.addf %add3A_467, %mul3A_472 : vector<16xf32>
    %eq3A_474 = arith.constant 6 : i32
    %eq3A_475 = vector.broadcast %eq3A_474 : i32 to vector<16xi32>
    %eq3A_476 = arith.cmpi eq, %iota3A, %eq3A_475 : vector<16xi32>
    %reduce_sum3A_477 = arith.constant true
    %reduce_sum3A_478 = vector.broadcast %reduce_sum3A_477 : i1 to vector<16xi1>
    %reduce_sum3A_479 = tpu.scan <sum>, %add3A_473 masked %reduce_sum3A_478 : vector<16xf32>, vector<16xi1> -> vector<16xf32>
    %reduce_sum3A_480 = vector.extract %reduce_sum3A_479[15] : f32 from vector<16xf32>
    %broadcast_in_dim3A_481 = vector.broadcast %reduce_sum3A_480 : f32 to vector<16xf32>
    %select_n3A_482 = arith.select %eq3A_476, %broadcast_in_dim3A_481, %select_n3A_426 : vector<16xi1>, vector<16xf32>
    %get3A_483 = arith.constant 7 : i32
    %get3A_484 = arith.index_cast %get3A_483 : i32 to index
    %get3A_485 = arith.constant 0 : index
    %get3A_486 = tpu.vector_load %arg8[%get3A_484, %get3A_485] {strides = array<i32>} : memref<40x128xf32, #tpu.memory_space<vmem>>, vector<16xf32>,
    %mul3A_487 = arith.mulf %get3A_486, %get3A_58 : vector<16xf32>
    %get3A_488 = arith.constant 7 : i32
    %get3A_489 = arith.index_cast %get3A_488 : i32 to index
    %get3A_490 = arith.constant 16 : index
    %get3A_491 = tpu.vector_load %arg8[%get3A_489, %get3A_490] {strides = array<i32>} : memref<40x128xf32, #tpu.memory_space<vmem>>, vector<16xf32>,
    %mul3A_492 = arith.mulf %get3A_491, %get3A_62 : vector<16xf32>
    %add3A_493 = arith.addf %mul3A_487, %mul3A_492 : vector<16xf32>
    %get3A_494 = arith.constant 7 : i32
    %get3A_495 = arith.index_cast %get3A_494 : i32 to index
    %get3A_496 = arith.constant 32 : index
    %get3A_497 = tpu.vector_load %arg8[%get3A_495, %get3A_496] {strides = array<i32>} : memref<40x128xf32, #tpu.memory_space<vmem>>, vector<16xf32>,
    %mul3A_498 = arith.mulf %get3A_497, %get3A_66 : vector<16xf32>
    %add3A_499 = arith.addf %add3A_493, %mul3A_498 : vector<16xf32>
    %get3A_500 = arith.constant 7 : i32
    %get3A_501 = arith.index_cast %get3A_500 : i32 to index
    %get3A_502 = arith.constant 48 : index
    %get3A_503 = tpu.vector_load %arg8[%get3A_501, %get3A_502] {strides = array<i32>} : memref<40x128xf32, #tpu.memory_space<vmem>>, vector<16xf32>,
    %mul3A_504 = arith.mulf %get3A_503, %get3A_70 : vector<16xf32>
    %add3A_505 = arith.addf %add3A_499, %mul3A_504 : vector<16xf32>
    %get3A_506 = arith.constant 7 : i32
    %get3A_507 = arith.index_cast %get3A_506 : i32 to index
    %get3A_508 = arith.constant 64 : index
    %get3A_509 = tpu.vector_load %arg8[%get3A_507, %get3A_508] {strides = array<i32>} : memref<40x128xf32, #tpu.memory_space<vmem>>, vector<16xf32>,
    %mul3A_510 = arith.mulf %get3A_509, %get3A_74 : vector<16xf32>
    %add3A_511 = arith.addf %add3A_505, %mul3A_510 : vector<16xf32>
    %get3A_512 = arith.constant 7 : i32
    %get3A_513 = arith.index_cast %get3A_512 : i32 to index
    %get3A_514 = arith.constant 80 : index
    %get3A_515 = tpu.vector_load %arg8[%get3A_513, %get3A_514] {strides = array<i32>} : memref<40x128xf32, #tpu.memory_space<vmem>>, vector<16xf32>,
    %mul3A_516 = arith.mulf %get3A_515, %get3A_78 : vector<16xf32>
    %add3A_517 = arith.addf %add3A_511, %mul3A_516 : vector<16xf32>
    %get3A_518 = arith.constant 7 : i32
    %get3A_519 = arith.index_cast %get3A_518 : i32 to index
    %get3A_520 = arith.constant 96 : index
    %get3A_521 = tpu.vector_load %arg8[%get3A_519, %get3A_520] {strides = array<i32>} : memref<40x128xf32, #tpu.memory_space<vmem>>, vector<16xf32>,
    %mul3A_522 = arith.mulf %get3A_521, %get3A_82 : vector<16xf32>
    %add3A_523 = arith.addf %add3A_517, %mul3A_522 : vector<16xf32>
    %get3A_524 = arith.constant 7 : i32
    %get3A_525 = arith.index_cast %get3A_524 : i32 to index
    %get3A_526 = arith.constant 112 : index
    %get3A_527 = tpu.vector_load %arg8[%get3A_525, %get3A_526] {strides = array<i32>} : memref<40x128xf32, #tpu.memory_space<vmem>>, vector<16xf32>,
    %mul3A_528 = arith.mulf %get3A_527, %get3A_86 : vector<16xf32>
    %add3A_529 = arith.addf %add3A_523, %mul3A_528 : vector<16xf32>
    %eq3A_530 = arith.constant 7 : i32
    %eq3A_531 = vector.broadcast %eq3A_530 : i32 to vector<16xi32>
    %eq3A_532 = arith.cmpi eq, %iota3A, %eq3A_531 : vector<16xi32>
    %reduce_sum3A_533 = arith.constant true
    %reduce_sum3A_534 = vector.broadcast %reduce_sum3A_533 : i1 to vector<16xi1>
    %reduce_sum3A_535 = tpu.scan <sum>, %add3A_529 masked %reduce_sum3A_534 : vector<16xf32>, vector<16xi1> -> vector<16xf32>
    %reduce_sum3A_536 = vector.extract %reduce_sum3A_535[15] : f32 from vector<16xf32>
    %broadcast_in_dim3A_537 = vector.broadcast %reduce_sum3A_536 : f32 to vector<16xf32>
    %select_n3A_538 = arith.select %eq3A_532, %broadcast_in_dim3A_537, %select_n3A_482 : vector<16xi1>, vector<16xf32>
    %get3A_539 = arith.constant 8 : i32
    %get3A_540 = arith.index_cast %get3A_539 : i32 to index
    %get3A_541 = arith.constant 0 : index
    %get3A_542 = tpu.vector_load %arg8[%get3A_540, %get3A_541] {strides = array<i32>} : memref<40x128xf32, #tpu.memory_space<vmem>>, vector<16xf32>,
    %mul3A_543 = arith.mulf %get3A_542, %get3A_58 : vector<16xf32>
    %get3A_544 = arith.constant 8 : i32
    %get3A_545 = arith.index_cast %get3A_544 : i32 to index
    %get3A_546 = arith.constant 16 : index
    %get3A_547 = tpu.vector_load %arg8[%get3A_545, %get3A_546] {strides = array<i32>} : memref<40x128xf32, #tpu.memory_space<vmem>>, vector<16xf32>,
    %mul3A_548 = arith.mulf %get3A_547, %get3A_62 : vector<16xf32>
    %add3A_549 = arith.addf %mul3A_543, %mul3A_548 : vector<16xf32>
    %get3A_550 = arith.constant 8 : i32
    %get3A_551 = arith.index_cast %get3A_550 : i32 to index
    %get3A_552 = arith.constant 32 : index
    %get3A_553 = tpu.vector_load %arg8[%get3A_551, %get3A_552] {strides = array<i32>} : memref<40x128xf32, #tpu.memory_space<vmem>>, vector<16xf32>,
    %mul3A_554 = arith.mulf %get3A_553, %get3A_66 : vector<16xf32>
    %add3A_555 = arith.addf %add3A_549, %mul3A_554 : vector<16xf32>
    %get3A_556 = arith.constant 8 : i32
    %get3A_557 = arith.index_cast %get3A_556 : i32 to index
    %get3A_558 = arith.constant 48 : index
    %get3A_559 = tpu.vector_load %arg8[%get3A_557, %get3A_558] {strides = array<i32>} : memref<40x128xf32, #tpu.memory_space<vmem>>, vector<16xf32>,
    %mul3A_560 = arith.mulf %get3A_559, %get3A_70 : vector<16xf32>
    %add3A_561 = arith.addf %add3A_555, %mul3A_560 : vector<16xf32>
    %get3A_562 = arith.constant 8 : i32
    %get3A_563 = arith.index_cast %get3A_562 : i32 to index
    %get3A_564 = arith.constant 64 : index
    %get3A_565 = tpu.vector_load %arg8[%get3A_563, %get3A_564] {strides = array<i32>} : memref<40x128xf32, #tpu.memory_space<vmem>>, vector<16xf32>,
    %mul3A_566 = arith.mulf %get3A_565, %get3A_74 : vector<16xf32>
    %add3A_567 = arith.addf %add3A_561, %mul3A_566 : vector<16xf32>
    %get3A_568 = arith.constant 8 : i32
    %get3A_569 = arith.index_cast %get3A_568 : i32 to index
    %get3A_570 = arith.constant 80 : index
    %get3A_571 = tpu.vector_load %arg8[%get3A_569, %get3A_570] {strides = array<i32>} : memref<40x128xf32, #tpu.memory_space<vmem>>, vector<16xf32>,
    %mul3A_572 = arith.mulf %get3A_571, %get3A_78 : vector<16xf32>
    %add3A_573 = arith.addf %add3A_567, %mul3A_572 : vector<16xf32>
    %get3A_574 = arith.constant 8 : i32
    %get3A_575 = arith.index_cast %get3A_574 : i32 to index
    %get3A_576 = arith.constant 96 : index
    %get3A_577 = tpu.vector_load %arg8[%get3A_575, %get3A_576] {strides = array<i32>} : memref<40x128xf32, #tpu.memory_space<vmem>>, vector<16xf32>,
    %mul3A_578 = arith.mulf %get3A_577, %get3A_82 : vector<16xf32>
    %add3A_579 = arith.addf %add3A_573, %mul3A_578 : vector<16xf32>
    %get3A_580 = arith.constant 8 : i32
    %get3A_581 = arith.index_cast %get3A_580 : i32 to index
    %get3A_582 = arith.constant 112 : index
    %get3A_583 = tpu.vector_load %arg8[%get3A_581, %get3A_582] {strides = array<i32>} : memref<40x128xf32, #tpu.memory_space<vmem>>, vector<16xf32>,
    %mul3A_584 = arith.mulf %get3A_583, %get3A_86 : vector<16xf32>
    %add3A_585 = arith.addf %add3A_579, %mul3A_584 : vector<16xf32>
    %eq3A_586 = arith.constant 8 : i32
    %eq3A_587 = vector.broadcast %eq3A_586 : i32 to vector<16xi32>
    %eq3A_588 = arith.cmpi eq, %iota3A, %eq3A_587 : vector<16xi32>
    %reduce_sum3A_589 = arith.constant true
    %reduce_sum3A_590 = vector.broadcast %reduce_sum3A_589 : i1 to vector<16xi1>
    %reduce_sum3A_591 = tpu.scan <sum>, %add3A_585 masked %reduce_sum3A_590 : vector<16xf32>, vector<16xi1> -> vector<16xf32>
    %reduce_sum3A_592 = vector.extract %reduce_sum3A_591[15] : f32 from vector<16xf32>
    %broadcast_in_dim3A_593 = vector.broadcast %reduce_sum3A_592 : f32 to vector<16xf32>
    %select_n3A_594 = arith.select %eq3A_588, %broadcast_in_dim3A_593, %select_n3A_538 : vector<16xi1>, vector<16xf32>
    %get3A_595 = arith.constant 9 : i32
    %get3A_596 = arith.index_cast %get3A_595 : i32 to index
    %get3A_597 = arith.constant 0 : index
    %get3A_598 = tpu.vector_load %arg8[%get3A_596, %get3A_597] {strides = array<i32>} : memref<40x128xf32, #tpu.memory_space<vmem>>, vector<16xf32>,
    %mul3A_599 = arith.mulf %get3A_598, %get3A_58 : vector<16xf32>
    %get3A_600 = arith.constant 9 : i32
    %get3A_601 = arith.index_cast %get3A_600 : i32 to index
    %get3A_602 = arith.constant 16 : index
    %get3A_603 = tpu.vector_load %arg8[%get3A_601, %get3A_602] {strides = array<i32>} : memref<40x128xf32, #tpu.memory_space<vmem>>, vector<16xf32>,
    %mul3A_604 = arith.mulf %get3A_603, %get3A_62 : vector<16xf32>
    %add3A_605 = arith.addf %mul3A_599, %mul3A_604 : vector<16xf32>
    %get3A_606 = arith.constant 9 : i32
    %get3A_607 = arith.index_cast %get3A_606 : i32 to index
    %get3A_608 = arith.constant 32 : index
    %get3A_609 = tpu.vector_load %arg8[%get3A_607, %get3A_608] {strides = array<i32>} : memref<40x128xf32, #tpu.memory_space<vmem>>, vector<16xf32>,
    %mul3A_610 = arith.mulf %get3A_609, %get3A_66 : vector<16xf32>
    %add3A_611 = arith.addf %add3A_605, %mul3A_610 : vector<16xf32>
    %get3A_612 = arith.constant 9 : i32
    %get3A_613 = arith.index_cast %get3A_612 : i32 to index
    %get3A_614 = arith.constant 48 : index
    %get3A_615 = tpu.vector_load %arg8[%get3A_613, %get3A_614] {strides = array<i32>} : memref<40x128xf32, #tpu.memory_space<vmem>>, vector<16xf32>,
    %mul3A_616 = arith.mulf %get3A_615, %get3A_70 : vector<16xf32>
    %add3A_617 = arith.addf %add3A_611, %mul3A_616 : vector<16xf32>
    %get3A_618 = arith.constant 9 : i32
    %get3A_619 = arith.index_cast %get3A_618 : i32 to index
    %get3A_620 = arith.constant 64 : index
    %get3A_621 = tpu.vector_load %arg8[%get3A_619, %get3A_620] {strides = array<i32>} : memref<40x128xf32, #tpu.memory_space<vmem>>, vector<16xf32>,
    %mul3A_622 = arith.mulf %get3A_621, %get3A_74 : vector<16xf32>
    %add3A_623 = arith.addf %add3A_617, %mul3A_622 : vector<16xf32>
    %get3A_624 = arith.constant 9 : i32
    %get3A_625 = arith.index_cast %get3A_624 : i32 to index
    %get3A_626 = arith.constant 80 : index
    %get3A_627 = tpu.vector_load %arg8[%get3A_625, %get3A_626] {strides = array<i32>} : memref<40x128xf32, #tpu.memory_space<vmem>>, vector<16xf32>,
    %mul3A_628 = arith.mulf %get3A_627, %get3A_78 : vector<16xf32>
    %add3A_629 = arith.addf %add3A_623, %mul3A_628 : vector<16xf32>
    %get3A_630 = arith.constant 9 : i32
    %get3A_631 = arith.index_cast %get3A_630 : i32 to index
    %get3A_632 = arith.constant 96 : index
    %get3A_633 = tpu.vector_load %arg8[%get3A_631, %get3A_632] {strides = array<i32>} : memref<40x128xf32, #tpu.memory_space<vmem>>, vector<16xf32>,
    %mul3A_634 = arith.mulf %get3A_633, %get3A_82 : vector<16xf32>
    %add3A_635 = arith.addf %add3A_629, %mul3A_634 : vector<16xf32>
    %get3A_636 = arith.constant 9 : i32
    %get3A_637 = arith.index_cast %get3A_636 : i32 to index
    %get3A_638 = arith.constant 112 : index
    %get3A_639 = tpu.vector_load %arg8[%get3A_637, %get3A_638] {strides = array<i32>} : memref<40x128xf32, #tpu.memory_space<vmem>>, vector<16xf32>,
    %mul3A_640 = arith.mulf %get3A_639, %get3A_86 : vector<16xf32>
    %add3A_641 = arith.addf %add3A_635, %mul3A_640 : vector<16xf32>
    %eq3A_642 = arith.constant 9 : i32
    %eq3A_643 = vector.broadcast %eq3A_642 : i32 to vector<16xi32>
    %eq3A_644 = arith.cmpi eq, %iota3A, %eq3A_643 : vector<16xi32>
    %reduce_sum3A_645 = arith.constant true
    %reduce_sum3A_646 = vector.broadcast %reduce_sum3A_645 : i1 to vector<16xi1>
    %reduce_sum3A_647 = tpu.scan <sum>, %add3A_641 masked %reduce_sum3A_646 : vector<16xf32>, vector<16xi1> -> vector<16xf32>
    %reduce_sum3A_648 = vector.extract %reduce_sum3A_647[15] : f32 from vector<16xf32>
    %broadcast_in_dim3A_649 = vector.broadcast %reduce_sum3A_648 : f32 to vector<16xf32>
    %select_n3A_650 = arith.select %eq3A_644, %broadcast_in_dim3A_649, %select_n3A_594 : vector<16xi1>, vector<16xf32>
    %get3A_651 = arith.constant 10 : i32
    %get3A_652 = arith.index_cast %get3A_651 : i32 to index
    %get3A_653 = arith.constant 0 : index
    %get3A_654 = tpu.vector_load %arg8[%get3A_652, %get3A_653] {strides = array<i32>} : memref<40x128xf32, #tpu.memory_space<vmem>>, vector<16xf32>,
    %mul3A_655 = arith.mulf %get3A_654, %get3A_58 : vector<16xf32>
    %get3A_656 = arith.constant 10 : i32
    %get3A_657 = arith.index_cast %get3A_656 : i32 to index
    %get3A_658 = arith.constant 16 : index
    %get3A_659 = tpu.vector_load %arg8[%get3A_657, %get3A_658] {strides = array<i32>} : memref<40x128xf32, #tpu.memory_space<vmem>>, vector<16xf32>,
    %mul3A_660 = arith.mulf %get3A_659, %get3A_62 : vector<16xf32>
    %add3A_661 = arith.addf %mul3A_655, %mul3A_660 : vector<16xf32>
    %get3A_662 = arith.constant 10 : i32
    %get3A_663 = arith.index_cast %get3A_662 : i32 to index
    %get3A_664 = arith.constant 32 : index
    %get3A_665 = tpu.vector_load %arg8[%get3A_663, %get3A_664] {strides = array<i32>} : memref<40x128xf32, #tpu.memory_space<vmem>>, vector<16xf32>,
    %mul3A_666 = arith.mulf %get3A_665, %get3A_66 : vector<16xf32>
    %add3A_667 = arith.addf %add3A_661, %mul3A_666 : vector<16xf32>
    %get3A_668 = arith.constant 10 : i32
    %get3A_669 = arith.index_cast %get3A_668 : i32 to index
    %get3A_670 = arith.constant 48 : index
    %get3A_671 = tpu.vector_load %arg8[%get3A_669, %get3A_670] {strides = array<i32>} : memref<40x128xf32, #tpu.memory_space<vmem>>, vector<16xf32>,
    %mul3A_672 = arith.mulf %get3A_671, %get3A_70 : vector<16xf32>
    %add3A_673 = arith.addf %add3A_667, %mul3A_672 : vector<16xf32>
    %get3A_674 = arith.constant 10 : i32
    %get3A_675 = arith.index_cast %get3A_674 : i32 to index
    %get3A_676 = arith.constant 64 : index
    %get3A_677 = tpu.vector_load %arg8[%get3A_675, %get3A_676] {strides = array<i32>} : memref<40x128xf32, #tpu.memory_space<vmem>>, vector<16xf32>,
    %mul3A_678 = arith.mulf %get3A_677, %get3A_74 : vector<16xf32>
    %add3A_679 = arith.addf %add3A_673, %mul3A_678 : vector<16xf32>
    %get3A_680 = arith.constant 10 : i32
    %get3A_681 = arith.index_cast %get3A_680 : i32 to index
    %get3A_682 = arith.constant 80 : index
    %get3A_683 = tpu.vector_load %arg8[%get3A_681, %get3A_682] {strides = array<i32>} : memref<40x128xf32, #tpu.memory_space<vmem>>, vector<16xf32>,
    %mul3A_684 = arith.mulf %get3A_683, %get3A_78 : vector<16xf32>
    %add3A_685 = arith.addf %add3A_679, %mul3A_684 : vector<16xf32>
    %get3A_686 = arith.constant 10 : i32
    %get3A_687 = arith.index_cast %get3A_686 : i32 to index
    %get3A_688 = arith.constant 96 : index
    %get3A_689 = tpu.vector_load %arg8[%get3A_687, %get3A_688] {strides = array<i32>} : memref<40x128xf32, #tpu.memory_space<vmem>>, vector<16xf32>,
    %mul3A_690 = arith.mulf %get3A_689, %get3A_82 : vector<16xf32>
    %add3A_691 = arith.addf %add3A_685, %mul3A_690 : vector<16xf32>
    %get3A_692 = arith.constant 10 : i32
    %get3A_693 = arith.index_cast %get3A_692 : i32 to index
    %get3A_694 = arith.constant 112 : index
    %get3A_695 = tpu.vector_load %arg8[%get3A_693, %get3A_694] {strides = array<i32>} : memref<40x128xf32, #tpu.memory_space<vmem>>, vector<16xf32>,
    %mul3A_696 = arith.mulf %get3A_695, %get3A_86 : vector<16xf32>
    %add3A_697 = arith.addf %add3A_691, %mul3A_696 : vector<16xf32>
    %eq3A_698 = arith.constant 10 : i32
    %eq3A_699 = vector.broadcast %eq3A_698 : i32 to vector<16xi32>
    %eq3A_700 = arith.cmpi eq, %iota3A, %eq3A_699 : vector<16xi32>
    %reduce_sum3A_701 = arith.constant true
    %reduce_sum3A_702 = vector.broadcast %reduce_sum3A_701 : i1 to vector<16xi1>
    %reduce_sum3A_703 = tpu.scan <sum>, %add3A_697 masked %reduce_sum3A_702 : vector<16xf32>, vector<16xi1> -> vector<16xf32>
    %reduce_sum3A_704 = vector.extract %reduce_sum3A_703[15] : f32 from vector<16xf32>
    %broadcast_in_dim3A_705 = vector.broadcast %reduce_sum3A_704 : f32 to vector<16xf32>
    %select_n3A_706 = arith.select %eq3A_700, %broadcast_in_dim3A_705, %select_n3A_650 : vector<16xi1>, vector<16xf32>
    %get3A_707 = arith.constant 11 : i32
    %get3A_708 = arith.index_cast %get3A_707 : i32 to index
    %get3A_709 = arith.constant 0 : index
    %get3A_710 = tpu.vector_load %arg8[%get3A_708, %get3A_709] {strides = array<i32>} : memref<40x128xf32, #tpu.memory_space<vmem>>, vector<16xf32>,
    %mul3A_711 = arith.mulf %get3A_710, %get3A_58 : vector<16xf32>
    %get3A_712 = arith.constant 11 : i32
    %get3A_713 = arith.index_cast %get3A_712 : i32 to index
    %get3A_714 = arith.constant 16 : index
    %get3A_715 = tpu.vector_load %arg8[%get3A_713, %get3A_714] {strides = array<i32>} : memref<40x128xf32, #tpu.memory_space<vmem>>, vector<16xf32>,
    %mul3A_716 = arith.mulf %get3A_715, %get3A_62 : vector<16xf32>
    %add3A_717 = arith.addf %mul3A_711, %mul3A_716 : vector<16xf32>
    %get3A_718 = arith.constant 11 : i32
    %get3A_719 = arith.index_cast %get3A_718 : i32 to index
    %get3A_720 = arith.constant 32 : index
    %get3A_721 = tpu.vector_load %arg8[%get3A_719, %get3A_720] {strides = array<i32>} : memref<40x128xf32, #tpu.memory_space<vmem>>, vector<16xf32>,
    %mul3A_722 = arith.mulf %get3A_721, %get3A_66 : vector<16xf32>
    %add3A_723 = arith.addf %add3A_717, %mul3A_722 : vector<16xf32>
    %get3A_724 = arith.constant 11 : i32
    %get3A_725 = arith.index_cast %get3A_724 : i32 to index
    %get3A_726 = arith.constant 48 : index
    %get3A_727 = tpu.vector_load %arg8[%get3A_725, %get3A_726] {strides = array<i32>} : memref<40x128xf32, #tpu.memory_space<vmem>>, vector<16xf32>,
    %mul3A_728 = arith.mulf %get3A_727, %get3A_70 : vector<16xf32>
    %add3A_729 = arith.addf %add3A_723, %mul3A_728 : vector<16xf32>
    %get3A_730 = arith.constant 11 : i32
    %get3A_731 = arith.index_cast %get3A_730 : i32 to index
    %get3A_732 = arith.constant 64 : index
    %get3A_733 = tpu.vector_load %arg8[%get3A_731, %get3A_732] {strides = array<i32>} : memref<40x128xf32, #tpu.memory_space<vmem>>, vector<16xf32>,
    %mul3A_734 = arith.mulf %get3A_733, %get3A_74 : vector<16xf32>
    %add3A_735 = arith.addf %add3A_729, %mul3A_734 : vector<16xf32>
    %get3A_736 = arith.constant 11 : i32
    %get3A_737 = arith.index_cast %get3A_736 : i32 to index
    %get3A_738 = arith.constant 80 : index
    %get3A_739 = tpu.vector_load %arg8[%get3A_737, %get3A_738] {strides = array<i32>} : memref<40x128xf32, #tpu.memory_space<vmem>>, vector<16xf32>,
    %mul3A_740 = arith.mulf %get3A_739, %get3A_78 : vector<16xf32>
    %add3A_741 = arith.addf %add3A_735, %mul3A_740 : vector<16xf32>
    %get3A_742 = arith.constant 11 : i32
    %get3A_743 = arith.index_cast %get3A_742 : i32 to index
    %get3A_744 = arith.constant 96 : index
    %get3A_745 = tpu.vector_load %arg8[%get3A_743, %get3A_744] {strides = array<i32>} : memref<40x128xf32, #tpu.memory_space<vmem>>, vector<16xf32>,
    %mul3A_746 = arith.mulf %get3A_745, %get3A_82 : vector<16xf32>
    %add3A_747 = arith.addf %add3A_741, %mul3A_746 : vector<16xf32>
    %get3A_748 = arith.constant 11 : i32
    %get3A_749 = arith.index_cast %get3A_748 : i32 to index
    %get3A_750 = arith.constant 112 : index
    %get3A_751 = tpu.vector_load %arg8[%get3A_749, %get3A_750] {strides = array<i32>} : memref<40x128xf32, #tpu.memory_space<vmem>>, vector<16xf32>,
    %mul3A_752 = arith.mulf %get3A_751, %get3A_86 : vector<16xf32>
    %add3A_753 = arith.addf %add3A_747, %mul3A_752 : vector<16xf32>
    %eq3A_754 = arith.constant 11 : i32
    %eq3A_755 = vector.broadcast %eq3A_754 : i32 to vector<16xi32>
    %eq3A_756 = arith.cmpi eq, %iota3A, %eq3A_755 : vector<16xi32>
    %reduce_sum3A_757 = arith.constant true
    %reduce_sum3A_758 = vector.broadcast %reduce_sum3A_757 : i1 to vector<16xi1>
    %reduce_sum3A_759 = tpu.scan <sum>, %add3A_753 masked %reduce_sum3A_758 : vector<16xf32>, vector<16xi1> -> vector<16xf32>
    %reduce_sum3A_760 = vector.extract %reduce_sum3A_759[15] : f32 from vector<16xf32>
    %broadcast_in_dim3A_761 = vector.broadcast %reduce_sum3A_760 : f32 to vector<16xf32>
    %select_n3A_762 = arith.select %eq3A_756, %broadcast_in_dim3A_761, %select_n3A_706 : vector<16xi1>, vector<16xf32>
    %get3A_763 = arith.constant 12 : i32
    %get3A_764 = arith.index_cast %get3A_763 : i32 to index
    %get3A_765 = arith.constant 0 : index
    %get3A_766 = tpu.vector_load %arg8[%get3A_764, %get3A_765] {strides = array<i32>} : memref<40x128xf32, #tpu.memory_space<vmem>>, vector<16xf32>,
    %mul3A_767 = arith.mulf %get3A_766, %get3A_58 : vector<16xf32>
    %get3A_768 = arith.constant 12 : i32
    %get3A_769 = arith.index_cast %get3A_768 : i32 to index
    %get3A_770 = arith.constant 16 : index
    %get3A_771 = tpu.vector_load %arg8[%get3A_769, %get3A_770] {strides = array<i32>} : memref<40x128xf32, #tpu.memory_space<vmem>>, vector<16xf32>,
    %mul3A_772 = arith.mulf %get3A_771, %get3A_62 : vector<16xf32>
    %add3A_773 = arith.addf %mul3A_767, %mul3A_772 : vector<16xf32>
    %get3A_774 = arith.constant 12 : i32
    %get3A_775 = arith.index_cast %get3A_774 : i32 to index
    %get3A_776 = arith.constant 32 : index
    %get3A_777 = tpu.vector_load %arg8[%get3A_775, %get3A_776] {strides = array<i32>} : memref<40x128xf32, #tpu.memory_space<vmem>>, vector<16xf32>,
    %mul3A_778 = arith.mulf %get3A_777, %get3A_66 : vector<16xf32>
    %add3A_779 = arith.addf %add3A_773, %mul3A_778 : vector<16xf32>
    %get3A_780 = arith.constant 12 : i32
    %get3A_781 = arith.index_cast %get3A_780 : i32 to index
    %get3A_782 = arith.constant 48 : index
    %get3A_783 = tpu.vector_load %arg8[%get3A_781, %get3A_782] {strides = array<i32>} : memref<40x128xf32, #tpu.memory_space<vmem>>, vector<16xf32>,
    %mul3A_784 = arith.mulf %get3A_783, %get3A_70 : vector<16xf32>
    %add3A_785 = arith.addf %add3A_779, %mul3A_784 : vector<16xf32>
    %get3A_786 = arith.constant 12 : i32
    %get3A_787 = arith.index_cast %get3A_786 : i32 to index
    %get3A_788 = arith.constant 64 : index
    %get3A_789 = tpu.vector_load %arg8[%get3A_787, %get3A_788] {strides = array<i32>} : memref<40x128xf32, #tpu.memory_space<vmem>>, vector<16xf32>,
    %mul3A_790 = arith.mulf %get3A_789, %get3A_74 : vector<16xf32>
    %add3A_791 = arith.addf %add3A_785, %mul3A_790 : vector<16xf32>
    %get3A_792 = arith.constant 12 : i32
    %get3A_793 = arith.index_cast %get3A_792 : i32 to index
    %get3A_794 = arith.constant 80 : index
    %get3A_795 = tpu.vector_load %arg8[%get3A_793, %get3A_794] {strides = array<i32>} : memref<40x128xf32, #tpu.memory_space<vmem>>, vector<16xf32>,
    %mul3A_796 = arith.mulf %get3A_795, %get3A_78 : vector<16xf32>
    %add3A_797 = arith.addf %add3A_791, %mul3A_796 : vector<16xf32>
    %get3A_798 = arith.constant 12 : i32
    %get3A_799 = arith.index_cast %get3A_798 : i32 to index
    %get3A_800 = arith.constant 96 : index
    %get3A_801 = tpu.vector_load %arg8[%get3A_799, %get3A_800] {strides = array<i32>} : memref<40x128xf32, #tpu.memory_space<vmem>>, vector<16xf32>,
    %mul3A_802 = arith.mulf %get3A_801, %get3A_82 : vector<16xf32>
    %add3A_803 = arith.addf %add3A_797, %mul3A_802 : vector<16xf32>
    %get3A_804 = arith.constant 12 : i32
    %get3A_805 = arith.index_cast %get3A_804 : i32 to index
    %get3A_806 = arith.constant 112 : index
    %get3A_807 = tpu.vector_load %arg8[%get3A_805, %get3A_806] {strides = array<i32>} : memref<40x128xf32, #tpu.memory_space<vmem>>, vector<16xf32>,
    %mul3A_808 = arith.mulf %get3A_807, %get3A_86 : vector<16xf32>
    %add3A_809 = arith.addf %add3A_803, %mul3A_808 : vector<16xf32>
    %eq3A_810 = arith.constant 12 : i32
    %eq3A_811 = vector.broadcast %eq3A_810 : i32 to vector<16xi32>
    %eq3A_812 = arith.cmpi eq, %iota3A, %eq3A_811 : vector<16xi32>
    %reduce_sum3A_813 = arith.constant true
    %reduce_sum3A_814 = vector.broadcast %reduce_sum3A_813 : i1 to vector<16xi1>
    %reduce_sum3A_815 = tpu.scan <sum>, %add3A_809 masked %reduce_sum3A_814 : vector<16xf32>, vector<16xi1> -> vector<16xf32>
    %reduce_sum3A_816 = vector.extract %reduce_sum3A_815[15] : f32 from vector<16xf32>
    %broadcast_in_dim3A_817 = vector.broadcast %reduce_sum3A_816 : f32 to vector<16xf32>
    %select_n3A_818 = arith.select %eq3A_812, %broadcast_in_dim3A_817, %select_n3A_762 : vector<16xi1>, vector<16xf32>
    %get3A_819 = arith.constant 13 : i32
    %get3A_820 = arith.index_cast %get3A_819 : i32 to index
    %get3A_821 = arith.constant 0 : index
    %get3A_822 = tpu.vector_load %arg8[%get3A_820, %get3A_821] {strides = array<i32>} : memref<40x128xf32, #tpu.memory_space<vmem>>, vector<16xf32>,
    %mul3A_823 = arith.mulf %get3A_822, %get3A_58 : vector<16xf32>
    %get3A_824 = arith.constant 13 : i32
    %get3A_825 = arith.index_cast %get3A_824 : i32 to index
    %get3A_826 = arith.constant 16 : index
    %get3A_827 = tpu.vector_load %arg8[%get3A_825, %get3A_826] {strides = array<i32>} : memref<40x128xf32, #tpu.memory_space<vmem>>, vector<16xf32>,
    %mul3A_828 = arith.mulf %get3A_827, %get3A_62 : vector<16xf32>
    %add3A_829 = arith.addf %mul3A_823, %mul3A_828 : vector<16xf32>
    %get3A_830 = arith.constant 13 : i32
    %get3A_831 = arith.index_cast %get3A_830 : i32 to index
    %get3A_832 = arith.constant 32 : index
    %get3A_833 = tpu.vector_load %arg8[%get3A_831, %get3A_832] {strides = array<i32>} : memref<40x128xf32, #tpu.memory_space<vmem>>, vector<16xf32>,
    %mul3A_834 = arith.mulf %get3A_833, %get3A_66 : vector<16xf32>
    %add3A_835 = arith.addf %add3A_829, %mul3A_834 : vector<16xf32>
    %get3A_836 = arith.constant 13 : i32
    %get3A_837 = arith.index_cast %get3A_836 : i32 to index
    %get3A_838 = arith.constant 48 : index
    %get3A_839 = tpu.vector_load %arg8[%get3A_837, %get3A_838] {strides = array<i32>} : memref<40x128xf32, #tpu.memory_space<vmem>>, vector<16xf32>,
    %mul3A_840 = arith.mulf %get3A_839, %get3A_70 : vector<16xf32>
    %add3A_841 = arith.addf %add3A_835, %mul3A_840 : vector<16xf32>
    %get3A_842 = arith.constant 13 : i32
    %get3A_843 = arith.index_cast %get3A_842 : i32 to index
    %get3A_844 = arith.constant 64 : index
    %get3A_845 = tpu.vector_load %arg8[%get3A_843, %get3A_844] {strides = array<i32>} : memref<40x128xf32, #tpu.memory_space<vmem>>, vector<16xf32>,
    %mul3A_846 = arith.mulf %get3A_845, %get3A_74 : vector<16xf32>
    %add3A_847 = arith.addf %add3A_841, %mul3A_846 : vector<16xf32>
    %get3A_848 = arith.constant 13 : i32
    %get3A_849 = arith.index_cast %get3A_848 : i32 to index
    %get3A_850 = arith.constant 80 : index
    %get3A_851 = tpu.vector_load %arg8[%get3A_849, %get3A_850] {strides = array<i32>} : memref<40x128xf32, #tpu.memory_space<vmem>>, vector<16xf32>,
    %mul3A_852 = arith.mulf %get3A_851, %get3A_78 : vector<16xf32>
    %add3A_853 = arith.addf %add3A_847, %mul3A_852 : vector<16xf32>
    %get3A_854 = arith.constant 13 : i32
    %get3A_855 = arith.index_cast %get3A_854 : i32 to index
    %get3A_856 = arith.constant 96 : index
    %get3A_857 = tpu.vector_load %arg8[%get3A_855, %get3A_856] {strides = array<i32>} : memref<40x128xf32, #tpu.memory_space<vmem>>, vector<16xf32>,
    %mul3A_858 = arith.mulf %get3A_857, %get3A_82 : vector<16xf32>
    %add3A_859 = arith.addf %add3A_853, %mul3A_858 : vector<16xf32>
    %get3A_860 = arith.constant 13 : i32
    %get3A_861 = arith.index_cast %get3A_860 : i32 to index
    %get3A_862 = arith.constant 112 : index
    %get3A_863 = tpu.vector_load %arg8[%get3A_861, %get3A_862] {strides = array<i32>} : memref<40x128xf32, #tpu.memory_space<vmem>>, vector<16xf32>,
    %mul3A_864 = arith.mulf %get3A_863, %get3A_86 : vector<16xf32>
    %add3A_865 = arith.addf %add3A_859, %mul3A_864 : vector<16xf32>
    %eq3A_866 = arith.constant 13 : i32
    %eq3A_867 = vector.broadcast %eq3A_866 : i32 to vector<16xi32>
    %eq3A_868 = arith.cmpi eq, %iota3A, %eq3A_867 : vector<16xi32>
    %reduce_sum3A_869 = arith.constant true
    %reduce_sum3A_870 = vector.broadcast %reduce_sum3A_869 : i1 to vector<16xi1>
    %reduce_sum3A_871 = tpu.scan <sum>, %add3A_865 masked %reduce_sum3A_870 : vector<16xf32>, vector<16xi1> -> vector<16xf32>
    %reduce_sum3A_872 = vector.extract %reduce_sum3A_871[15] : f32 from vector<16xf32>
    %broadcast_in_dim3A_873 = vector.broadcast %reduce_sum3A_872 : f32 to vector<16xf32>
    %select_n3A_874 = arith.select %eq3A_868, %broadcast_in_dim3A_873, %select_n3A_818 : vector<16xi1>, vector<16xf32>
    %get3A_875 = arith.constant 14 : i32
    %get3A_876 = arith.index_cast %get3A_875 : i32 to index
    %get3A_877 = arith.constant 0 : index
    %get3A_878 = tpu.vector_load %arg8[%get3A_876, %get3A_877] {strides = array<i32>} : memref<40x128xf32, #tpu.memory_space<vmem>>, vector<16xf32>,
    %mul3A_879 = arith.mulf %get3A_878, %get3A_58 : vector<16xf32>
    %get3A_880 = arith.constant 14 : i32
    %get3A_881 = arith.index_cast %get3A_880 : i32 to index
    %get3A_882 = arith.constant 16 : index
    %get3A_883 = tpu.vector_load %arg8[%get3A_881, %get3A_882] {strides = array<i32>} : memref<40x128xf32, #tpu.memory_space<vmem>>, vector<16xf32>,
    %mul3A_884 = arith.mulf %get3A_883, %get3A_62 : vector<16xf32>
    %add3A_885 = arith.addf %mul3A_879, %mul3A_884 : vector<16xf32>
    %get3A_886 = arith.constant 14 : i32
    %get3A_887 = arith.index_cast %get3A_886 : i32 to index
    %get3A_888 = arith.constant 32 : index
    %get3A_889 = tpu.vector_load %arg8[%get3A_887, %get3A_888] {strides = array<i32>} : memref<40x128xf32, #tpu.memory_space<vmem>>, vector<16xf32>,
    %mul3A_890 = arith.mulf %get3A_889, %get3A_66 : vector<16xf32>
    %add3A_891 = arith.addf %add3A_885, %mul3A_890 : vector<16xf32>
    %get3A_892 = arith.constant 14 : i32
    %get3A_893 = arith.index_cast %get3A_892 : i32 to index
    %get3A_894 = arith.constant 48 : index
    %get3A_895 = tpu.vector_load %arg8[%get3A_893, %get3A_894] {strides = array<i32>} : memref<40x128xf32, #tpu.memory_space<vmem>>, vector<16xf32>,
    %mul3A_896 = arith.mulf %get3A_895, %get3A_70 : vector<16xf32>
    %add3A_897 = arith.addf %add3A_891, %mul3A_896 : vector<16xf32>
    %get3A_898 = arith.constant 14 : i32
    %get3A_899 = arith.index_cast %get3A_898 : i32 to index
    %get3A_900 = arith.constant 64 : index
    %get3A_901 = tpu.vector_load %arg8[%get3A_899, %get3A_900] {strides = array<i32>} : memref<40x128xf32, #tpu.memory_space<vmem>>, vector<16xf32>,
    %mul3A_902 = arith.mulf %get3A_901, %get3A_74 : vector<16xf32>
    %add3A_903 = arith.addf %add3A_897, %mul3A_902 : vector<16xf32>
    %get3A_904 = arith.constant 14 : i32
    %get3A_905 = arith.index_cast %get3A_904 : i32 to index
    %get3A_906 = arith.constant 80 : index
    %get3A_907 = tpu.vector_load %arg8[%get3A_905, %get3A_906] {strides = array<i32>} : memref<40x128xf32, #tpu.memory_space<vmem>>, vector<16xf32>,
    %mul3A_908 = arith.mulf %get3A_907, %get3A_78 : vector<16xf32>
    %add3A_909 = arith.addf %add3A_903, %mul3A_908 : vector<16xf32>
    %get3A_910 = arith.constant 14 : i32
    %get3A_911 = arith.index_cast %get3A_910 : i32 to index
    %get3A_912 = arith.constant 96 : index
    %get3A_913 = tpu.vector_load %arg8[%get3A_911, %get3A_912] {strides = array<i32>} : memref<40x128xf32, #tpu.memory_space<vmem>>, vector<16xf32>,
    %mul3A_914 = arith.mulf %get3A_913, %get3A_82 : vector<16xf32>
    %add3A_915 = arith.addf %add3A_909, %mul3A_914 : vector<16xf32>
    %get3A_916 = arith.constant 14 : i32
    %get3A_917 = arith.index_cast %get3A_916 : i32 to index
    %get3A_918 = arith.constant 112 : index
    %get3A_919 = tpu.vector_load %arg8[%get3A_917, %get3A_918] {strides = array<i32>} : memref<40x128xf32, #tpu.memory_space<vmem>>, vector<16xf32>,
    %mul3A_920 = arith.mulf %get3A_919, %get3A_86 : vector<16xf32>
    %add3A_921 = arith.addf %add3A_915, %mul3A_920 : vector<16xf32>
    %eq3A_922 = arith.constant 14 : i32
    %eq3A_923 = vector.broadcast %eq3A_922 : i32 to vector<16xi32>
    %eq3A_924 = arith.cmpi eq, %iota3A, %eq3A_923 : vector<16xi32>
    %reduce_sum3A_925 = arith.constant true
    %reduce_sum3A_926 = vector.broadcast %reduce_sum3A_925 : i1 to vector<16xi1>
    %reduce_sum3A_927 = tpu.scan <sum>, %add3A_921 masked %reduce_sum3A_926 : vector<16xf32>, vector<16xi1> -> vector<16xf32>
    %reduce_sum3A_928 = vector.extract %reduce_sum3A_927[15] : f32 from vector<16xf32>
    %broadcast_in_dim3A_929 = vector.broadcast %reduce_sum3A_928 : f32 to vector<16xf32>
    %select_n3A_930 = arith.select %eq3A_924, %broadcast_in_dim3A_929, %select_n3A_874 : vector<16xi1>, vector<16xf32>
    %get3A_931 = arith.constant 15 : i32
    %get3A_932 = arith.index_cast %get3A_931 : i32 to index
    %get3A_933 = arith.constant 0 : index
    %get3A_934 = tpu.vector_load %arg8[%get3A_932, %get3A_933] {strides = array<i32>} : memref<40x128xf32, #tpu.memory_space<vmem>>, vector<16xf32>,
    %mul3A_935 = arith.mulf %get3A_934, %get3A_58 : vector<16xf32>
    %get3A_936 = arith.constant 15 : i32
    %get3A_937 = arith.index_cast %get3A_936 : i32 to index
    %get3A_938 = arith.constant 16 : index
    %get3A_939 = tpu.vector_load %arg8[%get3A_937, %get3A_938] {strides = array<i32>} : memref<40x128xf32, #tpu.memory_space<vmem>>, vector<16xf32>,
    %mul3A_940 = arith.mulf %get3A_939, %get3A_62 : vector<16xf32>
    %add3A_941 = arith.addf %mul3A_935, %mul3A_940 : vector<16xf32>
    %get3A_942 = arith.constant 15 : i32
    %get3A_943 = arith.index_cast %get3A_942 : i32 to index
    %get3A_944 = arith.constant 32 : index
    %get3A_945 = tpu.vector_load %arg8[%get3A_943, %get3A_944] {strides = array<i32>} : memref<40x128xf32, #tpu.memory_space<vmem>>, vector<16xf32>,
    %mul3A_946 = arith.mulf %get3A_945, %get3A_66 : vector<16xf32>
    %add3A_947 = arith.addf %add3A_941, %mul3A_946 : vector<16xf32>
    %get3A_948 = arith.constant 15 : i32
    %get3A_949 = arith.index_cast %get3A_948 : i32 to index
    %get3A_950 = arith.constant 48 : index
    %get3A_951 = tpu.vector_load %arg8[%get3A_949, %get3A_950] {strides = array<i32>} : memref<40x128xf32, #tpu.memory_space<vmem>>, vector<16xf32>,
    %mul3A_952 = arith.mulf %get3A_951, %get3A_70 : vector<16xf32>
    %add3A_953 = arith.addf %add3A_947, %mul3A_952 : vector<16xf32>
    %get3A_954 = arith.constant 15 : i32
    %get3A_955 = arith.index_cast %get3A_954 : i32 to index
    %get3A_956 = arith.constant 64 : index
    %get3A_957 = tpu.vector_load %arg8[%get3A_955, %get3A_956] {strides = array<i32>} : memref<40x128xf32, #tpu.memory_space<vmem>>, vector<16xf32>,
    %mul3A_958 = arith.mulf %get3A_957, %get3A_74 : vector<16xf32>
    %add3A_959 = arith.addf %add3A_953, %mul3A_958 : vector<16xf32>
    %get3A_960 = arith.constant 15 : i32
    %get3A_961 = arith.index_cast %get3A_960 : i32 to index
    %get3A_962 = arith.constant 80 : index
    %get3A_963 = tpu.vector_load %arg8[%get3A_961, %get3A_962] {strides = array<i32>} : memref<40x128xf32, #tpu.memory_space<vmem>>, vector<16xf32>,
    %mul3A_964 = arith.mulf %get3A_963, %get3A_78 : vector<16xf32>
    %add3A_965 = arith.addf %add3A_959, %mul3A_964 : vector<16xf32>
    %get3A_966 = arith.constant 15 : i32
    %get3A_967 = arith.index_cast %get3A_966 : i32 to index
    %get3A_968 = arith.constant 96 : index
    %get3A_969 = tpu.vector_load %arg8[%get3A_967, %get3A_968] {strides = array<i32>} : memref<40x128xf32, #tpu.memory_space<vmem>>, vector<16xf32>,
    %mul3A_970 = arith.mulf %get3A_969, %get3A_82 : vector<16xf32>
    %add3A_971 = arith.addf %add3A_965, %mul3A_970 : vector<16xf32>
    %get3A_972 = arith.constant 15 : i32
    %get3A_973 = arith.index_cast %get3A_972 : i32 to index
    %get3A_974 = arith.constant 112 : index
    %get3A_975 = tpu.vector_load %arg8[%get3A_973, %get3A_974] {strides = array<i32>} : memref<40x128xf32, #tpu.memory_space<vmem>>, vector<16xf32>,
    %mul3A_976 = arith.mulf %get3A_975, %get3A_86 : vector<16xf32>
    %add3A_977 = arith.addf %add3A_971, %mul3A_976 : vector<16xf32>
    %eq3A_978 = arith.constant 15 : i32
    %eq3A_979 = vector.broadcast %eq3A_978 : i32 to vector<16xi32>
    %eq3A_980 = arith.cmpi eq, %iota3A, %eq3A_979 : vector<16xi32>
    %reduce_sum3A_981 = arith.constant true
    %reduce_sum3A_982 = vector.broadcast %reduce_sum3A_981 : i1 to vector<16xi1>
    %reduce_sum3A_983 = tpu.scan <sum>, %add3A_977 masked %reduce_sum3A_982 : vector<16xf32>, vector<16xi1> -> vector<16xf32>
    %reduce_sum3A_984 = vector.extract %reduce_sum3A_983[15] : f32 from vector<16xf32>
    %broadcast_in_dim3A_985 = vector.broadcast %reduce_sum3A_984 : f32 to vector<16xf32>
    %select_n3A_986 = arith.select %eq3A_980, %broadcast_in_dim3A_985, %select_n3A_930 : vector<16xi1>, vector<16xf32>
    %select_n3A_987 = arith.select %ge3A_90, %select_n3A_986, %broadcast_in_dim3A_91 : vector<16xi1>, vector<16xf32>
    %dma_wait3A_988 = arith.constant 24 : i32
    %dma_wait3A_989 = arith.constant 0 : i32
    %dma_wait3A_990 = tpu.memref_slice %arg8[%dma_wait3A_988, %dma_wait3A_989] : memref<40x128xf32, #tpu.memory_space<vmem>> -> memref<16x128xf32, #tpu.memory_space<vmem>>
    %dma_wait3A_991 = arith.constant 32 : i32
    %dma_wait3A_992 = tpu.memref_slice %arg7[%dma_wait3A_991] : memref<48xi32, #tpu.memory_space<vmem>> -> memref<16xi32, #tpu.memory_space<vmem>>
    %dma_wait3A_993 = arith.constant 0 : i32
    %dma_wait3A_994 = arith.constant 0 : i32
    %dma_wait3A_995 = tpu.memref_slice %arg2[%dma_wait3A_993, %dma_wait3A_994] : memref<100000x128xf32, #tpu.memory_space<hbm>> -> memref<100000x128xf32, #tpu.memory_space<hbm>>
    tpu.wait_indirect_dma semaphore(%arg14 : memref<!tpu.dma_semaphore, #tpu.memory_space<semaphore_mem>>) src(%dma_wait3A_995 : memref<100000x128xf32, #tpu.memory_space<hbm>>) dst(%dma_wait3A_990 : memref<16x128xf32, #tpu.memory_space<vmem>>)
    %broadcast_in_dim3A_996 = arith.constant 0.000000e+00 : f32
    %broadcast_in_dim3A_997 = vector.broadcast %broadcast_in_dim3A_996 : f32 to vector<16xf32>
    %get3A_998 = arith.constant 24 : i32
    %get3A_999 = arith.index_cast %get3A_998 : i32 to index
    %get3A_1000 = arith.constant 0 : index
    %get3A_1001 = tpu.vector_load %arg8[%get3A_999, %get3A_1000] {strides = array<i32>} : memref<40x128xf32, #tpu.memory_space<vmem>>, vector<16xf32>,
    %mul3A_1002 = arith.mulf %get3A_1001, %get3A_58 : vector<16xf32>
    %get3A_1003 = arith.constant 24 : i32
    %get3A_1004 = arith.index_cast %get3A_1003 : i32 to index
    %get3A_1005 = arith.constant 16 : index
    %get3A_1006 = tpu.vector_load %arg8[%get3A_1004, %get3A_1005] {strides = array<i32>} : memref<40x128xf32, #tpu.memory_space<vmem>>, vector<16xf32>,
    %mul3A_1007 = arith.mulf %get3A_1006, %get3A_62 : vector<16xf32>
    %add3A_1008 = arith.addf %mul3A_1002, %mul3A_1007 : vector<16xf32>
    %get3A_1009 = arith.constant 24 : i32
    %get3A_1010 = arith.index_cast %get3A_1009 : i32 to index
    %get3A_1011 = arith.constant 32 : index
    %get3A_1012 = tpu.vector_load %arg8[%get3A_1010, %get3A_1011] {strides = array<i32>} : memref<40x128xf32, #tpu.memory_space<vmem>>, vector<16xf32>,
    %mul3A_1013 = arith.mulf %get3A_1012, %get3A_66 : vector<16xf32>
    %add3A_1014 = arith.addf %add3A_1008, %mul3A_1013 : vector<16xf32>
    %get3A_1015 = arith.constant 24 : i32
    %get3A_1016 = arith.index_cast %get3A_1015 : i32 to index
    %get3A_1017 = arith.constant 48 : index
    %get3A_1018 = tpu.vector_load %arg8[%get3A_1016, %get3A_1017] {strides = array<i32>} : memref<40x128xf32, #tpu.memory_space<vmem>>, vector<16xf32>,
    %mul3A_1019 = arith.mulf %get3A_1018, %get3A_70 : vector<16xf32>
    %add3A_1020 = arith.addf %add3A_1014, %mul3A_1019 : vector<16xf32>
    %get3A_1021 = arith.constant 24 : i32
    %get3A_1022 = arith.index_cast %get3A_1021 : i32 to index
    %get3A_1023 = arith.constant 64 : index
    %get3A_1024 = tpu.vector_load %arg8[%get3A_1022, %get3A_1023] {strides = array<i32>} : memref<40x128xf32, #tpu.memory_space<vmem>>, vector<16xf32>,
    %mul3A_1025 = arith.mulf %get3A_1024, %get3A_74 : vector<16xf32>
    %add3A_1026 = arith.addf %add3A_1020, %mul3A_1025 : vector<16xf32>
    %get3A_1027 = arith.constant 24 : i32
    %get3A_1028 = arith.index_cast %get3A_1027 : i32 to index
    %get3A_1029 = arith.constant 80 : index
    %get3A_1030 = tpu.vector_load %arg8[%get3A_1028, %get3A_1029] {strides = array<i32>} : memref<40x128xf32, #tpu.memory_space<vmem>>, vector<16xf32>,
    %mul3A_1031 = arith.mulf %get3A_1030, %get3A_78 : vector<16xf32>
    %add3A_1032 = arith.addf %add3A_1026, %mul3A_1031 : vector<16xf32>
    %get3A_1033 = arith.constant 24 : i32
    %get3A_1034 = arith.index_cast %get3A_1033 : i32 to index
    %get3A_1035 = arith.constant 96 : index
    %get3A_1036 = tpu.vector_load %arg8[%get3A_1034, %get3A_1035] {strides = array<i32>} : memref<40x128xf32, #tpu.memory_space<vmem>>, vector<16xf32>,
    %mul3A_1037 = arith.mulf %get3A_1036, %get3A_82 : vector<16xf32>
    %add3A_1038 = arith.addf %add3A_1032, %mul3A_1037 : vector<16xf32>
    %get3A_1039 = arith.constant 24 : i32
    %get3A_1040 = arith.index_cast %get3A_1039 : i32 to index
    %get3A_1041 = arith.constant 112 : index
    %get3A_1042 = tpu.vector_load %arg8[%get3A_1040, %get3A_1041] {strides = array<i32>} : memref<40x128xf32, #tpu.memory_space<vmem>>, vector<16xf32>,
    %mul3A_1043 = arith.mulf %get3A_1042, %get3A_86 : vector<16xf32>
    %add3A_1044 = arith.addf %add3A_1038, %mul3A_1043 : vector<16xf32>
    %eq3A_1045 = arith.constant 0 : i32
    %eq3A_1046 = vector.broadcast %eq3A_1045 : i32 to vector<16xi32>
    %eq3A_1047 = arith.cmpi eq, %iota3A, %eq3A_1046 : vector<16xi32>
    %reduce_sum3A_1048 = arith.constant true
    %reduce_sum3A_1049 = vector.broadcast %reduce_sum3A_1048 : i1 to vector<16xi1>
    %reduce_sum3A_1050 = tpu.scan <sum>, %add3A_1044 masked %reduce_sum3A_1049 : vector<16xf32>, vector<16xi1> -> vector<16xf32>
    %reduce_sum3A_1051 = vector.extract %reduce_sum3A_1050[15] : f32 from vector<16xf32>
    %broadcast_in_dim3A_1052 = vector.broadcast %reduce_sum3A_1051 : f32 to vector<16xf32>
    %select_n3A_1053 = arith.select %eq3A_1047, %broadcast_in_dim3A_1052, %broadcast_in_dim3A_997 : vector<16xi1>, vector<16xf32>
    %get3A_1054 = arith.constant 25 : i32
    %get3A_1055 = arith.index_cast %get3A_1054 : i32 to index
    %get3A_1056 = arith.constant 0 : index
    %get3A_1057 = tpu.vector_load %arg8[%get3A_1055, %get3A_1056] {strides = array<i32>} : memref<40x128xf32, #tpu.memory_space<vmem>>, vector<16xf32>,
    %mul3A_1058 = arith.mulf %get3A_1057, %get3A_58 : vector<16xf32>
    %get3A_1059 = arith.constant 25 : i32
    %get3A_1060 = arith.index_cast %get3A_1059 : i32 to index
    %get3A_1061 = arith.constant 16 : index
    %get3A_1062 = tpu.vector_load %arg8[%get3A_1060, %get3A_1061] {strides = array<i32>} : memref<40x128xf32, #tpu.memory_space<vmem>>, vector<16xf32>,
    %mul3A_1063 = arith.mulf %get3A_1062, %get3A_62 : vector<16xf32>
    %add3A_1064 = arith.addf %mul3A_1058, %mul3A_1063 : vector<16xf32>
    %get3A_1065 = arith.constant 25 : i32
    %get3A_1066 = arith.index_cast %get3A_1065 : i32 to index
    %get3A_1067 = arith.constant 32 : index
    %get3A_1068 = tpu.vector_load %arg8[%get3A_1066, %get3A_1067] {strides = array<i32>} : memref<40x128xf32, #tpu.memory_space<vmem>>, vector<16xf32>,
    %mul3A_1069 = arith.mulf %get3A_1068, %get3A_66 : vector<16xf32>
    %add3A_1070 = arith.addf %add3A_1064, %mul3A_1069 : vector<16xf32>
    %get3A_1071 = arith.constant 25 : i32
    %get3A_1072 = arith.index_cast %get3A_1071 : i32 to index
    %get3A_1073 = arith.constant 48 : index
    %get3A_1074 = tpu.vector_load %arg8[%get3A_1072, %get3A_1073] {strides = array<i32>} : memref<40x128xf32, #tpu.memory_space<vmem>>, vector<16xf32>,
    %mul3A_1075 = arith.mulf %get3A_1074, %get3A_70 : vector<16xf32>
    %add3A_1076 = arith.addf %add3A_1070, %mul3A_1075 : vector<16xf32>
    %get3A_1077 = arith.constant 25 : i32
    %get3A_1078 = arith.index_cast %get3A_1077 : i32 to index
    %get3A_1079 = arith.constant 64 : index
    %get3A_1080 = tpu.vector_load %arg8[%get3A_1078, %get3A_1079] {strides = array<i32>} : memref<40x128xf32, #tpu.memory_space<vmem>>, vector<16xf32>,
    %mul3A_1081 = arith.mulf %get3A_1080, %get3A_74 : vector<16xf32>
    %add3A_1082 = arith.addf %add3A_1076, %mul3A_1081 : vector<16xf32>
    %get3A_1083 = arith.constant 25 : i32
    %get3A_1084 = arith.index_cast %get3A_1083 : i32 to index
    %get3A_1085 = arith.constant 80 : index
    %get3A_1086 = tpu.vector_load %arg8[%get3A_1084, %get3A_1085] {strides = array<i32>} : memref<40x128xf32, #tpu.memory_space<vmem>>, vector<16xf32>,
    %mul3A_1087 = arith.mulf %get3A_1086, %get3A_78 : vector<16xf32>
    %add3A_1088 = arith.addf %add3A_1082, %mul3A_1087 : vector<16xf32>
    %get3A_1089 = arith.constant 25 : i32
    %get3A_1090 = arith.index_cast %get3A_1089 : i32 to index
    %get3A_1091 = arith.constant 96 : index
    %get3A_1092 = tpu.vector_load %arg8[%get3A_1090, %get3A_1091] {strides = array<i32>} : memref<40x128xf32, #tpu.memory_space<vmem>>, vector<16xf32>,
    %mul3A_1093 = arith.mulf %get3A_1092, %get3A_82 : vector<16xf32>
    %add3A_1094 = arith.addf %add3A_1088, %mul3A_1093 : vector<16xf32>
    %get3A_1095 = arith.constant 25 : i32
    %get3A_1096 = arith.index_cast %get3A_1095 : i32 to index
    %get3A_1097 = arith.constant 112 : index
    %get3A_1098 = tpu.vector_load %arg8[%get3A_1096, %get3A_1097] {strides = array<i32>} : memref<40x128xf32, #tpu.memory_space<vmem>>, vector<16xf32>,
    %mul3A_1099 = arith.mulf %get3A_1098, %get3A_86 : vector<16xf32>
    %add3A_1100 = arith.addf %add3A_1094, %mul3A_1099 : vector<16xf32>
    %eq3A_1101 = arith.constant 1 : i32
    %eq3A_1102 = vector.broadcast %eq3A_1101 : i32 to vector<16xi32>
    %eq3A_1103 = arith.cmpi eq, %iota3A, %eq3A_1102 : vector<16xi32>
    %reduce_sum3A_1104 = arith.constant true
    %reduce_sum3A_1105 = vector.broadcast %reduce_sum3A_1104 : i1 to vector<16xi1>
    %reduce_sum3A_1106 = tpu.scan <sum>, %add3A_1100 masked %reduce_sum3A_1105 : vector<16xf32>, vector<16xi1> -> vector<16xf32>
    %reduce_sum3A_1107 = vector.extract %reduce_sum3A_1106[15] : f32 from vector<16xf32>
    %broadcast_in_dim3A_1108 = vector.broadcast %reduce_sum3A_1107 : f32 to vector<16xf32>
    %select_n3A_1109 = arith.select %eq3A_1103, %broadcast_in_dim3A_1108, %select_n3A_1053 : vector<16xi1>, vector<16xf32>
    %get3A_1110 = arith.constant 26 : i32
    %get3A_1111 = arith.index_cast %get3A_1110 : i32 to index
    %get3A_1112 = arith.constant 0 : index
    %get3A_1113 = tpu.vector_load %arg8[%get3A_1111, %get3A_1112] {strides = array<i32>} : memref<40x128xf32, #tpu.memory_space<vmem>>, vector<16xf32>,
    %mul3A_1114 = arith.mulf %get3A_1113, %get3A_58 : vector<16xf32>
    %get3A_1115 = arith.constant 26 : i32
    %get3A_1116 = arith.index_cast %get3A_1115 : i32 to index
    %get3A_1117 = arith.constant 16 : index
    %get3A_1118 = tpu.vector_load %arg8[%get3A_1116, %get3A_1117] {strides = array<i32>} : memref<40x128xf32, #tpu.memory_space<vmem>>, vector<16xf32>,
    %mul3A_1119 = arith.mulf %get3A_1118, %get3A_62 : vector<16xf32>
    %add3A_1120 = arith.addf %mul3A_1114, %mul3A_1119 : vector<16xf32>
    %get3A_1121 = arith.constant 26 : i32
    %get3A_1122 = arith.index_cast %get3A_1121 : i32 to index
    %get3A_1123 = arith.constant 32 : index
    %get3A_1124 = tpu.vector_load %arg8[%get3A_1122, %get3A_1123] {strides = array<i32>} : memref<40x128xf32, #tpu.memory_space<vmem>>, vector<16xf32>,
    %mul3A_1125 = arith.mulf %get3A_1124, %get3A_66 : vector<16xf32>
    %add3A_1126 = arith.addf %add3A_1120, %mul3A_1125 : vector<16xf32>
    %get3A_1127 = arith.constant 26 : i32
    %get3A_1128 = arith.index_cast %get3A_1127 : i32 to index
    %get3A_1129 = arith.constant 48 : index
    %get3A_1130 = tpu.vector_load %arg8[%get3A_1128, %get3A_1129] {strides = array<i32>} : memref<40x128xf32, #tpu.memory_space<vmem>>, vector<16xf32>,
    %mul3A_1131 = arith.mulf %get3A_1130, %get3A_70 : vector<16xf32>
    %add3A_1132 = arith.addf %add3A_1126, %mul3A_1131 : vector<16xf32>
    %get3A_1133 = arith.constant 26 : i32
    %get3A_1134 = arith.index_cast %get3A_1133 : i32 to index
    %get3A_1135 = arith.constant 64 : index
    %get3A_1136 = tpu.vector_load %arg8[%get3A_1134, %get3A_1135] {strides = array<i32>} : memref<40x128xf32, #tpu.memory_space<vmem>>, vector<16xf32>,
    %mul3A_1137 = arith.mulf %get3A_1136, %get3A_74 : vector<16xf32>
    %add3A_1138 = arith.addf %add3A_1132, %mul3A_1137 : vector<16xf32>
    %get3A_1139 = arith.constant 26 : i32
    %get3A_1140 = arith.index_cast %get3A_1139 : i32 to index
    %get3A_1141 = arith.constant 80 : index
    %get3A_1142 = tpu.vector_load %arg8[%get3A_1140, %get3A_1141] {strides = array<i32>} : memref<40x128xf32, #tpu.memory_space<vmem>>, vector<16xf32>,
    %mul3A_1143 = arith.mulf %get3A_1142, %get3A_78 : vector<16xf32>
    %add3A_1144 = arith.addf %add3A_1138, %mul3A_1143 : vector<16xf32>
    %get3A_1145 = arith.constant 26 : i32
    %get3A_1146 = arith.index_cast %get3A_1145 : i32 to index
    %get3A_1147 = arith.constant 96 : index
    %get3A_1148 = tpu.vector_load %arg8[%get3A_1146, %get3A_1147] {strides = array<i32>} : memref<40x128xf32, #tpu.memory_space<vmem>>, vector<16xf32>,
    %mul3A_1149 = arith.mulf %get3A_1148, %get3A_82 : vector<16xf32>
    %add3A_1150 = arith.addf %add3A_1144, %mul3A_1149 : vector<16xf32>
    %get3A_1151 = arith.constant 26 : i32
    %get3A_1152 = arith.index_cast %get3A_1151 : i32 to index
    %get3A_1153 = arith.constant 112 : index
    %get3A_1154 = tpu.vector_load %arg8[%get3A_1152, %get3A_1153] {strides = array<i32>} : memref<40x128xf32, #tpu.memory_space<vmem>>, vector<16xf32>,
    %mul3A_1155 = arith.mulf %get3A_1154, %get3A_86 : vector<16xf32>
    %add3A_1156 = arith.addf %add3A_1150, %mul3A_1155 : vector<16xf32>
    %eq3A_1157 = arith.constant 2 : i32
    %eq3A_1158 = vector.broadcast %eq3A_1157 : i32 to vector<16xi32>
    %eq3A_1159 = arith.cmpi eq, %iota3A, %eq3A_1158 : vector<16xi32>
    %reduce_sum3A_1160 = arith.constant true
    %reduce_sum3A_1161 = vector.broadcast %reduce_sum3A_1160 : i1 to vector<16xi1>
    %reduce_sum3A_1162 = tpu.scan <sum>, %add3A_1156 masked %reduce_sum3A_1161 : vector<16xf32>, vector<16xi1> -> vector<16xf32>
    %reduce_sum3A_1163 = vector.extract %reduce_sum3A_1162[15] : f32 from vector<16xf32>
    %broadcast_in_dim3A_1164 = vector.broadcast %reduce_sum3A_1163 : f32 to vector<16xf32>
    %select_n3A_1165 = arith.select %eq3A_1159, %broadcast_in_dim3A_1164, %select_n3A_1109 : vector<16xi1>, vector<16xf32>
    %get3A_1166 = arith.constant 27 : i32
    %get3A_1167 = arith.index_cast %get3A_1166 : i32 to index
    %get3A_1168 = arith.constant 0 : index
    %get3A_1169 = tpu.vector_load %arg8[%get3A_1167, %get3A_1168] {strides = array<i32>} : memref<40x128xf32, #tpu.memory_space<vmem>>, vector<16xf32>,
    %mul3A_1170 = arith.mulf %get3A_1169, %get3A_58 : vector<16xf32>
    %get3A_1171 = arith.constant 27 : i32
    %get3A_1172 = arith.index_cast %get3A_1171 : i32 to index
    %get3A_1173 = arith.constant 16 : index
    %get3A_1174 = tpu.vector_load %arg8[%get3A_1172, %get3A_1173] {strides = array<i32>} : memref<40x128xf32, #tpu.memory_space<vmem>>, vector<16xf32>,
    %mul3A_1175 = arith.mulf %get3A_1174, %get3A_62 : vector<16xf32>
    %add3A_1176 = arith.addf %mul3A_1170, %mul3A_1175 : vector<16xf32>
    %get3A_1177 = arith.constant 27 : i32
    %get3A_1178 = arith.index_cast %get3A_1177 : i32 to index
    %get3A_1179 = arith.constant 32 : index
    %get3A_1180 = tpu.vector_load %arg8[%get3A_1178, %get3A_1179] {strides = array<i32>} : memref<40x128xf32, #tpu.memory_space<vmem>>, vector<16xf32>,
    %mul3A_1181 = arith.mulf %get3A_1180, %get3A_66 : vector<16xf32>
    %add3A_1182 = arith.addf %add3A_1176, %mul3A_1181 : vector<16xf32>
    %get3A_1183 = arith.constant 27 : i32
    %get3A_1184 = arith.index_cast %get3A_1183 : i32 to index
    %get3A_1185 = arith.constant 48 : index
    %get3A_1186 = tpu.vector_load %arg8[%get3A_1184, %get3A_1185] {strides = array<i32>} : memref<40x128xf32, #tpu.memory_space<vmem>>, vector<16xf32>,
    %mul3A_1187 = arith.mulf %get3A_1186, %get3A_70 : vector<16xf32>
    %add3A_1188 = arith.addf %add3A_1182, %mul3A_1187 : vector<16xf32>
    %get3A_1189 = arith.constant 27 : i32
    %get3A_1190 = arith.index_cast %get3A_1189 : i32 to index
    %get3A_1191 = arith.constant 64 : index
    %get3A_1192 = tpu.vector_load %arg8[%get3A_1190, %get3A_1191] {strides = array<i32>} : memref<40x128xf32, #tpu.memory_space<vmem>>, vector<16xf32>,
    %mul3A_1193 = arith.mulf %get3A_1192, %get3A_74 : vector<16xf32>
    %add3A_1194 = arith.addf %add3A_1188, %mul3A_1193 : vector<16xf32>
    %get3A_1195 = arith.constant 27 : i32
    %get3A_1196 = arith.index_cast %get3A_1195 : i32 to index
    %get3A_1197 = arith.constant 80 : index
    %get3A_1198 = tpu.vector_load %arg8[%get3A_1196, %get3A_1197] {strides = array<i32>} : memref<40x128xf32, #tpu.memory_space<vmem>>, vector<16xf32>,
    %mul3A_1199 = arith.mulf %get3A_1198, %get3A_78 : vector<16xf32>
    %add3A_1200 = arith.addf %add3A_1194, %mul3A_1199 : vector<16xf32>
    %get3A_1201 = arith.constant 27 : i32
    %get3A_1202 = arith.index_cast %get3A_1201 : i32 to index
    %get3A_1203 = arith.constant 96 : index
    %get3A_1204 = tpu.vector_load %arg8[%get3A_1202, %get3A_1203] {strides = array<i32>} : memref<40x128xf32, #tpu.memory_space<vmem>>, vector<16xf32>,
    %mul3A_1205 = arith.mulf %get3A_1204, %get3A_82 : vector<16xf32>
    %add3A_1206 = arith.addf %add3A_1200, %mul3A_1205 : vector<16xf32>
    %get3A_1207 = arith.constant 27 : i32
    %get3A_1208 = arith.index_cast %get3A_1207 : i32 to index
    %get3A_1209 = arith.constant 112 : index
    %get3A_1210 = tpu.vector_load %arg8[%get3A_1208, %get3A_1209] {strides = array<i32>} : memref<40x128xf32, #tpu.memory_space<vmem>>, vector<16xf32>,
    %mul3A_1211 = arith.mulf %get3A_1210, %get3A_86 : vector<16xf32>
    %add3A_1212 = arith.addf %add3A_1206, %mul3A_1211 : vector<16xf32>
    %eq3A_1213 = arith.constant 3 : i32
    %eq3A_1214 = vector.broadcast %eq3A_1213 : i32 to vector<16xi32>
    %eq3A_1215 = arith.cmpi eq, %iota3A, %eq3A_1214 : vector<16xi32>
    %reduce_sum3A_1216 = arith.constant true
    %reduce_sum3A_1217 = vector.broadcast %reduce_sum3A_1216 : i1 to vector<16xi1>
    %reduce_sum3A_1218 = tpu.scan <sum>, %add3A_1212 masked %reduce_sum3A_1217 : vector<16xf32>, vector<16xi1> -> vector<16xf32>
    %reduce_sum3A_1219 = vector.extract %reduce_sum3A_1218[15] : f32 from vector<16xf32>
    %broadcast_in_dim3A_1220 = vector.broadcast %reduce_sum3A_1219 : f32 to vector<16xf32>
    %select_n3A_1221 = arith.select %eq3A_1215, %broadcast_in_dim3A_1220, %select_n3A_1165 : vector<16xi1>, vector<16xf32>
    %get3A_1222 = arith.constant 28 : i32
    %get3A_1223 = arith.index_cast %get3A_1222 : i32 to index
    %get3A_1224 = arith.constant 0 : index
    %get3A_1225 = tpu.vector_load %arg8[%get3A_1223, %get3A_1224] {strides = array<i32>} : memref<40x128xf32, #tpu.memory_space<vmem>>, vector<16xf32>,
    %mul3A_1226 = arith.mulf %get3A_1225, %get3A_58 : vector<16xf32>
    %get3A_1227 = arith.constant 28 : i32
    %get3A_1228 = arith.index_cast %get3A_1227 : i32 to index
    %get3A_1229 = arith.constant 16 : index
    %get3A_1230 = tpu.vector_load %arg8[%get3A_1228, %get3A_1229] {strides = array<i32>} : memref<40x128xf32, #tpu.memory_space<vmem>>, vector<16xf32>,
    %mul3A_1231 = arith.mulf %get3A_1230, %get3A_62 : vector<16xf32>
    %add3A_1232 = arith.addf %mul3A_1226, %mul3A_1231 : vector<16xf32>
    %get3A_1233 = arith.constant 28 : i32
    %get3A_1234 = arith.index_cast %get3A_1233 : i32 to index
    %get3A_1235 = arith.constant 32 : index
    %get3A_1236 = tpu.vector_load %arg8[%get3A_1234, %get3A_1235] {strides = array<i32>} : memref<40x128xf32, #tpu.memory_space<vmem>>, vector<16xf32>,
    %mul3A_1237 = arith.mulf %get3A_1236, %get3A_66 : vector<16xf32>
    %add3A_1238 = arith.addf %add3A_1232, %mul3A_1237 : vector<16xf32>
    %get3A_1239 = arith.constant 28 : i32
    %get3A_1240 = arith.index_cast %get3A_1239 : i32 to index
    %get3A_1241 = arith.constant 48 : index
    %get3A_1242 = tpu.vector_load %arg8[%get3A_1240, %get3A_1241] {strides = array<i32>} : memref<40x128xf32, #tpu.memory_space<vmem>>, vector<16xf32>,
    %mul3A_1243 = arith.mulf %get3A_1242, %get3A_70 : vector<16xf32>
    %add3A_1244 = arith.addf %add3A_1238, %mul3A_1243 : vector<16xf32>
    %get3A_1245 = arith.constant 28 : i32
    %get3A_1246 = arith.index_cast %get3A_1245 : i32 to index
    %get3A_1247 = arith.constant 64 : index
    %get3A_1248 = tpu.vector_load %arg8[%get3A_1246, %get3A_1247] {strides = array<i32>} : memref<40x128xf32, #tpu.memory_space<vmem>>, vector<16xf32>,
    %mul3A_1249 = arith.mulf %get3A_1248, %get3A_74 : vector<16xf32>
    %add3A_1250 = arith.addf %add3A_1244, %mul3A_1249 : vector<16xf32>
    %get3A_1251 = arith.constant 28 : i32
    %get3A_1252 = arith.index_cast %get3A_1251 : i32 to index
    %get3A_1253 = arith.constant 80 : index
    %get3A_1254 = tpu.vector_load %arg8[%get3A_1252, %get3A_1253] {strides = array<i32>} : memref<40x128xf32, #tpu.memory_space<vmem>>, vector<16xf32>,
    %mul3A_1255 = arith.mulf %get3A_1254, %get3A_78 : vector<16xf32>
    %add3A_1256 = arith.addf %add3A_1250, %mul3A_1255 : vector<16xf32>
    %get3A_1257 = arith.constant 28 : i32
    %get3A_1258 = arith.index_cast %get3A_1257 : i32 to index
    %get3A_1259 = arith.constant 96 : index
    %get3A_1260 = tpu.vector_load %arg8[%get3A_1258, %get3A_1259] {strides = array<i32>} : memref<40x128xf32, #tpu.memory_space<vmem>>, vector<16xf32>,
    %mul3A_1261 = arith.mulf %get3A_1260, %get3A_82 : vector<16xf32>
    %add3A_1262 = arith.addf %add3A_1256, %mul3A_1261 : vector<16xf32>
    %get3A_1263 = arith.constant 28 : i32
    %get3A_1264 = arith.index_cast %get3A_1263 : i32 to index
    %get3A_1265 = arith.constant 112 : index
    %get3A_1266 = tpu.vector_load %arg8[%get3A_1264, %get3A_1265] {strides = array<i32>} : memref<40x128xf32, #tpu.memory_space<vmem>>, vector<16xf32>,
    %mul3A_1267 = arith.mulf %get3A_1266, %get3A_86 : vector<16xf32>
    %add3A_1268 = arith.addf %add3A_1262, %mul3A_1267 : vector<16xf32>
    %eq3A_1269 = arith.constant 4 : i32
    %eq3A_1270 = vector.broadcast %eq3A_1269 : i32 to vector<16xi32>
    %eq3A_1271 = arith.cmpi eq, %iota3A, %eq3A_1270 : vector<16xi32>
    %reduce_sum3A_1272 = arith.constant true
    %reduce_sum3A_1273 = vector.broadcast %reduce_sum3A_1272 : i1 to vector<16xi1>
    %reduce_sum3A_1274 = tpu.scan <sum>, %add3A_1268 masked %reduce_sum3A_1273 : vector<16xf32>, vector<16xi1> -> vector<16xf32>
    %reduce_sum3A_1275 = vector.extract %reduce_sum3A_1274[15] : f32 from vector<16xf32>
    %broadcast_in_dim3A_1276 = vector.broadcast %reduce_sum3A_1275 : f32 to vector<16xf32>
    %select_n3A_1277 = arith.select %eq3A_1271, %broadcast_in_dim3A_1276, %select_n3A_1221 : vector<16xi1>, vector<16xf32>
    %get3A_1278 = arith.constant 29 : i32
    %get3A_1279 = arith.index_cast %get3A_1278 : i32 to index
    %get3A_1280 = arith.constant 0 : index
    %get3A_1281 = tpu.vector_load %arg8[%get3A_1279, %get3A_1280] {strides = array<i32>} : memref<40x128xf32, #tpu.memory_space<vmem>>, vector<16xf32>,
    %mul3A_1282 = arith.mulf %get3A_1281, %get3A_58 : vector<16xf32>
    %get3A_1283 = arith.constant 29 : i32
    %get3A_1284 = arith.index_cast %get3A_1283 : i32 to index
    %get3A_1285 = arith.constant 16 : index
    %get3A_1286 = tpu.vector_load %arg8[%get3A_1284, %get3A_1285] {strides = array<i32>} : memref<40x128xf32, #tpu.memory_space<vmem>>, vector<16xf32>,
    %mul3A_1287 = arith.mulf %get3A_1286, %get3A_62 : vector<16xf32>
    %add3A_1288 = arith.addf %mul3A_1282, %mul3A_1287 : vector<16xf32>
    %get3A_1289 = arith.constant 29 : i32
    %get3A_1290 = arith.index_cast %get3A_1289 : i32 to index
    %get3A_1291 = arith.constant 32 : index
    %get3A_1292 = tpu.vector_load %arg8[%get3A_1290, %get3A_1291] {strides = array<i32>} : memref<40x128xf32, #tpu.memory_space<vmem>>, vector<16xf32>,
    %mul3A_1293 = arith.mulf %get3A_1292, %get3A_66 : vector<16xf32>
    %add3A_1294 = arith.addf %add3A_1288, %mul3A_1293 : vector<16xf32>
    %get3A_1295 = arith.constant 29 : i32
    %get3A_1296 = arith.index_cast %get3A_1295 : i32 to index
    %get3A_1297 = arith.constant 48 : index
    %get3A_1298 = tpu.vector_load %arg8[%get3A_1296, %get3A_1297] {strides = array<i32>} : memref<40x128xf32, #tpu.memory_space<vmem>>, vector<16xf32>,
    %mul3A_1299 = arith.mulf %get3A_1298, %get3A_70 : vector<16xf32>
    %add3A_1300 = arith.addf %add3A_1294, %mul3A_1299 : vector<16xf32>
    %get3A_1301 = arith.constant 29 : i32
    %get3A_1302 = arith.index_cast %get3A_1301 : i32 to index
    %get3A_1303 = arith.constant 64 : index
    %get3A_1304 = tpu.vector_load %arg8[%get3A_1302, %get3A_1303] {strides = array<i32>} : memref<40x128xf32, #tpu.memory_space<vmem>>, vector<16xf32>,
    %mul3A_1305 = arith.mulf %get3A_1304, %get3A_74 : vector<16xf32>
    %add3A_1306 = arith.addf %add3A_1300, %mul3A_1305 : vector<16xf32>
    %get3A_1307 = arith.constant 29 : i32
    %get3A_1308 = arith.index_cast %get3A_1307 : i32 to index
    %get3A_1309 = arith.constant 80 : index
    %get3A_1310 = tpu.vector_load %arg8[%get3A_1308, %get3A_1309] {strides = array<i32>} : memref<40x128xf32, #tpu.memory_space<vmem>>, vector<16xf32>,
    %mul3A_1311 = arith.mulf %get3A_1310, %get3A_78 : vector<16xf32>
    %add3A_1312 = arith.addf %add3A_1306, %mul3A_1311 : vector<16xf32>
    %get3A_1313 = arith.constant 29 : i32
    %get3A_1314 = arith.index_cast %get3A_1313 : i32 to index
    %get3A_1315 = arith.constant 96 : index
    %get3A_1316 = tpu.vector_load %arg8[%get3A_1314, %get3A_1315] {strides = array<i32>} : memref<40x128xf32, #tpu.memory_space<vmem>>, vector<16xf32>,
    %mul3A_1317 = arith.mulf %get3A_1316, %get3A_82 : vector<16xf32>
    %add3A_1318 = arith.addf %add3A_1312, %mul3A_1317 : vector<16xf32>
    %get3A_1319 = arith.constant 29 : i32
    %get3A_1320 = arith.index_cast %get3A_1319 : i32 to index
    %get3A_1321 = arith.constant 112 : index
    %get3A_1322 = tpu.vector_load %arg8[%get3A_1320, %get3A_1321] {strides = array<i32>} : memref<40x128xf32, #tpu.memory_space<vmem>>, vector<16xf32>,
    %mul3A_1323 = arith.mulf %get3A_1322, %get3A_86 : vector<16xf32>
    %add3A_1324 = arith.addf %add3A_1318, %mul3A_1323 : vector<16xf32>
    %eq3A_1325 = arith.constant 5 : i32
    %eq3A_1326 = vector.broadcast %eq3A_1325 : i32 to vector<16xi32>
    %eq3A_1327 = arith.cmpi eq, %iota3A, %eq3A_1326 : vector<16xi32>
    %reduce_sum3A_1328 = arith.constant true
    %reduce_sum3A_1329 = vector.broadcast %reduce_sum3A_1328 : i1 to vector<16xi1>
    %reduce_sum3A_1330 = tpu.scan <sum>, %add3A_1324 masked %reduce_sum3A_1329 : vector<16xf32>, vector<16xi1> -> vector<16xf32>
    %reduce_sum3A_1331 = vector.extract %reduce_sum3A_1330[15] : f32 from vector<16xf32>
    %broadcast_in_dim3A_1332 = vector.broadcast %reduce_sum3A_1331 : f32 to vector<16xf32>
    %select_n3A_1333 = arith.select %eq3A_1327, %broadcast_in_dim3A_1332, %select_n3A_1277 : vector<16xi1>, vector<16xf32>
    %get3A_1334 = arith.constant 30 : i32
    %get3A_1335 = arith.index_cast %get3A_1334 : i32 to index
    %get3A_1336 = arith.constant 0 : index
    %get3A_1337 = tpu.vector_load %arg8[%get3A_1335, %get3A_1336] {strides = array<i32>} : memref<40x128xf32, #tpu.memory_space<vmem>>, vector<16xf32>,
    %mul3A_1338 = arith.mulf %get3A_1337, %get3A_58 : vector<16xf32>
    %get3A_1339 = arith.constant 30 : i32
    %get3A_1340 = arith.index_cast %get3A_1339 : i32 to index
    %get3A_1341 = arith.constant 16 : index
    %get3A_1342 = tpu.vector_load %arg8[%get3A_1340, %get3A_1341] {strides = array<i32>} : memref<40x128xf32, #tpu.memory_space<vmem>>, vector<16xf32>,
    %mul3A_1343 = arith.mulf %get3A_1342, %get3A_62 : vector<16xf32>
    %add3A_1344 = arith.addf %mul3A_1338, %mul3A_1343 : vector<16xf32>
    %get3A_1345 = arith.constant 30 : i32
    %get3A_1346 = arith.index_cast %get3A_1345 : i32 to index
    %get3A_1347 = arith.constant 32 : index
    %get3A_1348 = tpu.vector_load %arg8[%get3A_1346, %get3A_1347] {strides = array<i32>} : memref<40x128xf32, #tpu.memory_space<vmem>>, vector<16xf32>,
    %mul3A_1349 = arith.mulf %get3A_1348, %get3A_66 : vector<16xf32>
    %add3A_1350 = arith.addf %add3A_1344, %mul3A_1349 : vector<16xf32>
    %get3A_1351 = arith.constant 30 : i32
    %get3A_1352 = arith.index_cast %get3A_1351 : i32 to index
    %get3A_1353 = arith.constant 48 : index
    %get3A_1354 = tpu.vector_load %arg8[%get3A_1352, %get3A_1353] {strides = array<i32>} : memref<40x128xf32, #tpu.memory_space<vmem>>, vector<16xf32>,
    %mul3A_1355 = arith.mulf %get3A_1354, %get3A_70 : vector<16xf32>
    %add3A_1356 = arith.addf %add3A_1350, %mul3A_1355 : vector<16xf32>
    %get3A_1357 = arith.constant 30 : i32
    %get3A_1358 = arith.index_cast %get3A_1357 : i32 to index
    %get3A_1359 = arith.constant 64 : index
    %get3A_1360 = tpu.vector_load %arg8[%get3A_1358, %get3A_1359] {strides = array<i32>} : memref<40x128xf32, #tpu.memory_space<vmem>>, vector<16xf32>,
    %mul3A_1361 = arith.mulf %get3A_1360, %get3A_74 : vector<16xf32>
    %add3A_1362 = arith.addf %add3A_1356, %mul3A_1361 : vector<16xf32>
    %get3A_1363 = arith.constant 30 : i32
    %get3A_1364 = arith.index_cast %get3A_1363 : i32 to index
    %get3A_1365 = arith.constant 80 : index
    %get3A_1366 = tpu.vector_load %arg8[%get3A_1364, %get3A_1365] {strides = array<i32>} : memref<40x128xf32, #tpu.memory_space<vmem>>, vector<16xf32>,
    %mul3A_1367 = arith.mulf %get3A_1366, %get3A_78 : vector<16xf32>
    %add3A_1368 = arith.addf %add3A_1362, %mul3A_1367 : vector<16xf32>
    %get3A_1369 = arith.constant 30 : i32
    %get3A_1370 = arith.index_cast %get3A_1369 : i32 to index
    %get3A_1371 = arith.constant 96 : index
    %get3A_1372 = tpu.vector_load %arg8[%get3A_1370, %get3A_1371] {strides = array<i32>} : memref<40x128xf32, #tpu.memory_space<vmem>>, vector<16xf32>,
    %mul3A_1373 = arith.mulf %get3A_1372, %get3A_82 : vector<16xf32>
    %add3A_1374 = arith.addf %add3A_1368, %mul3A_1373 : vector<16xf32>
    %get3A_1375 = arith.constant 30 : i32
    %get3A_1376 = arith.index_cast %get3A_1375 : i32 to index
    %get3A_1377 = arith.constant 112 : index
    %get3A_1378 = tpu.vector_load %arg8[%get3A_1376, %get3A_1377] {strides = array<i32>} : memref<40x128xf32, #tpu.memory_space<vmem>>, vector<16xf32>,
    %mul3A_1379 = arith.mulf %get3A_1378, %get3A_86 : vector<16xf32>
    %add3A_1380 = arith.addf %add3A_1374, %mul3A_1379 : vector<16xf32>
    %eq3A_1381 = arith.constant 6 : i32
    %eq3A_1382 = vector.broadcast %eq3A_1381 : i32 to vector<16xi32>
    %eq3A_1383 = arith.cmpi eq, %iota3A, %eq3A_1382 : vector<16xi32>
    %reduce_sum3A_1384 = arith.constant true
    %reduce_sum3A_1385 = vector.broadcast %reduce_sum3A_1384 : i1 to vector<16xi1>
    %reduce_sum3A_1386 = tpu.scan <sum>, %add3A_1380 masked %reduce_sum3A_1385 : vector<16xf32>, vector<16xi1> -> vector<16xf32>
    %reduce_sum3A_1387 = vector.extract %reduce_sum3A_1386[15] : f32 from vector<16xf32>
    %broadcast_in_dim3A_1388 = vector.broadcast %reduce_sum3A_1387 : f32 to vector<16xf32>
    %select_n3A_1389 = arith.select %eq3A_1383, %broadcast_in_dim3A_1388, %select_n3A_1333 : vector<16xi1>, vector<16xf32>
    %get3A_1390 = arith.constant 31 : i32
    %get3A_1391 = arith.index_cast %get3A_1390 : i32 to index
    %get3A_1392 = arith.constant 0 : index
    %get3A_1393 = tpu.vector_load %arg8[%get3A_1391, %get3A_1392] {strides = array<i32>} : memref<40x128xf32, #tpu.memory_space<vmem>>, vector<16xf32>,
    %mul3A_1394 = arith.mulf %get3A_1393, %get3A_58 : vector<16xf32>
    %get3A_1395 = arith.constant 31 : i32
    %get3A_1396 = arith.index_cast %get3A_1395 : i32 to index
    %get3A_1397 = arith.constant 16 : index
    %get3A_1398 = tpu.vector_load %arg8[%get3A_1396, %get3A_1397] {strides = array<i32>} : memref<40x128xf32, #tpu.memory_space<vmem>>, vector<16xf32>,
    %mul3A_1399 = arith.mulf %get3A_1398, %get3A_62 : vector<16xf32>
    %add3A_1400 = arith.addf %mul3A_1394, %mul3A_1399 : vector<16xf32>
    %get3A_1401 = arith.constant 31 : i32
    %get3A_1402 = arith.index_cast %get3A_1401 : i32 to index
    %get3A_1403 = arith.constant 32 : index
    %get3A_1404 = tpu.vector_load %arg8[%get3A_1402, %get3A_1403] {strides = array<i32>} : memref<40x128xf32, #tpu.memory_space<vmem>>, vector<16xf32>,
    %mul3A_1405 = arith.mulf %get3A_1404, %get3A_66 : vector<16xf32>
    %add3A_1406 = arith.addf %add3A_1400, %mul3A_1405 : vector<16xf32>
    %get3A_1407 = arith.constant 31 : i32
    %get3A_1408 = arith.index_cast %get3A_1407 : i32 to index
    %get3A_1409 = arith.constant 48 : index
    %get3A_1410 = tpu.vector_load %arg8[%get3A_1408, %get3A_1409] {strides = array<i32>} : memref<40x128xf32, #tpu.memory_space<vmem>>, vector<16xf32>,
    %mul3A_1411 = arith.mulf %get3A_1410, %get3A_70 : vector<16xf32>
    %add3A_1412 = arith.addf %add3A_1406, %mul3A_1411 : vector<16xf32>
    %get3A_1413 = arith.constant 31 : i32
    %get3A_1414 = arith.index_cast %get3A_1413 : i32 to index
    %get3A_1415 = arith.constant 64 : index
    %get3A_1416 = tpu.vector_load %arg8[%get3A_1414, %get3A_1415] {strides = array<i32>} : memref<40x128xf32, #tpu.memory_space<vmem>>, vector<16xf32>,
    %mul3A_1417 = arith.mulf %get3A_1416, %get3A_74 : vector<16xf32>
    %add3A_1418 = arith.addf %add3A_1412, %mul3A_1417 : vector<16xf32>
    %get3A_1419 = arith.constant 31 : i32
    %get3A_1420 = arith.index_cast %get3A_1419 : i32 to index
    %get3A_1421 = arith.constant 80 : index
    %get3A_1422 = tpu.vector_load %arg8[%get3A_1420, %get3A_1421] {strides = array<i32>} : memref<40x128xf32, #tpu.memory_space<vmem>>, vector<16xf32>,
    %mul3A_1423 = arith.mulf %get3A_1422, %get3A_78 : vector<16xf32>
    %add3A_1424 = arith.addf %add3A_1418, %mul3A_1423 : vector<16xf32>
    %get3A_1425 = arith.constant 31 : i32
    %get3A_1426 = arith.index_cast %get3A_1425 : i32 to index
    %get3A_1427 = arith.constant 96 : index
    %get3A_1428 = tpu.vector_load %arg8[%get3A_1426, %get3A_1427] {strides = array<i32>} : memref<40x128xf32, #tpu.memory_space<vmem>>, vector<16xf32>,
    %mul3A_1429 = arith.mulf %get3A_1428, %get3A_82 : vector<16xf32>
    %add3A_1430 = arith.addf %add3A_1424, %mul3A_1429 : vector<16xf32>
    %get3A_1431 = arith.constant 31 : i32
    %get3A_1432 = arith.index_cast %get3A_1431 : i32 to index
    %get3A_1433 = arith.constant 112 : index
    %get3A_1434 = tpu.vector_load %arg8[%get3A_1432, %get3A_1433] {strides = array<i32>} : memref<40x128xf32, #tpu.memory_space<vmem>>, vector<16xf32>,
    %mul3A_1435 = arith.mulf %get3A_1434, %get3A_86 : vector<16xf32>
    %add3A_1436 = arith.addf %add3A_1430, %mul3A_1435 : vector<16xf32>
    %eq3A_1437 = arith.constant 7 : i32
    %eq3A_1438 = vector.broadcast %eq3A_1437 : i32 to vector<16xi32>
    %eq3A_1439 = arith.cmpi eq, %iota3A, %eq3A_1438 : vector<16xi32>
    %reduce_sum3A_1440 = arith.constant true
    %reduce_sum3A_1441 = vector.broadcast %reduce_sum3A_1440 : i1 to vector<16xi1>
    %reduce_sum3A_1442 = tpu.scan <sum>, %add3A_1436 masked %reduce_sum3A_1441 : vector<16xf32>, vector<16xi1> -> vector<16xf32>
    %reduce_sum3A_1443 = vector.extract %reduce_sum3A_1442[15] : f32 from vector<16xf32>
    %broadcast_in_dim3A_1444 = vector.broadcast %reduce_sum3A_1443 : f32 to vector<16xf32>
    %select_n3A_1445 = arith.select %eq3A_1439, %broadcast_in_dim3A_1444, %select_n3A_1389 : vector<16xi1>, vector<16xf32>
    %get3A_1446 = arith.constant 32 : i32
    %get3A_1447 = arith.index_cast %get3A_1446 : i32 to index
    %get3A_1448 = arith.constant 0 : index
    %get3A_1449 = tpu.vector_load %arg8[%get3A_1447, %get3A_1448] {strides = array<i32>} : memref<40x128xf32, #tpu.memory_space<vmem>>, vector<16xf32>,
    %mul3A_1450 = arith.mulf %get3A_1449, %get3A_58 : vector<16xf32>
    %get3A_1451 = arith.constant 32 : i32
    %get3A_1452 = arith.index_cast %get3A_1451 : i32 to index
    %get3A_1453 = arith.constant 16 : index
    %get3A_1454 = tpu.vector_load %arg8[%get3A_1452, %get3A_1453] {strides = array<i32>} : memref<40x128xf32, #tpu.memory_space<vmem>>, vector<16xf32>,
    %mul3A_1455 = arith.mulf %get3A_1454, %get3A_62 : vector<16xf32>
    %add3A_1456 = arith.addf %mul3A_1450, %mul3A_1455 : vector<16xf32>
    %get3A_1457 = arith.constant 32 : i32
    %get3A_1458 = arith.index_cast %get3A_1457 : i32 to index
    %get3A_1459 = arith.constant 32 : index
    %get3A_1460 = tpu.vector_load %arg8[%get3A_1458, %get3A_1459] {strides = array<i32>} : memref<40x128xf32, #tpu.memory_space<vmem>>, vector<16xf32>,
    %mul3A_1461 = arith.mulf %get3A_1460, %get3A_66 : vector<16xf32>
    %add3A_1462 = arith.addf %add3A_1456, %mul3A_1461 : vector<16xf32>
    %get3A_1463 = arith.constant 32 : i32
    %get3A_1464 = arith.index_cast %get3A_1463 : i32 to index
    %get3A_1465 = arith.constant 48 : index
    %get3A_1466 = tpu.vector_load %arg8[%get3A_1464, %get3A_1465] {strides = array<i32>} : memref<40x128xf32, #tpu.memory_space<vmem>>, vector<16xf32>,
    %mul3A_1467 = arith.mulf %get3A_1466, %get3A_70 : vector<16xf32>
    %add3A_1468 = arith.addf %add3A_1462, %mul3A_1467 : vector<16xf32>
    %get3A_1469 = arith.constant 32 : i32
    %get3A_1470 = arith.index_cast %get3A_1469 : i32 to index
    %get3A_1471 = arith.constant 64 : index
    %get3A_1472 = tpu.vector_load %arg8[%get3A_1470, %get3A_1471] {strides = array<i32>} : memref<40x128xf32, #tpu.memory_space<vmem>>, vector<16xf32>,
    %mul3A_1473 = arith.mulf %get3A_1472, %get3A_74 : vector<16xf32>
    %add3A_1474 = arith.addf %add3A_1468, %mul3A_1473 : vector<16xf32>
    %get3A_1475 = arith.constant 32 : i32
    %get3A_1476 = arith.index_cast %get3A_1475 : i32 to index
    %get3A_1477 = arith.constant 80 : index
    %get3A_1478 = tpu.vector_load %arg8[%get3A_1476, %get3A_1477] {strides = array<i32>} : memref<40x128xf32, #tpu.memory_space<vmem>>, vector<16xf32>,
    %mul3A_1479 = arith.mulf %get3A_1478, %get3A_78 : vector<16xf32>
    %add3A_1480 = arith.addf %add3A_1474, %mul3A_1479 : vector<16xf32>
    %get3A_1481 = arith.constant 32 : i32
    %get3A_1482 = arith.index_cast %get3A_1481 : i32 to index
    %get3A_1483 = arith.constant 96 : index
    %get3A_1484 = tpu.vector_load %arg8[%get3A_1482, %get3A_1483] {strides = array<i32>} : memref<40x128xf32, #tpu.memory_space<vmem>>, vector<16xf32>,
    %mul3A_1485 = arith.mulf %get3A_1484, %get3A_82 : vector<16xf32>
    %add3A_1486 = arith.addf %add3A_1480, %mul3A_1485 : vector<16xf32>
    %get3A_1487 = arith.constant 32 : i32
    %get3A_1488 = arith.index_cast %get3A_1487 : i32 to index
    %get3A_1489 = arith.constant 112 : index
    %get3A_1490 = tpu.vector_load %arg8[%get3A_1488, %get3A_1489] {strides = array<i32>} : memref<40x128xf32, #tpu.memory_space<vmem>>, vector<16xf32>,
    %mul3A_1491 = arith.mulf %get3A_1490, %get3A_86 : vector<16xf32>
    %add3A_1492 = arith.addf %add3A_1486, %mul3A_1491 : vector<16xf32>
    %eq3A_1493 = arith.constant 8 : i32
    %eq3A_1494 = vector.broadcast %eq3A_1493 : i32 to vector<16xi32>
    %eq3A_1495 = arith.cmpi eq, %iota3A, %eq3A_1494 : vector<16xi32>
    %reduce_sum3A_1496 = arith.constant true
    %reduce_sum3A_1497 = vector.broadcast %reduce_sum3A_1496 : i1 to vector<16xi1>
    %reduce_sum3A_1498 = tpu.scan <sum>, %add3A_1492 masked %reduce_sum3A_1497 : vector<16xf32>, vector<16xi1> -> vector<16xf32>
    %reduce_sum3A_1499 = vector.extract %reduce_sum3A_1498[15] : f32 from vector<16xf32>
    %broadcast_in_dim3A_1500 = vector.broadcast %reduce_sum3A_1499 : f32 to vector<16xf32>
    %select_n3A_1501 = arith.select %eq3A_1495, %broadcast_in_dim3A_1500, %select_n3A_1445 : vector<16xi1>, vector<16xf32>
    %get3A_1502 = arith.constant 33 : i32
    %get3A_1503 = arith.index_cast %get3A_1502 : i32 to index
    %get3A_1504 = arith.constant 0 : index
    %get3A_1505 = tpu.vector_load %arg8[%get3A_1503, %get3A_1504] {strides = array<i32>} : memref<40x128xf32, #tpu.memory_space<vmem>>, vector<16xf32>,
    %mul3A_1506 = arith.mulf %get3A_1505, %get3A_58 : vector<16xf32>
    %get3A_1507 = arith.constant 33 : i32
    %get3A_1508 = arith.index_cast %get3A_1507 : i32 to index
    %get3A_1509 = arith.constant 16 : index
    %get3A_1510 = tpu.vector_load %arg8[%get3A_1508, %get3A_1509] {strides = array<i32>} : memref<40x128xf32, #tpu.memory_space<vmem>>, vector<16xf32>,
    %mul3A_1511 = arith.mulf %get3A_1510, %get3A_62 : vector<16xf32>
    %add3A_1512 = arith.addf %mul3A_1506, %mul3A_1511 : vector<16xf32>
    %get3A_1513 = arith.constant 33 : i32
    %get3A_1514 = arith.index_cast %get3A_1513 : i32 to index
    %get3A_1515 = arith.constant 32 : index
    %get3A_1516 = tpu.vector_load %arg8[%get3A_1514, %get3A_1515] {strides = array<i32>} : memref<40x128xf32, #tpu.memory_space<vmem>>, vector<16xf32>,
    %mul3A_1517 = arith.mulf %get3A_1516, %get3A_66 : vector<16xf32>
    %add3A_1518 = arith.addf %add3A_1512, %mul3A_1517 : vector<16xf32>
    %get3A_1519 = arith.constant 33 : i32
    %get3A_1520 = arith.index_cast %get3A_1519 : i32 to index
    %get3A_1521 = arith.constant 48 : index
    %get3A_1522 = tpu.vector_load %arg8[%get3A_1520, %get3A_1521] {strides = array<i32>} : memref<40x128xf32, #tpu.memory_space<vmem>>, vector<16xf32>,
    %mul3A_1523 = arith.mulf %get3A_1522, %get3A_70 : vector<16xf32>
    %add3A_1524 = arith.addf %add3A_1518, %mul3A_1523 : vector<16xf32>
    %get3A_1525 = arith.constant 33 : i32
    %get3A_1526 = arith.index_cast %get3A_1525 : i32 to index
    %get3A_1527 = arith.constant 64 : index
    %get3A_1528 = tpu.vector_load %arg8[%get3A_1526, %get3A_1527] {strides = array<i32>} : memref<40x128xf32, #tpu.memory_space<vmem>>, vector<16xf32>,
    %mul3A_1529 = arith.mulf %get3A_1528, %get3A_74 : vector<16xf32>
    %add3A_1530 = arith.addf %add3A_1524, %mul3A_1529 : vector<16xf32>
    %get3A_1531 = arith.constant 33 : i32
    %get3A_1532 = arith.index_cast %get3A_1531 : i32 to index
    %get3A_1533 = arith.constant 80 : index
    %get3A_1534 = tpu.vector_load %arg8[%get3A_1532, %get3A_1533] {strides = array<i32>} : memref<40x128xf32, #tpu.memory_space<vmem>>, vector<16xf32>,
    %mul3A_1535 = arith.mulf %get3A_1534, %get3A_78 : vector<16xf32>
    %add3A_1536 = arith.addf %add3A_1530, %mul3A_1535 : vector<16xf32>
    %get3A_1537 = arith.constant 33 : i32
    %get3A_1538 = arith.index_cast %get3A_1537 : i32 to index
    %get3A_1539 = arith.constant 96 : index
    %get3A_1540 = tpu.vector_load %arg8[%get3A_1538, %get3A_1539] {strides = array<i32>} : memref<40x128xf32, #tpu.memory_space<vmem>>, vector<16xf32>,
    %mul3A_1541 = arith.mulf %get3A_1540, %get3A_82 : vector<16xf32>
    %add3A_1542 = arith.addf %add3A_1536, %mul3A_1541 : vector<16xf32>
    %get3A_1543 = arith.constant 33 : i32
    %get3A_1544 = arith.index_cast %get3A_1543 : i32 to index
    %get3A_1545 = arith.constant 112 : index
    %get3A_1546 = tpu.vector_load %arg8[%get3A_1544, %get3A_1545] {strides = array<i32>} : memref<40x128xf32, #tpu.memory_space<vmem>>, vector<16xf32>,
    %mul3A_1547 = arith.mulf %get3A_1546, %get3A_86 : vector<16xf32>
    %add3A_1548 = arith.addf %add3A_1542, %mul3A_1547 : vector<16xf32>
    %eq3A_1549 = arith.constant 9 : i32
    %eq3A_1550 = vector.broadcast %eq3A_1549 : i32 to vector<16xi32>
    %eq3A_1551 = arith.cmpi eq, %iota3A, %eq3A_1550 : vector<16xi32>
    %reduce_sum3A_1552 = arith.constant true
    %reduce_sum3A_1553 = vector.broadcast %reduce_sum3A_1552 : i1 to vector<16xi1>
    %reduce_sum3A_1554 = tpu.scan <sum>, %add3A_1548 masked %reduce_sum3A_1553 : vector<16xf32>, vector<16xi1> -> vector<16xf32>
    %reduce_sum3A_1555 = vector.extract %reduce_sum3A_1554[15] : f32 from vector<16xf32>
    %broadcast_in_dim3A_1556 = vector.broadcast %reduce_sum3A_1555 : f32 to vector<16xf32>
    %select_n3A_1557 = arith.select %eq3A_1551, %broadcast_in_dim3A_1556, %select_n3A_1501 : vector<16xi1>, vector<16xf32>
    %get3A_1558 = arith.constant 34 : i32
    %get3A_1559 = arith.index_cast %get3A_1558 : i32 to index
    %get3A_1560 = arith.constant 0 : index
    %get3A_1561 = tpu.vector_load %arg8[%get3A_1559, %get3A_1560] {strides = array<i32>} : memref<40x128xf32, #tpu.memory_space<vmem>>, vector<16xf32>,
    %mul3A_1562 = arith.mulf %get3A_1561, %get3A_58 : vector<16xf32>
    %get3A_1563 = arith.constant 34 : i32
    %get3A_1564 = arith.index_cast %get3A_1563 : i32 to index
    %get3A_1565 = arith.constant 16 : index
    %get3A_1566 = tpu.vector_load %arg8[%get3A_1564, %get3A_1565] {strides = array<i32>} : memref<40x128xf32, #tpu.memory_space<vmem>>, vector<16xf32>,
    %mul3A_1567 = arith.mulf %get3A_1566, %get3A_62 : vector<16xf32>
    %add3A_1568 = arith.addf %mul3A_1562, %mul3A_1567 : vector<16xf32>
    %get3A_1569 = arith.constant 34 : i32
    %get3A_1570 = arith.index_cast %get3A_1569 : i32 to index
    %get3A_1571 = arith.constant 32 : index
    %get3A_1572 = tpu.vector_load %arg8[%get3A_1570, %get3A_1571] {strides = array<i32>} : memref<40x128xf32, #tpu.memory_space<vmem>>, vector<16xf32>,
    %mul3A_1573 = arith.mulf %get3A_1572, %get3A_66 : vector<16xf32>
    %add3A_1574 = arith.addf %add3A_1568, %mul3A_1573 : vector<16xf32>
    %get3A_1575 = arith.constant 34 : i32
    %get3A_1576 = arith.index_cast %get3A_1575 : i32 to index
    %get3A_1577 = arith.constant 48 : index
    %get3A_1578 = tpu.vector_load %arg8[%get3A_1576, %get3A_1577] {strides = array<i32>} : memref<40x128xf32, #tpu.memory_space<vmem>>, vector<16xf32>,
    %mul3A_1579 = arith.mulf %get3A_1578, %get3A_70 : vector<16xf32>
    %add3A_1580 = arith.addf %add3A_1574, %mul3A_1579 : vector<16xf32>
    %get3A_1581 = arith.constant 34 : i32
    %get3A_1582 = arith.index_cast %get3A_1581 : i32 to index
    %get3A_1583 = arith.constant 64 : index
    %get3A_1584 = tpu.vector_load %arg8[%get3A_1582, %get3A_1583] {strides = array<i32>} : memref<40x128xf32, #tpu.memory_space<vmem>>, vector<16xf32>,
    %mul3A_1585 = arith.mulf %get3A_1584, %get3A_74 : vector<16xf32>
    %add3A_1586 = arith.addf %add3A_1580, %mul3A_1585 : vector<16xf32>
    %get3A_1587 = arith.constant 34 : i32
    %get3A_1588 = arith.index_cast %get3A_1587 : i32 to index
    %get3A_1589 = arith.constant 80 : index
    %get3A_1590 = tpu.vector_load %arg8[%get3A_1588, %get3A_1589] {strides = array<i32>} : memref<40x128xf32, #tpu.memory_space<vmem>>, vector<16xf32>,
    %mul3A_1591 = arith.mulf %get3A_1590, %get3A_78 : vector<16xf32>
    %add3A_1592 = arith.addf %add3A_1586, %mul3A_1591 : vector<16xf32>
    %get3A_1593 = arith.constant 34 : i32
    %get3A_1594 = arith.index_cast %get3A_1593 : i32 to index
    %get3A_1595 = arith.constant 96 : index
    %get3A_1596 = tpu.vector_load %arg8[%get3A_1594, %get3A_1595] {strides = array<i32>} : memref<40x128xf32, #tpu.memory_space<vmem>>, vector<16xf32>,
    %mul3A_1597 = arith.mulf %get3A_1596, %get3A_82 : vector<16xf32>
    %add3A_1598 = arith.addf %add3A_1592, %mul3A_1597 : vector<16xf32>
    %get3A_1599 = arith.constant 34 : i32
    %get3A_1600 = arith.index_cast %get3A_1599 : i32 to index
    %get3A_1601 = arith.constant 112 : index
    %get3A_1602 = tpu.vector_load %arg8[%get3A_1600, %get3A_1601] {strides = array<i32>} : memref<40x128xf32, #tpu.memory_space<vmem>>, vector<16xf32>,
    %mul3A_1603 = arith.mulf %get3A_1602, %get3A_86 : vector<16xf32>
    %add3A_1604 = arith.addf %add3A_1598, %mul3A_1603 : vector<16xf32>
    %eq3A_1605 = arith.constant 10 : i32
    %eq3A_1606 = vector.broadcast %eq3A_1605 : i32 to vector<16xi32>
    %eq3A_1607 = arith.cmpi eq, %iota3A, %eq3A_1606 : vector<16xi32>
    %reduce_sum3A_1608 = arith.constant true
    %reduce_sum3A_1609 = vector.broadcast %reduce_sum3A_1608 : i1 to vector<16xi1>
    %reduce_sum3A_1610 = tpu.scan <sum>, %add3A_1604 masked %reduce_sum3A_1609 : vector<16xf32>, vector<16xi1> -> vector<16xf32>
    %reduce_sum3A_1611 = vector.extract %reduce_sum3A_1610[15] : f32 from vector<16xf32>
    %broadcast_in_dim3A_1612 = vector.broadcast %reduce_sum3A_1611 : f32 to vector<16xf32>
    %select_n3A_1613 = arith.select %eq3A_1607, %broadcast_in_dim3A_1612, %select_n3A_1557 : vector<16xi1>, vector<16xf32>
    %get3A_1614 = arith.constant 35 : i32
    %get3A_1615 = arith.index_cast %get3A_1614 : i32 to index
    %get3A_1616 = arith.constant 0 : index
    %get3A_1617 = tpu.vector_load %arg8[%get3A_1615, %get3A_1616] {strides = array<i32>} : memref<40x128xf32, #tpu.memory_space<vmem>>, vector<16xf32>,
    %mul3A_1618 = arith.mulf %get3A_1617, %get3A_58 : vector<16xf32>
    %get3A_1619 = arith.constant 35 : i32
    %get3A_1620 = arith.index_cast %get3A_1619 : i32 to index
    %get3A_1621 = arith.constant 16 : index
    %get3A_1622 = tpu.vector_load %arg8[%get3A_1620, %get3A_1621] {strides = array<i32>} : memref<40x128xf32, #tpu.memory_space<vmem>>, vector<16xf32>,
    %mul3A_1623 = arith.mulf %get3A_1622, %get3A_62 : vector<16xf32>
    %add3A_1624 = arith.addf %mul3A_1618, %mul3A_1623 : vector<16xf32>
    %get3A_1625 = arith.constant 35 : i32
    %get3A_1626 = arith.index_cast %get3A_1625 : i32 to index
    %get3A_1627 = arith.constant 32 : index
    %get3A_1628 = tpu.vector_load %arg8[%get3A_1626, %get3A_1627] {strides = array<i32>} : memref<40x128xf32, #tpu.memory_space<vmem>>, vector<16xf32>,
    %mul3A_1629 = arith.mulf %get3A_1628, %get3A_66 : vector<16xf32>
    %add3A_1630 = arith.addf %add3A_1624, %mul3A_1629 : vector<16xf32>
    %get3A_1631 = arith.constant 35 : i32
    %get3A_1632 = arith.index_cast %get3A_1631 : i32 to index
    %get3A_1633 = arith.constant 48 : index
    %get3A_1634 = tpu.vector_load %arg8[%get3A_1632, %get3A_1633] {strides = array<i32>} : memref<40x128xf32, #tpu.memory_space<vmem>>, vector<16xf32>,
    %mul3A_1635 = arith.mulf %get3A_1634, %get3A_70 : vector<16xf32>
    %add3A_1636 = arith.addf %add3A_1630, %mul3A_1635 : vector<16xf32>
    %get3A_1637 = arith.constant 35 : i32
    %get3A_1638 = arith.index_cast %get3A_1637 : i32 to index
    %get3A_1639 = arith.constant 64 : index
    %get3A_1640 = tpu.vector_load %arg8[%get3A_1638, %get3A_1639] {strides = array<i32>} : memref<40x128xf32, #tpu.memory_space<vmem>>, vector<16xf32>,
    %mul3A_1641 = arith.mulf %get3A_1640, %get3A_74 : vector<16xf32>
    %add3A_1642 = arith.addf %add3A_1636, %mul3A_1641 : vector<16xf32>
    %get3A_1643 = arith.constant 35 : i32
    %get3A_1644 = arith.index_cast %get3A_1643 : i32 to index
    %get3A_1645 = arith.constant 80 : index
    %get3A_1646 = tpu.vector_load %arg8[%get3A_1644, %get3A_1645] {strides = array<i32>} : memref<40x128xf32, #tpu.memory_space<vmem>>, vector<16xf32>,
    %mul3A_1647 = arith.mulf %get3A_1646, %get3A_78 : vector<16xf32>
    %add3A_1648 = arith.addf %add3A_1642, %mul3A_1647 : vector<16xf32>
    %get3A_1649 = arith.constant 35 : i32
    %get3A_1650 = arith.index_cast %get3A_1649 : i32 to index
    %get3A_1651 = arith.constant 96 : index
    %get3A_1652 = tpu.vector_load %arg8[%get3A_1650, %get3A_1651] {strides = array<i32>} : memref<40x128xf32, #tpu.memory_space<vmem>>, vector<16xf32>,
    %mul3A_1653 = arith.mulf %get3A_1652, %get3A_82 : vector<16xf32>
    %add3A_1654 = arith.addf %add3A_1648, %mul3A_1653 : vector<16xf32>
    %get3A_1655 = arith.constant 35 : i32
    %get3A_1656 = arith.index_cast %get3A_1655 : i32 to index
    %get3A_1657 = arith.constant 112 : index
    %get3A_1658 = tpu.vector_load %arg8[%get3A_1656, %get3A_1657] {strides = array<i32>} : memref<40x128xf32, #tpu.memory_space<vmem>>, vector<16xf32>,
    %mul3A_1659 = arith.mulf %get3A_1658, %get3A_86 : vector<16xf32>
    %add3A_1660 = arith.addf %add3A_1654, %mul3A_1659 : vector<16xf32>
    %eq3A_1661 = arith.constant 11 : i32
    %eq3A_1662 = vector.broadcast %eq3A_1661 : i32 to vector<16xi32>
    %eq3A_1663 = arith.cmpi eq, %iota3A, %eq3A_1662 : vector<16xi32>
    %reduce_sum3A_1664 = arith.constant true
    %reduce_sum3A_1665 = vector.broadcast %reduce_sum3A_1664 : i1 to vector<16xi1>
    %reduce_sum3A_1666 = tpu.scan <sum>, %add3A_1660 masked %reduce_sum3A_1665 : vector<16xf32>, vector<16xi1> -> vector<16xf32>
    %reduce_sum3A_1667 = vector.extract %reduce_sum3A_1666[15] : f32 from vector<16xf32>
    %broadcast_in_dim3A_1668 = vector.broadcast %reduce_sum3A_1667 : f32 to vector<16xf32>
    %select_n3A_1669 = arith.select %eq3A_1663, %broadcast_in_dim3A_1668, %select_n3A_1613 : vector<16xi1>, vector<16xf32>
    %get3A_1670 = arith.constant 36 : i32
    %get3A_1671 = arith.index_cast %get3A_1670 : i32 to index
    %get3A_1672 = arith.constant 0 : index
    %get3A_1673 = tpu.vector_load %arg8[%get3A_1671, %get3A_1672] {strides = array<i32>} : memref<40x128xf32, #tpu.memory_space<vmem>>, vector<16xf32>,
    %mul3A_1674 = arith.mulf %get3A_1673, %get3A_58 : vector<16xf32>
    %get3A_1675 = arith.constant 36 : i32
    %get3A_1676 = arith.index_cast %get3A_1675 : i32 to index
    %get3A_1677 = arith.constant 16 : index
    %get3A_1678 = tpu.vector_load %arg8[%get3A_1676, %get3A_1677] {strides = array<i32>} : memref<40x128xf32, #tpu.memory_space<vmem>>, vector<16xf32>,
    %mul3A_1679 = arith.mulf %get3A_1678, %get3A_62 : vector<16xf32>
    %add3A_1680 = arith.addf %mul3A_1674, %mul3A_1679 : vector<16xf32>
    %get3A_1681 = arith.constant 36 : i32
    %get3A_1682 = arith.index_cast %get3A_1681 : i32 to index
    %get3A_1683 = arith.constant 32 : index
    %get3A_1684 = tpu.vector_load %arg8[%get3A_1682, %get3A_1683] {strides = array<i32>} : memref<40x128xf32, #tpu.memory_space<vmem>>, vector<16xf32>,
    %mul3A_1685 = arith.mulf %get3A_1684, %get3A_66 : vector<16xf32>
    %add3A_1686 = arith.addf %add3A_1680, %mul3A_1685 : vector<16xf32>
    %get3A_1687 = arith.constant 36 : i32
    %get3A_1688 = arith.index_cast %get3A_1687 : i32 to index
    %get3A_1689 = arith.constant 48 : index
    %get3A_1690 = tpu.vector_load %arg8[%get3A_1688, %get3A_1689] {strides = array<i32>} : memref<40x128xf32, #tpu.memory_space<vmem>>, vector<16xf32>,
    %mul3A_1691 = arith.mulf %get3A_1690, %get3A_70 : vector<16xf32>
    %add3A_1692 = arith.addf %add3A_1686, %mul3A_1691 : vector<16xf32>
    %get3A_1693 = arith.constant 36 : i32
    %get3A_1694 = arith.index_cast %get3A_1693 : i32 to index
    %get3A_1695 = arith.constant 64 : index
    %get3A_1696 = tpu.vector_load %arg8[%get3A_1694, %get3A_1695] {strides = array<i32>} : memref<40x128xf32, #tpu.memory_space<vmem>>, vector<16xf32>,
    %mul3A_1697 = arith.mulf %get3A_1696, %get3A_74 : vector<16xf32>
    %add3A_1698 = arith.addf %add3A_1692, %mul3A_1697 : vector<16xf32>
    %get3A_1699 = arith.constant 36 : i32
    %get3A_1700 = arith.index_cast %get3A_1699 : i32 to index
    %get3A_1701 = arith.constant 80 : index
    %get3A_1702 = tpu.vector_load %arg8[%get3A_1700, %get3A_1701] {strides = array<i32>} : memref<40x128xf32, #tpu.memory_space<vmem>>, vector<16xf32>,
    %mul3A_1703 = arith.mulf %get3A_1702, %get3A_78 : vector<16xf32>
    %add3A_1704 = arith.addf %add3A_1698, %mul3A_1703 : vector<16xf32>
    %get3A_1705 = arith.constant 36 : i32
    %get3A_1706 = arith.index_cast %get3A_1705 : i32 to index
    %get3A_1707 = arith.constant 96 : index
    %get3A_1708 = tpu.vector_load %arg8[%get3A_1706, %get3A_1707] {strides = array<i32>} : memref<40x128xf32, #tpu.memory_space<vmem>>, vector<16xf32>,
    %mul3A_1709 = arith.mulf %get3A_1708, %get3A_82 : vector<16xf32>
    %add3A_1710 = arith.addf %add3A_1704, %mul3A_1709 : vector<16xf32>
    %get3A_1711 = arith.constant 36 : i32
    %get3A_1712 = arith.index_cast %get3A_1711 : i32 to index
    %get3A_1713 = arith.constant 112 : index
    %get3A_1714 = tpu.vector_load %arg8[%get3A_1712, %get3A_1713] {strides = array<i32>} : memref<40x128xf32, #tpu.memory_space<vmem>>, vector<16xf32>,
    %mul3A_1715 = arith.mulf %get3A_1714, %get3A_86 : vector<16xf32>
    %add3A_1716 = arith.addf %add3A_1710, %mul3A_1715 : vector<16xf32>
    %eq3A_1717 = arith.constant 12 : i32
    %eq3A_1718 = vector.broadcast %eq3A_1717 : i32 to vector<16xi32>
    %eq3A_1719 = arith.cmpi eq, %iota3A, %eq3A_1718 : vector<16xi32>
    %reduce_sum3A_1720 = arith.constant true
    %reduce_sum3A_1721 = vector.broadcast %reduce_sum3A_1720 : i1 to vector<16xi1>
    %reduce_sum3A_1722 = tpu.scan <sum>, %add3A_1716 masked %reduce_sum3A_1721 : vector<16xf32>, vector<16xi1> -> vector<16xf32>
    %reduce_sum3A_1723 = vector.extract %reduce_sum3A_1722[15] : f32 from vector<16xf32>
    %broadcast_in_dim3A_1724 = vector.broadcast %reduce_sum3A_1723 : f32 to vector<16xf32>
    %select_n3A_1725 = arith.select %eq3A_1719, %broadcast_in_dim3A_1724, %select_n3A_1669 : vector<16xi1>, vector<16xf32>
    %get3A_1726 = arith.constant 37 : i32
    %get3A_1727 = arith.index_cast %get3A_1726 : i32 to index
    %get3A_1728 = arith.constant 0 : index
    %get3A_1729 = tpu.vector_load %arg8[%get3A_1727, %get3A_1728] {strides = array<i32>} : memref<40x128xf32, #tpu.memory_space<vmem>>, vector<16xf32>,
    %mul3A_1730 = arith.mulf %get3A_1729, %get3A_58 : vector<16xf32>
    %get3A_1731 = arith.constant 37 : i32
    %get3A_1732 = arith.index_cast %get3A_1731 : i32 to index
    %get3A_1733 = arith.constant 16 : index
    %get3A_1734 = tpu.vector_load %arg8[%get3A_1732, %get3A_1733] {strides = array<i32>} : memref<40x128xf32, #tpu.memory_space<vmem>>, vector<16xf32>,
    %mul3A_1735 = arith.mulf %get3A_1734, %get3A_62 : vector<16xf32>
    %add3A_1736 = arith.addf %mul3A_1730, %mul3A_1735 : vector<16xf32>
    %get3A_1737 = arith.constant 37 : i32
    %get3A_1738 = arith.index_cast %get3A_1737 : i32 to index
    %get3A_1739 = arith.constant 32 : index
    %get3A_1740 = tpu.vector_load %arg8[%get3A_1738, %get3A_1739] {strides = array<i32>} : memref<40x128xf32, #tpu.memory_space<vmem>>, vector<16xf32>,
    %mul3A_1741 = arith.mulf %get3A_1740, %get3A_66 : vector<16xf32>
    %add3A_1742 = arith.addf %add3A_1736, %mul3A_1741 : vector<16xf32>
    %get3A_1743 = arith.constant 37 : i32
    %get3A_1744 = arith.index_cast %get3A_1743 : i32 to index
    %get3A_1745 = arith.constant 48 : index
    %get3A_1746 = tpu.vector_load %arg8[%get3A_1744, %get3A_1745] {strides = array<i32>} : memref<40x128xf32, #tpu.memory_space<vmem>>, vector<16xf32>,
    %mul3A_1747 = arith.mulf %get3A_1746, %get3A_70 : vector<16xf32>
    %add3A_1748 = arith.addf %add3A_1742, %mul3A_1747 : vector<16xf32>
    %get3A_1749 = arith.constant 37 : i32
    %get3A_1750 = arith.index_cast %get3A_1749 : i32 to index
    %get3A_1751 = arith.constant 64 : index
    %get3A_1752 = tpu.vector_load %arg8[%get3A_1750, %get3A_1751] {strides = array<i32>} : memref<40x128xf32, #tpu.memory_space<vmem>>, vector<16xf32>,
    %mul3A_1753 = arith.mulf %get3A_1752, %get3A_74 : vector<16xf32>
    %add3A_1754 = arith.addf %add3A_1748, %mul3A_1753 : vector<16xf32>
    %get3A_1755 = arith.constant 37 : i32
    %get3A_1756 = arith.index_cast %get3A_1755 : i32 to index
    %get3A_1757 = arith.constant 80 : index
    %get3A_1758 = tpu.vector_load %arg8[%get3A_1756, %get3A_1757] {strides = array<i32>} : memref<40x128xf32, #tpu.memory_space<vmem>>, vector<16xf32>,
    %mul3A_1759 = arith.mulf %get3A_1758, %get3A_78 : vector<16xf32>
    %add3A_1760 = arith.addf %add3A_1754, %mul3A_1759 : vector<16xf32>
    %get3A_1761 = arith.constant 37 : i32
    %get3A_1762 = arith.index_cast %get3A_1761 : i32 to index
    %get3A_1763 = arith.constant 96 : index
    %get3A_1764 = tpu.vector_load %arg8[%get3A_1762, %get3A_1763] {strides = array<i32>} : memref<40x128xf32, #tpu.memory_space<vmem>>, vector<16xf32>,
    %mul3A_1765 = arith.mulf %get3A_1764, %get3A_82 : vector<16xf32>
    %add3A_1766 = arith.addf %add3A_1760, %mul3A_1765 : vector<16xf32>
    %get3A_1767 = arith.constant 37 : i32
    %get3A_1768 = arith.index_cast %get3A_1767 : i32 to index
    %get3A_1769 = arith.constant 112 : index
    %get3A_1770 = tpu.vector_load %arg8[%get3A_1768, %get3A_1769] {strides = array<i32>} : memref<40x128xf32, #tpu.memory_space<vmem>>, vector<16xf32>,
    %mul3A_1771 = arith.mulf %get3A_1770, %get3A_86 : vector<16xf32>
    %add3A_1772 = arith.addf %add3A_1766, %mul3A_1771 : vector<16xf32>
    %eq3A_1773 = arith.constant 13 : i32
    %eq3A_1774 = vector.broadcast %eq3A_1773 : i32 to vector<16xi32>
    %eq3A_1775 = arith.cmpi eq, %iota3A, %eq3A_1774 : vector<16xi32>
    %reduce_sum3A_1776 = arith.constant true
    %reduce_sum3A_1777 = vector.broadcast %reduce_sum3A_1776 : i1 to vector<16xi1>
    %reduce_sum3A_1778 = tpu.scan <sum>, %add3A_1772 masked %reduce_sum3A_1777 : vector<16xf32>, vector<16xi1> -> vector<16xf32>
    %reduce_sum3A_1779 = vector.extract %reduce_sum3A_1778[15] : f32 from vector<16xf32>
    %broadcast_in_dim3A_1780 = vector.broadcast %reduce_sum3A_1779 : f32 to vector<16xf32>
    %select_n3A_1781 = arith.select %eq3A_1775, %broadcast_in_dim3A_1780, %select_n3A_1725 : vector<16xi1>, vector<16xf32>
    %get3A_1782 = arith.constant 38 : i32
    %get3A_1783 = arith.index_cast %get3A_1782 : i32 to index
    %get3A_1784 = arith.constant 0 : index
    %get3A_1785 = tpu.vector_load %arg8[%get3A_1783, %get3A_1784] {strides = array<i32>} : memref<40x128xf32, #tpu.memory_space<vmem>>, vector<16xf32>,
    %mul3A_1786 = arith.mulf %get3A_1785, %get3A_58 : vector<16xf32>
    %get3A_1787 = arith.constant 38 : i32
    %get3A_1788 = arith.index_cast %get3A_1787 : i32 to index
    %get3A_1789 = arith.constant 16 : index
    %get3A_1790 = tpu.vector_load %arg8[%get3A_1788, %get3A_1789] {strides = array<i32>} : memref<40x128xf32, #tpu.memory_space<vmem>>, vector<16xf32>,
    %mul3A_1791 = arith.mulf %get3A_1790, %get3A_62 : vector<16xf32>
    %add3A_1792 = arith.addf %mul3A_1786, %mul3A_1791 : vector<16xf32>
    %get3A_1793 = arith.constant 38 : i32
    %get3A_1794 = arith.index_cast %get3A_1793 : i32 to index
    %get3A_1795 = arith.constant 32 : index
    %get3A_1796 = tpu.vector_load %arg8[%get3A_1794, %get3A_1795] {strides = array<i32>} : memref<40x128xf32, #tpu.memory_space<vmem>>, vector<16xf32>,
    %mul3A_1797 = arith.mulf %get3A_1796, %get3A_66 : vector<16xf32>
    %add3A_1798 = arith.addf %add3A_1792, %mul3A_1797 : vector<16xf32>
    %get3A_1799 = arith.constant 38 : i32
    %get3A_1800 = arith.index_cast %get3A_1799 : i32 to index
    %get3A_1801 = arith.constant 48 : index
    %get3A_1802 = tpu.vector_load %arg8[%get3A_1800, %get3A_1801] {strides = array<i32>} : memref<40x128xf32, #tpu.memory_space<vmem>>, vector<16xf32>,
    %mul3A_1803 = arith.mulf %get3A_1802, %get3A_70 : vector<16xf32>
    %add3A_1804 = arith.addf %add3A_1798, %mul3A_1803 : vector<16xf32>
    %get3A_1805 = arith.constant 38 : i32
    %get3A_1806 = arith.index_cast %get3A_1805 : i32 to index
    %get3A_1807 = arith.constant 64 : index
    %get3A_1808 = tpu.vector_load %arg8[%get3A_1806, %get3A_1807] {strides = array<i32>} : memref<40x128xf32, #tpu.memory_space<vmem>>, vector<16xf32>,
    %mul3A_1809 = arith.mulf %get3A_1808, %get3A_74 : vector<16xf32>
    %add3A_1810 = arith.addf %add3A_1804, %mul3A_1809 : vector<16xf32>
    %get3A_1811 = arith.constant 38 : i32
    %get3A_1812 = arith.index_cast %get3A_1811 : i32 to index
    %get3A_1813 = arith.constant 80 : index
    %get3A_1814 = tpu.vector_load %arg8[%get3A_1812, %get3A_1813] {strides = array<i32>} : memref<40x128xf32, #tpu.memory_space<vmem>>, vector<16xf32>,
    %mul3A_1815 = arith.mulf %get3A_1814, %get3A_78 : vector<16xf32>
    %add3A_1816 = arith.addf %add3A_1810, %mul3A_1815 : vector<16xf32>
    %get3A_1817 = arith.constant 38 : i32
    %get3A_1818 = arith.index_cast %get3A_1817 : i32 to index
    %get3A_1819 = arith.constant 96 : index
    %get3A_1820 = tpu.vector_load %arg8[%get3A_1818, %get3A_1819] {strides = array<i32>} : memref<40x128xf32, #tpu.memory_space<vmem>>, vector<16xf32>,
    %mul3A_1821 = arith.mulf %get3A_1820, %get3A_82 : vector<16xf32>
    %add3A_1822 = arith.addf %add3A_1816, %mul3A_1821 : vector<16xf32>
    %get3A_1823 = arith.constant 38 : i32
    %get3A_1824 = arith.index_cast %get3A_1823 : i32 to index
    %get3A_1825 = arith.constant 112 : index
    %get3A_1826 = tpu.vector_load %arg8[%get3A_1824, %get3A_1825] {strides = array<i32>} : memref<40x128xf32, #tpu.memory_space<vmem>>, vector<16xf32>,
    %mul3A_1827 = arith.mulf %get3A_1826, %get3A_86 : vector<16xf32>
    %add3A_1828 = arith.addf %add3A_1822, %mul3A_1827 : vector<16xf32>
    %eq3A_1829 = arith.constant 14 : i32
    %eq3A_1830 = vector.broadcast %eq3A_1829 : i32 to vector<16xi32>
    %eq3A_1831 = arith.cmpi eq, %iota3A, %eq3A_1830 : vector<16xi32>
    %reduce_sum3A_1832 = arith.constant true
    %reduce_sum3A_1833 = vector.broadcast %reduce_sum3A_1832 : i1 to vector<16xi1>
    %reduce_sum3A_1834 = tpu.scan <sum>, %add3A_1828 masked %reduce_sum3A_1833 : vector<16xf32>, vector<16xi1> -> vector<16xf32>
    %reduce_sum3A_1835 = vector.extract %reduce_sum3A_1834[15] : f32 from vector<16xf32>
    %broadcast_in_dim3A_1836 = vector.broadcast %reduce_sum3A_1835 : f32 to vector<16xf32>
    %select_n3A_1837 = arith.select %eq3A_1831, %broadcast_in_dim3A_1836, %select_n3A_1781 : vector<16xi1>, vector<16xf32>
    %get3A_1838 = arith.constant 39 : i32
    %get3A_1839 = arith.index_cast %get3A_1838 : i32 to index
    %get3A_1840 = arith.constant 0 : index
    %get3A_1841 = tpu.vector_load %arg8[%get3A_1839, %get3A_1840] {strides = array<i32>} : memref<40x128xf32, #tpu.memory_space<vmem>>, vector<16xf32>,
    %mul3A_1842 = arith.mulf %get3A_1841, %get3A_58 : vector<16xf32>
    %get3A_1843 = arith.constant 39 : i32
    %get3A_1844 = arith.index_cast %get3A_1843 : i32 to index
    %get3A_1845 = arith.constant 16 : index
    %get3A_1846 = tpu.vector_load %arg8[%get3A_1844, %get3A_1845] {strides = array<i32>} : memref<40x128xf32, #tpu.memory_space<vmem>>, vector<16xf32>,
    %mul3A_1847 = arith.mulf %get3A_1846, %get3A_62 : vector<16xf32>
    %add3A_1848 = arith.addf %mul3A_1842, %mul3A_1847 : vector<16xf32>
    %get3A_1849 = arith.constant 39 : i32
    %get3A_1850 = arith.index_cast %get3A_1849 : i32 to index
    %get3A_1851 = arith.constant 32 : index
    %get3A_1852 = tpu.vector_load %arg8[%get3A_1850, %get3A_1851] {strides = array<i32>} : memref<40x128xf32, #tpu.memory_space<vmem>>, vector<16xf32>,
    %mul3A_1853 = arith.mulf %get3A_1852, %get3A_66 : vector<16xf32>
    %add3A_1854 = arith.addf %add3A_1848, %mul3A_1853 : vector<16xf32>
    %get3A_1855 = arith.constant 39 : i32
    %get3A_1856 = arith.index_cast %get3A_1855 : i32 to index
    %get3A_1857 = arith.constant 48 : index
    %get3A_1858 = tpu.vector_load %arg8[%get3A_1856, %get3A_1857] {strides = array<i32>} : memref<40x128xf32, #tpu.memory_space<vmem>>, vector<16xf32>,
    %mul3A_1859 = arith.mulf %get3A_1858, %get3A_70 : vector<16xf32>
    %add3A_1860 = arith.addf %add3A_1854, %mul3A_1859 : vector<16xf32>
    %get3A_1861 = arith.constant 39 : i32
    %get3A_1862 = arith.index_cast %get3A_1861 : i32 to index
    %get3A_1863 = arith.constant 64 : index
    %get3A_1864 = tpu.vector_load %arg8[%get3A_1862, %get3A_1863] {strides = array<i32>} : memref<40x128xf32, #tpu.memory_space<vmem>>, vector<16xf32>,
    %mul3A_1865 = arith.mulf %get3A_1864, %get3A_74 : vector<16xf32>
    %add3A_1866 = arith.addf %add3A_1860, %mul3A_1865 : vector<16xf32>
    %get3A_1867 = arith.constant 39 : i32
    %get3A_1868 = arith.index_cast %get3A_1867 : i32 to index
    %get3A_1869 = arith.constant 80 : index
    %get3A_1870 = tpu.vector_load %arg8[%get3A_1868, %get3A_1869] {strides = array<i32>} : memref<40x128xf32, #tpu.memory_space<vmem>>, vector<16xf32>,
    %mul3A_1871 = arith.mulf %get3A_1870, %get3A_78 : vector<16xf32>
    %add3A_1872 = arith.addf %add3A_1866, %mul3A_1871 : vector<16xf32>
    %get3A_1873 = arith.constant 39 : i32
    %get3A_1874 = arith.index_cast %get3A_1873 : i32 to index
    %get3A_1875 = arith.constant 96 : index
    %get3A_1876 = tpu.vector_load %arg8[%get3A_1874, %get3A_1875] {strides = array<i32>} : memref<40x128xf32, #tpu.memory_space<vmem>>, vector<16xf32>,
    %mul3A_1877 = arith.mulf %get3A_1876, %get3A_82 : vector<16xf32>
    %add3A_1878 = arith.addf %add3A_1872, %mul3A_1877 : vector<16xf32>
    %get3A_1879 = arith.constant 39 : i32
    %get3A_1880 = arith.index_cast %get3A_1879 : i32 to index
    %get3A_1881 = arith.constant 112 : index
    %get3A_1882 = tpu.vector_load %arg8[%get3A_1880, %get3A_1881] {strides = array<i32>} : memref<40x128xf32, #tpu.memory_space<vmem>>, vector<16xf32>,
    %mul3A_1883 = arith.mulf %get3A_1882, %get3A_86 : vector<16xf32>
    %add3A_1884 = arith.addf %add3A_1878, %mul3A_1883 : vector<16xf32>
    %eq3A_1885 = arith.constant 15 : i32
    %eq3A_1886 = vector.broadcast %eq3A_1885 : i32 to vector<16xi32>
    %eq3A_1887 = arith.cmpi eq, %iota3A, %eq3A_1886 : vector<16xi32>
    %reduce_sum3A_1888 = arith.constant true
    %reduce_sum3A_1889 = vector.broadcast %reduce_sum3A_1888 : i1 to vector<16xi1>
    %reduce_sum3A_1890 = tpu.scan <sum>, %add3A_1884 masked %reduce_sum3A_1889 : vector<16xf32>, vector<16xi1> -> vector<16xf32>
    %reduce_sum3A_1891 = vector.extract %reduce_sum3A_1890[15] : f32 from vector<16xf32>
    %broadcast_in_dim3A_1892 = vector.broadcast %reduce_sum3A_1891 : f32 to vector<16xf32>
    %select_n3A_1893 = arith.select %eq3A_1887, %broadcast_in_dim3A_1892, %select_n3A_1837 : vector<16xi1>, vector<16xf32>
    %exp3A = math.exp %select_n3A_1893 : vector<16xf32>
    %add3A_1894 = arith.constant 1.000000e+00 : f32
    %add3A_1895 = vector.broadcast %add3A_1894 : f32 to vector<16xf32>
    %add3A_1896 = arith.addf %add3A_1895, %exp3A : vector<16xf32>
    %div3A = arith.constant 1.000000e+00 : f32
    %div3A_1897 = vector.broadcast %div3A : f32 to vector<16xf32>
    %div3A_1898 = arith.divf %div3A_1897, %add3A_1896 : vector<16xf32>
    %select_n3A_1899 = arith.select %ge3A_90, %div3A_1898, %broadcast_in_dim3A_91 : vector<16xi1>, vector<16xf32>
    %swap3A = arith.constant 0 : index
    %swap3A_1900 = tpu.vector_load %arg9[%swap3A] {strides = array<i32>} : memref<32xf32, #tpu.memory_space<vmem>>, vector<16xf32>,
    tpu.vector_store %arg9[%swap3A], %select_n3A_987 {strides = array<i32>} : memref<32xf32, #tpu.memory_space<vmem>>, vector<16xf32>,
    %swap3A_1901 = arith.constant 16 : index
    %swap3A_1902 = tpu.vector_load %arg9[%swap3A_1901] {strides = array<i32>} : memref<32xf32, #tpu.memory_space<vmem>>, vector<16xf32>,
    tpu.vector_store %arg9[%swap3A_1901], %select_n3A_1899 {strides = array<i32>} : memref<32xf32, #tpu.memory_space<vmem>>, vector<16xf32>,
    "tpu.region"() ({
      %run_scoped3A = tpu.sem_alloc : memref<!tpu.dma_semaphore, #tpu.memory_space<semaphore_mem>>
      %dma_start3A_1906 = arith.constant 0 : i32
      %dma_start3A_1907 = tpu.memref_slice %arg10[%arg1, %dma_start3A_1906] : memref<16x32xf32, #tpu.memory_space<vmem_shared>> -> memref<1x32xf32, #tpu.memory_space<vmem_shared>>
      %dma_start3A_1908 = tpu.memref_squeeze %dma_start3A_1907 : memref<1x32xf32, #tpu.memory_space<vmem_shared>> -> memref<32xf32, #tpu.memory_space<vmem_shared>>
      %dma_start3A_1909 = arith.constant 0 : i32
      %dma_start3A_1910 = tpu.memref_slice %arg10[%arg1, %dma_start3A_1909] : memref<16x32xf32, #tpu.memory_space<vmem_shared>> -> memref<1x32xf32, #tpu.memory_space<vmem_shared>>
      %dma_start3A_1911 = tpu.memref_squeeze %dma_start3A_1910 : memref<1x32xf32, #tpu.memory_space<vmem_shared>> -> memref<32xf32, #tpu.memory_space<vmem_shared>>
      tpu.enqueue_dma source(%arg9 : memref<32xf32, #tpu.memory_space<vmem>>) target(%dma_start3A_1911 : memref<32xf32, #tpu.memory_space<vmem_shared>>) target_semaphore(%run_scoped3A : memref<!tpu.dma_semaphore, #tpu.memory_space<semaphore_mem>>)
      %dma_wait3A_1912 = arith.constant 0 : i32
      %dma_wait3A_1913 = tpu.memref_slice %arg10[%arg1, %dma_wait3A_1912] : memref<16x32xf32, #tpu.memory_space<vmem_shared>> -> memref<1x32xf32, #tpu.memory_space<vmem_shared>>
      %dma_wait3A_1914 = tpu.memref_squeeze %dma_wait3A_1913 : memref<1x32xf32, #tpu.memory_space<vmem_shared>> -> memref<32xf32, #tpu.memory_space<vmem_shared>>
      %dma_wait3A_1915 = arith.constant 0 : i32
      %dma_wait3A_1916 = tpu.memref_slice %arg10[%arg1, %dma_wait3A_1915] : memref<16x32xf32, #tpu.memory_space<vmem_shared>> -> memref<1x32xf32, #tpu.memory_space<vmem_shared>>
      %dma_wait3A_1917 = tpu.memref_squeeze %dma_wait3A_1916 : memref<1x32xf32, #tpu.memory_space<vmem_shared>> -> memref<32xf32, #tpu.memory_space<vmem_shared>>
      tpu.wait_dma2 semaphore(%run_scoped3A : memref<!tpu.dma_semaphore, #tpu.memory_space<semaphore_mem>>) src(%arg9 : memref<32xf32, #tpu.memory_space<vmem>>) dst(%dma_wait3A_1917 : memref<32xf32, #tpu.memory_space<vmem_shared>>)
      tpu.yield
    }) : () -> ()
    %barrier3A = arith.constant 0 : index
    tpu.barrier barrier_id(%barrier3A)
    %eq3A_1903 = arith.constant 0 : i32
    %eq3A_1904 = arith.cmpi eq, %arg1, %eq3A_1903 : i32
    %convert_element_type3A = arith.extui %eq3A_1904 : i1 to i32
    %cond3A = arith.constant 0 : i32
    %cond3A_1905 = arith.cmpi ne, %convert_element_type3A, %cond3A : i32
    scf.if %cond3A_1905 {
      "tpu.region"() ({
        %run_scoped3A = tpu.sem_alloc : memref<!tpu.dma_semaphore, #tpu.memory_space<semaphore_mem>>
        tpu.enqueue_dma source(%arg10 : memref<16x32xf32, #tpu.memory_space<vmem_shared>>) target(%arg11 : memref<16x32xf32, #tpu.memory_space<vmem>>) target_semaphore(%run_scoped3A : memref<!tpu.dma_semaphore, #tpu.memory_space<semaphore_mem>>)
        tpu.wait_dma2 semaphore(%run_scoped3A : memref<!tpu.dma_semaphore, #tpu.memory_space<semaphore_mem>>) src(%arg10 : memref<16x32xf32, #tpu.memory_space<vmem_shared>>) dst(%arg11 : memref<16x32xf32, #tpu.memory_space<vmem>>)
        tpu.yield
      }) : () -> ()
      %broadcast_in_dim3A_1906 = arith.constant 0.000000e+00 : f32
      %broadcast_in_dim3A_1907 = vector.broadcast %broadcast_in_dim3A_1906 : f32 to vector<16xf32>
      %broadcast_in_dim3A_1908 = arith.constant 0.000000e+00 : f32
      %broadcast_in_dim3A_1909 = vector.broadcast %broadcast_in_dim3A_1908 : f32 to vector<16xf32>
      %get3A_1910 = arith.constant 0 : i32
      %get3A_1911 = arith.index_cast %get3A_1910 : i32 to index
      %get3A_1912 = arith.constant 0 : index
      %get3A_1913 = tpu.vector_load %arg11[%get3A_1911, %get3A_1912] {strides = array<i32>} : memref<16x32xf32, #tpu.memory_space<vmem>>, vector<16xf32>,
      %add3A_1914 = arith.addf %broadcast_in_dim3A_1907, %get3A_1913 : vector<16xf32>
      %get3A_1915 = arith.constant 0 : i32
      %get3A_1916 = arith.index_cast %get3A_1915 : i32 to index
      %get3A_1917 = arith.constant 16 : index
      %get3A_1918 = tpu.vector_load %arg11[%get3A_1916, %get3A_1917] {strides = array<i32>} : memref<16x32xf32, #tpu.memory_space<vmem>>, vector<16xf32>,
      %add3A_1919 = arith.addf %broadcast_in_dim3A_1909, %get3A_1918 : vector<16xf32>
      %get3A_1920 = arith.constant 1 : i32
      %get3A_1921 = arith.index_cast %get3A_1920 : i32 to index
      %get3A_1922 = arith.constant 0 : index
      %get3A_1923 = tpu.vector_load %arg11[%get3A_1921, %get3A_1922] {strides = array<i32>} : memref<16x32xf32, #tpu.memory_space<vmem>>, vector<16xf32>,
      %add3A_1924 = arith.addf %add3A_1914, %get3A_1923 : vector<16xf32>
      %get3A_1925 = arith.constant 1 : i32
      %get3A_1926 = arith.index_cast %get3A_1925 : i32 to index
      %get3A_1927 = arith.constant 16 : index
      %get3A_1928 = tpu.vector_load %arg11[%get3A_1926, %get3A_1927] {strides = array<i32>} : memref<16x32xf32, #tpu.memory_space<vmem>>, vector<16xf32>,
      %add3A_1929 = arith.addf %add3A_1919, %get3A_1928 : vector<16xf32>
      %get3A_1930 = arith.constant 2 : i32
      %get3A_1931 = arith.index_cast %get3A_1930 : i32 to index
      %get3A_1932 = arith.constant 0 : index
      %get3A_1933 = tpu.vector_load %arg11[%get3A_1931, %get3A_1932] {strides = array<i32>} : memref<16x32xf32, #tpu.memory_space<vmem>>, vector<16xf32>,
      %add3A_1934 = arith.addf %add3A_1924, %get3A_1933 : vector<16xf32>
      %get3A_1935 = arith.constant 2 : i32
      %get3A_1936 = arith.index_cast %get3A_1935 : i32 to index
      %get3A_1937 = arith.constant 16 : index
      %get3A_1938 = tpu.vector_load %arg11[%get3A_1936, %get3A_1937] {strides = array<i32>} : memref<16x32xf32, #tpu.memory_space<vmem>>, vector<16xf32>,
      %add3A_1939 = arith.addf %add3A_1929, %get3A_1938 : vector<16xf32>
      %get3A_1940 = arith.constant 3 : i32
      %get3A_1941 = arith.index_cast %get3A_1940 : i32 to index
      %get3A_1942 = arith.constant 0 : index
      %get3A_1943 = tpu.vector_load %arg11[%get3A_1941, %get3A_1942] {strides = array<i32>} : memref<16x32xf32, #tpu.memory_space<vmem>>, vector<16xf32>,
      %add3A_1944 = arith.addf %add3A_1934, %get3A_1943 : vector<16xf32>
      %get3A_1945 = arith.constant 3 : i32
      %get3A_1946 = arith.index_cast %get3A_1945 : i32 to index
      %get3A_1947 = arith.constant 16 : index
      %get3A_1948 = tpu.vector_load %arg11[%get3A_1946, %get3A_1947] {strides = array<i32>} : memref<16x32xf32, #tpu.memory_space<vmem>>, vector<16xf32>,
      %add3A_1949 = arith.addf %add3A_1939, %get3A_1948 : vector<16xf32>
      %get3A_1950 = arith.constant 4 : i32
      %get3A_1951 = arith.index_cast %get3A_1950 : i32 to index
      %get3A_1952 = arith.constant 0 : index
      %get3A_1953 = tpu.vector_load %arg11[%get3A_1951, %get3A_1952] {strides = array<i32>} : memref<16x32xf32, #tpu.memory_space<vmem>>, vector<16xf32>,
      %add3A_1954 = arith.addf %add3A_1944, %get3A_1953 : vector<16xf32>
      %get3A_1955 = arith.constant 4 : i32
      %get3A_1956 = arith.index_cast %get3A_1955 : i32 to index
      %get3A_1957 = arith.constant 16 : index
      %get3A_1958 = tpu.vector_load %arg11[%get3A_1956, %get3A_1957] {strides = array<i32>} : memref<16x32xf32, #tpu.memory_space<vmem>>, vector<16xf32>,
      %add3A_1959 = arith.addf %add3A_1949, %get3A_1958 : vector<16xf32>
      %get3A_1960 = arith.constant 5 : i32
      %get3A_1961 = arith.index_cast %get3A_1960 : i32 to index
      %get3A_1962 = arith.constant 0 : index
      %get3A_1963 = tpu.vector_load %arg11[%get3A_1961, %get3A_1962] {strides = array<i32>} : memref<16x32xf32, #tpu.memory_space<vmem>>, vector<16xf32>,
      %add3A_1964 = arith.addf %add3A_1954, %get3A_1963 : vector<16xf32>
      %get3A_1965 = arith.constant 5 : i32
      %get3A_1966 = arith.index_cast %get3A_1965 : i32 to index
      %get3A_1967 = arith.constant 16 : index
      %get3A_1968 = tpu.vector_load %arg11[%get3A_1966, %get3A_1967] {strides = array<i32>} : memref<16x32xf32, #tpu.memory_space<vmem>>, vector<16xf32>,
      %add3A_1969 = arith.addf %add3A_1959, %get3A_1968 : vector<16xf32>
      %get3A_1970 = arith.constant 6 : i32
      %get3A_1971 = arith.index_cast %get3A_1970 : i32 to index
      %get3A_1972 = arith.constant 0 : index
      %get3A_1973 = tpu.vector_load %arg11[%get3A_1971, %get3A_1972] {strides = array<i32>} : memref<16x32xf32, #tpu.memory_space<vmem>>, vector<16xf32>,
      %add3A_1974 = arith.addf %add3A_1964, %get3A_1973 : vector<16xf32>
      %get3A_1975 = arith.constant 6 : i32
      %get3A_1976 = arith.index_cast %get3A_1975 : i32 to index
      %get3A_1977 = arith.constant 16 : index
      %get3A_1978 = tpu.vector_load %arg11[%get3A_1976, %get3A_1977] {strides = array<i32>} : memref<16x32xf32, #tpu.memory_space<vmem>>, vector<16xf32>,
      %add3A_1979 = arith.addf %add3A_1969, %get3A_1978 : vector<16xf32>
      %get3A_1980 = arith.constant 7 : i32
      %get3A_1981 = arith.index_cast %get3A_1980 : i32 to index
      %get3A_1982 = arith.constant 0 : index
      %get3A_1983 = tpu.vector_load %arg11[%get3A_1981, %get3A_1982] {strides = array<i32>} : memref<16x32xf32, #tpu.memory_space<vmem>>, vector<16xf32>,
      %add3A_1984 = arith.addf %add3A_1974, %get3A_1983 : vector<16xf32>
      %get3A_1985 = arith.constant 7 : i32
      %get3A_1986 = arith.index_cast %get3A_1985 : i32 to index
      %get3A_1987 = arith.constant 16 : index
      %get3A_1988 = tpu.vector_load %arg11[%get3A_1986, %get3A_1987] {strides = array<i32>} : memref<16x32xf32, #tpu.memory_space<vmem>>, vector<16xf32>,
      %add3A_1989 = arith.addf %add3A_1979, %get3A_1988 : vector<16xf32>
      %get3A_1990 = arith.constant 8 : i32
      %get3A_1991 = arith.index_cast %get3A_1990 : i32 to index
      %get3A_1992 = arith.constant 0 : index
      %get3A_1993 = tpu.vector_load %arg11[%get3A_1991, %get3A_1992] {strides = array<i32>} : memref<16x32xf32, #tpu.memory_space<vmem>>, vector<16xf32>,
      %add3A_1994 = arith.addf %add3A_1984, %get3A_1993 : vector<16xf32>
      %get3A_1995 = arith.constant 8 : i32
      %get3A_1996 = arith.index_cast %get3A_1995 : i32 to index
      %get3A_1997 = arith.constant 16 : index
      %get3A_1998 = tpu.vector_load %arg11[%get3A_1996, %get3A_1997] {strides = array<i32>} : memref<16x32xf32, #tpu.memory_space<vmem>>, vector<16xf32>,
      %add3A_1999 = arith.addf %add3A_1989, %get3A_1998 : vector<16xf32>
      %get3A_2000 = arith.constant 9 : i32
      %get3A_2001 = arith.index_cast %get3A_2000 : i32 to index
      %get3A_2002 = arith.constant 0 : index
      %get3A_2003 = tpu.vector_load %arg11[%get3A_2001, %get3A_2002] {strides = array<i32>} : memref<16x32xf32, #tpu.memory_space<vmem>>, vector<16xf32>,
      %add3A_2004 = arith.addf %add3A_1994, %get3A_2003 : vector<16xf32>
      %get3A_2005 = arith.constant 9 : i32
      %get3A_2006 = arith.index_cast %get3A_2005 : i32 to index
      %get3A_2007 = arith.constant 16 : index
      %get3A_2008 = tpu.vector_load %arg11[%get3A_2006, %get3A_2007] {strides = array<i32>} : memref<16x32xf32, #tpu.memory_space<vmem>>, vector<16xf32>,
      %add3A_2009 = arith.addf %add3A_1999, %get3A_2008 : vector<16xf32>
      %get3A_2010 = arith.constant 10 : i32
      %get3A_2011 = arith.index_cast %get3A_2010 : i32 to index
      %get3A_2012 = arith.constant 0 : index
      %get3A_2013 = tpu.vector_load %arg11[%get3A_2011, %get3A_2012] {strides = array<i32>} : memref<16x32xf32, #tpu.memory_space<vmem>>, vector<16xf32>,
      %add3A_2014 = arith.addf %add3A_2004, %get3A_2013 : vector<16xf32>
      %get3A_2015 = arith.constant 10 : i32
      %get3A_2016 = arith.index_cast %get3A_2015 : i32 to index
      %get3A_2017 = arith.constant 16 : index
      %get3A_2018 = tpu.vector_load %arg11[%get3A_2016, %get3A_2017] {strides = array<i32>} : memref<16x32xf32, #tpu.memory_space<vmem>>, vector<16xf32>,
      %add3A_2019 = arith.addf %add3A_2009, %get3A_2018 : vector<16xf32>
      %get3A_2020 = arith.constant 11 : i32
      %get3A_2021 = arith.index_cast %get3A_2020 : i32 to index
      %get3A_2022 = arith.constant 0 : index
      %get3A_2023 = tpu.vector_load %arg11[%get3A_2021, %get3A_2022] {strides = array<i32>} : memref<16x32xf32, #tpu.memory_space<vmem>>, vector<16xf32>,
      %add3A_2024 = arith.addf %add3A_2014, %get3A_2023 : vector<16xf32>
      %get3A_2025 = arith.constant 11 : i32
      %get3A_2026 = arith.index_cast %get3A_2025 : i32 to index
      %get3A_2027 = arith.constant 16 : index
      %get3A_2028 = tpu.vector_load %arg11[%get3A_2026, %get3A_2027] {strides = array<i32>} : memref<16x32xf32, #tpu.memory_space<vmem>>, vector<16xf32>,
      %add3A_2029 = arith.addf %add3A_2019, %get3A_2028 : vector<16xf32>
      %get3A_2030 = arith.constant 12 : i32
      %get3A_2031 = arith.index_cast %get3A_2030 : i32 to index
      %get3A_2032 = arith.constant 0 : index
      %get3A_2033 = tpu.vector_load %arg11[%get3A_2031, %get3A_2032] {strides = array<i32>} : memref<16x32xf32, #tpu.memory_space<vmem>>, vector<16xf32>,
      %add3A_2034 = arith.addf %add3A_2024, %get3A_2033 : vector<16xf32>
      %get3A_2035 = arith.constant 12 : i32
      %get3A_2036 = arith.index_cast %get3A_2035 : i32 to index
      %get3A_2037 = arith.constant 16 : index
      %get3A_2038 = tpu.vector_load %arg11[%get3A_2036, %get3A_2037] {strides = array<i32>} : memref<16x32xf32, #tpu.memory_space<vmem>>, vector<16xf32>,
      %add3A_2039 = arith.addf %add3A_2029, %get3A_2038 : vector<16xf32>
      %get3A_2040 = arith.constant 13 : i32
      %get3A_2041 = arith.index_cast %get3A_2040 : i32 to index
      %get3A_2042 = arith.constant 0 : index
      %get3A_2043 = tpu.vector_load %arg11[%get3A_2041, %get3A_2042] {strides = array<i32>} : memref<16x32xf32, #tpu.memory_space<vmem>>, vector<16xf32>,
      %add3A_2044 = arith.addf %add3A_2034, %get3A_2043 : vector<16xf32>
      %get3A_2045 = arith.constant 13 : i32
      %get3A_2046 = arith.index_cast %get3A_2045 : i32 to index
      %get3A_2047 = arith.constant 16 : index
      %get3A_2048 = tpu.vector_load %arg11[%get3A_2046, %get3A_2047] {strides = array<i32>} : memref<16x32xf32, #tpu.memory_space<vmem>>, vector<16xf32>,
      %add3A_2049 = arith.addf %add3A_2039, %get3A_2048 : vector<16xf32>
      %get3A_2050 = arith.constant 14 : i32
      %get3A_2051 = arith.index_cast %get3A_2050 : i32 to index
      %get3A_2052 = arith.constant 0 : index
      %get3A_2053 = tpu.vector_load %arg11[%get3A_2051, %get3A_2052] {strides = array<i32>} : memref<16x32xf32, #tpu.memory_space<vmem>>, vector<16xf32>,
      %add3A_2054 = arith.addf %add3A_2044, %get3A_2053 : vector<16xf32>
      %get3A_2055 = arith.constant 14 : i32
      %get3A_2056 = arith.index_cast %get3A_2055 : i32 to index
      %get3A_2057 = arith.constant 16 : index
      %get3A_2058 = tpu.vector_load %arg11[%get3A_2056, %get3A_2057] {strides = array<i32>} : memref<16x32xf32, #tpu.memory_space<vmem>>, vector<16xf32>,
      %add3A_2059 = arith.addf %add3A_2049, %get3A_2058 : vector<16xf32>
      %get3A_2060 = arith.constant 15 : i32
      %get3A_2061 = arith.index_cast %get3A_2060 : i32 to index
      %get3A_2062 = arith.constant 0 : index
      %get3A_2063 = tpu.vector_load %arg11[%get3A_2061, %get3A_2062] {strides = array<i32>} : memref<16x32xf32, #tpu.memory_space<vmem>>, vector<16xf32>,
      %add3A_2064 = arith.addf %add3A_2054, %get3A_2063 : vector<16xf32>
      %get3A_2065 = arith.constant 15 : i32
      %get3A_2066 = arith.index_cast %get3A_2065 : i32 to index
      %get3A_2067 = arith.constant 16 : index
      %get3A_2068 = tpu.vector_load %arg11[%get3A_2066, %get3A_2067] {strides = array<i32>} : memref<16x32xf32, #tpu.memory_space<vmem>>, vector<16xf32>,
      %add3A_2069 = arith.addf %add3A_2059, %get3A_2068 : vector<16xf32>
      %reduce_sum3A_2070 = arith.constant true
      %reduce_sum3A_2071 = vector.broadcast %reduce_sum3A_2070 : i1 to vector<16xi1>
      %reduce_sum3A_2072 = tpu.scan <sum>, %add3A_2064 masked %reduce_sum3A_2071 : vector<16xf32>, vector<16xi1> -> vector<16xf32>
      %reduce_sum3A_2073 = vector.extract %reduce_sum3A_2072[15] : f32 from vector<16xf32>
      %broadcast_in_dim3A_2074 = vector.broadcast %reduce_sum3A_2073 : f32 to vector<16xf32>
      %reduce_sum3A_2075 = arith.constant true
      %reduce_sum3A_2076 = vector.broadcast %reduce_sum3A_2075 : i1 to vector<16xi1>
      %reduce_sum3A_2077 = tpu.scan <sum>, %add3A_2069 masked %reduce_sum3A_2076 : vector<16xf32>, vector<16xi1> -> vector<16xf32>
      %reduce_sum3A_2078 = vector.extract %reduce_sum3A_2077[15] : f32 from vector<16xf32>
      %broadcast_in_dim3A_2079 = vector.broadcast %reduce_sum3A_2078 : f32 to vector<16xf32>
      %neg3A = arith.constant 0.000000e+00 : f32
      %neg3A_2080 = vector.broadcast %neg3A : f32 to vector<16xf32>
      %neg3A_2081 = arith.subf %neg3A_2080, %broadcast_in_dim3A_2074 : vector<16xf32>
      %exp3A_2082 = math.exp %neg3A_2081 : vector<16xf32>
      %add3A_2083 = arith.constant 1.000000e+00 : f32
      %add3A_2084 = vector.broadcast %add3A_2083 : f32 to vector<16xf32>
      %add3A_2085 = arith.addf %add3A_2084, %exp3A_2082 : vector<16xf32>
      %div3A_2086 = arith.constant 1.000000e+00 : f32
      %div3A_2087 = vector.broadcast %div3A_2086 : f32 to vector<16xf32>
      %div3A_2088 = arith.divf %div3A_2087, %add3A_2085 : vector<16xf32>
      %max3A = arith.constant 1.000000e-07 : f32
      %max3A_2089 = vector.broadcast %max3A : f32 to vector<16xf32>
      %max3A_2090 = arith.maximumf %div3A_2088, %max3A_2089 : vector<16xf32>
      %min3A_2091 = arith.constant 0.99999988 : f32
      %min3A_2092 = vector.broadcast %min3A_2091 : f32 to vector<16xf32>
      %min3A_2093 = arith.minimumf %max3A_2090, %min3A_2092 : vector<16xf32>
      %bitcast3A = vector.bitcast %min3A_2093 : vector<16xf32> to vector<16xi32>
      %convert_element_type3A_2094 = arith.sitofp %bitcast3A : vector<16xi32> to vector<16xf32>
      %mul3A_2095 = arith.constant 1.1920929E-7 : f32
      %mul3A_2096 = vector.broadcast %mul3A_2095 : f32 to vector<16xf32>
      %mul3A_2097 = arith.mulf %convert_element_type3A_2094, %mul3A_2096 : vector<16xf32>
      %sub3A = arith.constant 126.942696 : f32
      %sub3A_2098 = vector.broadcast %sub3A : f32 to vector<16xf32>
      %sub3A_2099 = arith.subf %mul3A_2097, %sub3A_2098 : vector<16xf32>
      %mul3A_2100 = arith.constant 0.693147182 : f32
      %mul3A_2101 = vector.broadcast %mul3A_2100 : f32 to vector<16xf32>
      %mul3A_2102 = arith.mulf %sub3A_2099, %mul3A_2101 : vector<16xf32>
      %neg3A_2103 = arith.constant 0.000000e+00 : f32
      %neg3A_2104 = vector.broadcast %neg3A_2103 : f32 to vector<16xf32>
      %neg3A_2105 = arith.subf %neg3A_2104, %mul3A_2102 : vector<16xf32>
      %exp3A_2106 = math.exp %neg3A_2105 : vector<16xf32>
      %mul3A_2107 = arith.mulf %min3A_2093, %exp3A_2106 : vector<16xf32>
      %add3A_2108 = arith.addf %mul3A_2102, %mul3A_2107 : vector<16xf32>
      %sub3A_2109 = arith.constant 1.000000e+00 : f32
      %sub3A_2110 = vector.broadcast %sub3A_2109 : f32 to vector<16xf32>
      %sub3A_2111 = arith.subf %add3A_2108, %sub3A_2110 : vector<16xf32>
      %neg3A_2112 = arith.constant 0.000000e+00 : f32
      %neg3A_2113 = vector.broadcast %neg3A_2112 : f32 to vector<16xf32>
      %neg3A_2114 = arith.subf %neg3A_2113, %sub3A_2111 : vector<16xf32>
      %exp3A_2115 = math.exp %neg3A_2114 : vector<16xf32>
      %mul3A_2116 = arith.mulf %min3A_2093, %exp3A_2115 : vector<16xf32>
      %add3A_2117 = arith.addf %sub3A_2111, %mul3A_2116 : vector<16xf32>
      %sub3A_2118 = arith.constant 1.000000e+00 : f32
      %sub3A_2119 = vector.broadcast %sub3A_2118 : f32 to vector<16xf32>
      %sub3A_2120 = arith.subf %add3A_2117, %sub3A_2119 : vector<16xf32>
      %neg3A_2121 = arith.constant 0.000000e+00 : f32
      %neg3A_2122 = vector.broadcast %neg3A_2121 : f32 to vector<16xf32>
      %neg3A_2123 = arith.subf %neg3A_2122, %sub3A_2120 : vector<16xf32>
      %exp3A_2124 = math.exp %neg3A_2123 : vector<16xf32>
      %mul3A_2125 = arith.mulf %min3A_2093, %exp3A_2124 : vector<16xf32>
      %add3A_2126 = arith.addf %sub3A_2120, %mul3A_2125 : vector<16xf32>
      %sub3A_2127 = arith.constant 1.000000e+00 : f32
      %sub3A_2128 = vector.broadcast %sub3A_2127 : f32 to vector<16xf32>
      %sub3A_2129 = arith.subf %add3A_2126, %sub3A_2128 : vector<16xf32>
      %max3A_2130 = arith.constant 1.000000e-07 : f32
      %max3A_2131 = vector.broadcast %max3A_2130 : f32 to vector<16xf32>
      %max3A_2132 = arith.maximumf %broadcast_in_dim3A_2079, %max3A_2131 : vector<16xf32>
      %min3A_2133 = arith.constant 0.99999988 : f32
      %min3A_2134 = vector.broadcast %min3A_2133 : f32 to vector<16xf32>
      %min3A_2135 = arith.minimumf %max3A_2132, %min3A_2134 : vector<16xf32>
      %neg3A_2136 = arith.constant 0.000000e+00 : f32
      %neg3A_2137 = vector.broadcast %neg3A_2136 : f32 to vector<16xf32>
      %neg3A_2138 = arith.subf %neg3A_2137, %sub3A_2129 : vector<16xf32>
      %sub3A_2139 = arith.subf %neg3A_2138, %min3A_2135 : vector<16xf32>
      %swap3A_2140 = arith.constant 0 : index
      %swap3A_2141 = tpu.vector_load %arg12[%swap3A_2140] {strides = array<i32>} : memref<16xf32, #tpu.memory_space<vmem>>, vector<16xf32>,
      tpu.vector_store %arg12[%swap3A_2140], %sub3A_2139 {strides = array<i32>} : memref<16xf32, #tpu.memory_space<vmem>>, vector<16xf32>,
      "tpu.region"() ({
        %run_scoped3A = tpu.sem_alloc : memref<!tpu.dma_semaphore, #tpu.memory_space<semaphore_mem>>
        %dma_start3A_2142 = arith.constant 0 : i32
        %dma_start3A_2143 = tpu.memref_slice %arg12[%dma_start3A_2142] : memref<16xf32, #tpu.memory_space<vmem>> -> memref<1xf32, #tpu.memory_space<vmem>>
        %dma_start3A_2144 = arith.constant 0 : i32
        %dma_start3A_2145 = tpu.memref_slice %arg12[%dma_start3A_2144] : memref<16xf32, #tpu.memory_space<vmem>> -> memref<1xf32, #tpu.memory_space<vmem>>
        tpu.enqueue_dma source(%dma_start3A_2145 : memref<1xf32, #tpu.memory_space<vmem>>) target(%arg6 : memref<1xf32, #tpu.memory_space<hbm>>) target_semaphore(%run_scoped3A : memref<!tpu.dma_semaphore, #tpu.memory_space<semaphore_mem>>)
        %dma_wait3A_2146 = arith.constant 0 : i32
        %dma_wait3A_2147 = tpu.memref_slice %arg12[%dma_wait3A_2146] : memref<16xf32, #tpu.memory_space<vmem>> -> memref<1xf32, #tpu.memory_space<vmem>>
        %dma_wait3A_2148 = arith.constant 0 : i32
        %dma_wait3A_2149 = tpu.memref_slice %arg12[%dma_wait3A_2148] : memref<16xf32, #tpu.memory_space<vmem>> -> memref<1xf32, #tpu.memory_space<vmem>>
        tpu.wait_dma2 semaphore(%run_scoped3A : memref<!tpu.dma_semaphore, #tpu.memory_space<semaphore_mem>>) src(%dma_wait3A_2149 : memref<1xf32, #tpu.memory_space<vmem>>) dst(%arg6 : memref<1xf32, #tpu.memory_space<hbm>>)
        tpu.yield
      }) : () -> ()
    } else {
    }
    return
  }
}

</mosaic_0001>

<sc_bundles>
// kernel: _sc_loss.3.cloned.1.call-start
scs
__scs_entry_jumppad:
0x0: {  	(pc) =	sbr.rel $0x88, $3  }
0x1: {  	(tag) =	ssettag $0x0;
	lr =	simm.s32 $0x1  }
0x2: {  	[smem:$0x3F9D] =	sst lr;
	_ =	strace $0xD0000000  }
0x3: {  	_ = 	snop  }
0x4: {  	_ = 	snop  }
0x5: {  	_ = 	snop  }
0x6: {  	_ = 	snop  }
0x7: {  	_ = 	snop  }
__scs_overlays_trampoline_lowered:
0x8: {  	[smem:$0x3FAC] =	sst s0  }
0x9: {  	[smem:$0x3FAD] =	sst s1  }
0xa: {  	[smem:$0x3FAE] =	sst s2  }
0xb: {  	[smem:$0x3FAF] =	sst s3  }
0xc: {  	[smem:$0x3FB0] =	sst s4  }
0xd: {  	[smem:$0x3FB1] =	sst s5  }
0xe: {  	[smem:$0x3FB2] =	sst s6  }
0xf: {  	[smem:$0x3FB3] =	sst s7  }
0x10: {  	[smem:$0x3FB4] =	sst s8  }
0x11: {  	[smem:$0x3FB5] =	sst s9;
	s0 =	simm.s32 @!p0 $0x0  }
0x12: {  	s1 =	sld [smem:$0x3F9B];
	s0 =	simm.s32 @p0 $0x1  }
0x13: {  	[smem:$0x3FB6] =	sst s0;
	s0 =	simm.s32 @!p1 $0x0  }
0x14: {  	s2 =	sld [smem:$0x3F9A];
	s0 =	simm.s32 @p1 $0x1  }
0x15: {  	[smem:$0x3FB7] =	sst s0;
	s0 =	simm.s32 @!p2 $0x0  }
0x16: {  	s3 =	sld [smem:$0x3FDB];
	s0 =	simm.s32 @p2 $0x1  }
0x17: {  	s4 =	simm.s32 $0x1BF5;
	[smem:$0x3FB9] =	sst s0  }
0x18: {  	s0 =	sld [smem:$0x3F9C];
	_ =	swait.ge [sflag:s4], $0x0  }
0x19: {  	s7 =	sld [smem:$0x3F9D]  }
0x1a: {  	s8 =	sadd.s32 $0xFFFFE003, lr  }
0x1b: {  	s9 =	sadd.s32 $0xFFFFFEF7, lr;
	s5 =	simm.s32 $0xFFFFFFFF;
	p2 =	slt.u32 s8, $0xFFFFF086  }
0x1c: {  	p1 =	slt.u32 s9, $0xF7A;
	s5 =	simm.s32 @!p2 $0x0  }
0x1d: {  	s5 =	simm.s32 @p1 $0x1;
	p0 =	seq.s32 s7, s2  }
0x1e: {  	s7 =	smul.u32 @!p0 $0xF7A, s2;
	p2 =	seq.s32 @!p0 s5, $0x0  }
0x1f: {  	s9 =	smul.u32 $0xF7A, s1;
	s8 =	simm.s32 @!p0 $0x1BF5;
	p2 =	por !p2, p0  }
0x20: {  	[sflag:s8] =	ssyncset.s32 @!p0 $0xFFFFF086;
	s6 =	sadd.s32 @!p0 s3, s7;
	s7 =	simm.s32 @!p0 $0x108  }
0x21: {  	s3 =	sadd.s32 s3, s9;
	s6 =	sadd.s32 @!p0 $0x88, s6;
	s7 =	simm.s32 @p2 $0x1082  }
0x22: {  	[simem:s7], [sflag:s8] =	dma.local @!p0 [hbm:s6], $0xF7A  }
0x23: {  	s9 =	sor.u32 $0xD0000000, s2;
	s6 =	simm.s32 $0x108;
	_ =	swait.ge @!p0 [sflag:s8], $0x0  }
0x24: {  	s3 =	sadd.s32 $0x88, s3;
	s6 =	simm.s32 @!p1 $0x1082;
	[sflag:s4] =	ssyncset.s32 $0xFFFFF086  }
0x25: {  	[simem:s6], [sflag:s4] =	dma.local [hbm:s3], $0xF7A  }
0x26: {  	[smem:$0x3F9D] =	sst s1;
	(tag) =	ssettag s2;
	_ =	strace s9  }
0x27: {  	s1 =	sld [smem:$0x3FAD]  }
0x28: {  	s2 =	sld [smem:$0x3FAE]  }
0x29: {  	s4 =	sld [smem:$0x3FB0]  }
0x2a: {  	p0 =	seq.s32 s5, $0x0;
	s5 =	sld [smem:$0x3FB1]  }
0x2b: {  	s6 =	sld [smem:$0x3FB2]  }
0x2c: {  	s7 =	sld [smem:$0x3FB3]  }
0x2d: {  	s3 =	simm.s32 $0x108;
	s8 =	sld [smem:$0x3FB4]  }
0x2e: {  	s3 =	simm.s32 @!p0 $0x1082;
	s9 =	sld [smem:$0x3FB5]  }
0x2f: {  	lr =	sadd.s32 s0, s3;
	s0 =	sld [smem:$0x3FAC]  }
0x30: {  	s3 =	sld [smem:$0x3FAF]  }
0x31: {  	[smem:$0x3FB8] =	sst s10  }
0x32: {  	s10 =	sld [smem:$0x3FB6];
	_ =	sdelay $0x3  }
0x33: {  	p0 =	seq.s32 s10, $0x1;
	s10 =	sld [smem:$0x3FB8];
	_ =	sdelay $0x3  }
0x34: {  	[smem:$0x3FB8] =	sst s10  }
0x35: {  	s10 =	sld [smem:$0x3FB7];
	_ =	sdelay $0x3  }
0x36: {  	p1 =	seq.s32 s10, $0x1;
	s10 =	sld [smem:$0x3FB8];
	_ =	sdelay $0x3  }
0x37: {  	[smem:$0x3FB8] =	sst s10  }
0x38: {  	s10 =	sld [smem:$0x3FB9]  }
0x39: {  	_ = 	snop;
	(pc) =	sbr.ind lr, $3  }
0x3a: {  	_ = 	snop  }
0x3b: {  	_ = 	snop  }
0x3c: {  	p2 =	seq.s32 s10, $0x1;
	s10 =	sld [smem:$0x3FB8]  }
0x3d: {  	_ =	shalt  }
0x3e: {  	_ =	shalt  }
0x3f: {  	_ =	shalt  }
0x40: {  	_ =	shalt  }
0x41: {  	_ =	shalt  }
0x42: {  	_ =	shalt  }
0x43: {  	_ =	shalt  }
0x44: {  	_ =	shalt  }
0x45: {  	_ =	shalt  }
0x46: {  	_ =	shalt  }
0x47: {  	_ =	shalt  }
0x48: {  	_ =	shalt  }
0x49: {  	_ =	shalt  }
0x4a: {  	_ =	shalt  }
0x4b: {  	_ =	shalt  }
0x4c: {  	_ =	shalt  }
0x4d: {  	_ =	shalt  }
0x4e: {  	_ =	shalt  }
0x4f: {  	_ =	shalt  }
0x50: {  	_ =	shalt  }
0x51: {  	_ =	shalt  }
0x52: {  	_ =	shalt  }
0x53: {  	_ =	shalt  }
0x54: {  	_ =	shalt  }
0x55: {  	_ =	shalt  }
0x56: {  	_ =	shalt  }
0x57: {  	_ =	shalt  }
0x58: {  	_ =	shalt  }
0x59: {  	_ =	shalt  }
0x5a: {  	_ =	shalt  }
0x5b: {  	_ =	shalt  }
0x5c: {  	_ =	shalt  }
0x5d: {  	_ =	shalt  }
0x5e: {  	_ =	shalt  }
0x5f: {  	_ =	shalt  }
0x60: {  	_ =	shalt  }
0x61: {  	_ =	shalt  }
0x62: {  	_ =	shalt  }
0x63: {  	_ =	shalt  }
0x64: {  	_ =	shalt  }
0x65: {  	_ =	shalt  }
0x66: {  	_ =	shalt  }
0x67: {  	_ =	shalt  }
0x68: {  	_ =	shalt  }
0x69: {  	_ =	shalt  }
0x6a: {  	_ =	shalt  }
0x6b: {  	_ =	shalt  }
0x6c: {  	_ =	shalt  }
0x6d: {  	_ =	shalt  }
0x6e: {  	_ =	shalt  }
0x6f: {  	_ =	shalt  }
0x70: {  	_ =	shalt  }
0x71: {  	_ =	shalt  }
0x72: {  	_ =	shalt  }
0x73: {  	_ =	shalt  }
0x74: {  	_ =	shalt  }
0x75: {  	_ =	shalt  }
0x76: {  	_ =	shalt  }
0x77: {  	_ =	shalt  }
0x78: {  	_ =	shalt  }
0x79: {  	_ =	shalt  }
0x7a: {  	_ =	shalt  }
0x7b: {  	_ =	shalt  }
0x7c: {  	_ =	shalt  }
0x7d: {  	_ =	shalt  }
0x7e: {  	_ =	shalt  }
0x7f: {  	_ =	shalt  }
0x80: {  	_ =	shalt  }
0x81: {  	_ =	shalt  }
0x82: {  	_ =	shalt  }
0x83: {  	_ =	shalt  }
0x84: {  	_ =	shalt  }
0x85: {  	_ =	shalt  }
0x86: {  	_ =	shalt  }
0x87: {  	_ =	shalt  }
.Lfunc_end0:
.L_simem_size_0:
called_computation_lowered:
.L_overlay_start_0:
0x88: {  	s0 =	sld [smem:$0x3FD9]  }
0x89: {  	s1 =	sld [smem:$0x3FFE];
	_ =	sdelay $0x3  }
0x8a: {  	s0 =	sadd.s32 s1, s0  }
0x8b: {  	[smem:$0x3FC4] =	sst s0  }
0x8c: {  	_ = 	snop  }
0x8d: {  	s0 =	sld [smem:$0x3FC9]  }
0x8e: {  	s17 =	sld [smem:$0x3FC8]  }
0x8f: {  	s2 =	sld [smem:$0x3FC7]  }
0x90: {  	s3 =	sld [smem:$0x3FC6]  }
0x91: {  	s4 =	sld [smem:$0x3FD0];
	(tm) =	ssettm $0x1  }
0x92: {  	s5 =	sld [smem:$0x3FFB];
	_ =	sdelay $0x3  }
0x93: {  	_ =	strace s5  }
0x94: {  	s5 =	sld [smem:$0x3FFC];
	_ =	sdelay $0x3  }
0x95: {  	_ =	strace s5  }
0x96: {  	s5 =	sld [smem:$0x3FFD];
	_ =	sdelay $0x3  }
0x97: {  	_ =	strace s5  }
0x98: {  	_ =	strace $0x8FFFFFFF  }
0x99: {  	s18 =	sld [smem:$0x3FDB];
	_ =	sdelay $0x1  }
0x9a: {  	s6 =	simm.s32 $_scs_section_size  }
0x9b: {  	s7 =	simm.s32 $_size__tile_overlayer_lowered;
	s8 =	simm.s32 $_tile_overlayer_lowered  }
0x9c: {  	s21 =	simm.s32 $0x1BFF;
	s20 =	sshll.u32 s8, $0x1;
	s5 =	sadd.s32 s6, s18  }
0x9d: {  	s9 =	simm.s32 $0x0;
	s19 =	sshll.u32 s7, $0x1;
	s7 =	sadd.s32 s20, s5  }
0x9e: {  	[timem:s9], [sflag:s21] =	dma.local [hbm:s7], s19  }
0x9f: {  	_ =	swait.ge [sflag:s21], s19  }
0xa0: {  	s6 =	ssub.s32 $0x0, s19;
	[sflag:s21] =	ssyncset.done $0x0  }
0xa1: {  	[sflag:s21] =	ssyncadd.s32 s6;
	_ =	sdelay $0x1  }
0xa2: {  	s22 =	simm.s32 $0x1B8B  }
0xa3: {  	_ =	swait.ge [sflag:s22], $0x1  }
0xa4: {  	[sflag:s22] =	ssyncset.done $0x0  }
0xa5: {  	s23 =	simm.s32 $0x1B8E;
	[sflag:s22] =	ssyncadd.s32 $0xFFFFFFFF  }
0xa6: {  	s24 =	simm.s32 $execute0_lowered;
	[smem:$0x3FD2] =	sst s23  }
0xa7: {  	s6 =	sshll.u32 s24, $0x1;
	_ =	strace $0x80000046;
	[dreg:$0x1] =	wrdreg $0xFFFFFFFF  }
0xa8: {  	s25 =	simm.s32 $_size_execute0_lowered;
	s5 =	sadd.s32 s5, s6;
	[dreg:$0x0] =	wrdreg $0x0  }
0xa9: {  	s6 =	sshll.u32 s25, $0x1;
	[dreg:$0x2] =	wrdreg s5  }
0xaa: {  	[dreg:$0x3] =	wrdreg s6  }
0xab: {  	[dreg:$0x4] =	wrdreg $0xC0  }
0xac: {  	_ =	task [dreg:s9], $0x5FFFF  }
0xad: {  	[dreg:$0x1] =	wrdreg $0xFFFFFFFF  }
0xae: {  	[dreg:$0x0] =	wrdreg $0x60  }
0xaf: {  	[dreg:$0x2] =	wrdreg s0  }
0xb0: {  	[dreg:$0x3] =	wrdreg s17  }
0xb1: {  	[dreg:$0x4] =	wrdreg s2  }
0xb2: {  	[dreg:$0x5] =	wrdreg s3  }
0xb3: {  	[dreg:$0x6] =	wrdreg s4  }
0xb4: {  	[dreg:$0x7] =	wrdreg $0x15000  }
0xb5: {  	[dreg:$0x8] =	wrdreg $0x9  }
0xb6: {  	_ =	task.clear_ibuf [dreg:s9], $0x9FFFF;
	_ =	strace $0x90000046  }
0xb7: {  	s26 =	simm.s32 $0x9;
	_ =	strace $0x80000048  }
0xb8: {  	_ =	swait.ge [sflag:s26], $0x1  }
0xb9: {  	[sflag:s26] =	ssyncadd.s32 $0xFFFFFFFF  }
0xba: {  	_ =	strace $0x90000048  }
0xbb: {  	_ =	sfence  }
0xbc: {  	s28 =	sld [smem:$0x0];
	_ =	sdelay $0x1  }
0xbd: {  	s29 =	srdreg.scid  }
0xbe: {  	s30 =	sshll.u32 s29, $0xD;
	s31 =	sshrl.u32 s29, $0x2  }
0xbf: {  	s1 =	sand.u32 $0x1, s29;
	s2 =	sand.u32 $0x4000, s30;
	s0 =	sadd.s32 s31, s28  }
0xc0: {  	s1 =	sor.u32 s2, s1;
	s0 =	sshll.u32 s0, $0x11  }
0xc1: {  	s0 =	sor.u32 s0, s1  }
0xc2: {  	s0 =	sadd.s32 $0x8F2B, s0  }
0xc3: {  	[sflag:s0] =	ssyncadd.remote.s32 $0x1  }
0xc4: {  	_ =	sfence.sel $0xFFFF  }
0xc5: {  	[dreg:$0x0] =	wrdreg $0xFFFFFFFF;
	(pc) =	sbr.abs _section_cstart, $3  }
0xc6: {  	[dreg:$0x1] =	wrdreg $0xFFFFFFFF  }
0xc7: {  	_ =	task.clear_ibuf [dreg:s9], $0x2FFFF;
	_ =	strace $0x9FFFFFFF  }
0xc8: {  	(tm) =	ssettm $0x7FFFFFFF  }
0xc9: {  	_ =	shalt  }
tec
execute0_lowered:
.L_overlay_start_1:
0x0: {  	(tag) =	ssettag $0x1  }
0x1: {  	s7 =	rddreg [dreg:$0x0]  }
0x2: {  	s8 =	rddreg [dreg:$0x1]  }
0x3: {  	s9 =	rddreg [dreg:$0x2]  }
0x4: {  	s10 =	rddreg [dreg:$0x3];
	s4 =	stileid.u32  }
0x5: {  	s1 =	rddreg [dreg:$0x4];
	s5 =	sshll.u32 s4, $0x4  }
0x6: {  	s3 =	rddreg [dreg:$0x5];
	s2 =	simm.s32 $0x0;
	s6 =	smin.u32 s5, $0xB8  }
0x7: {  	[smem:$0x7FF] =	sst s2;
	s11 =	sshrl.u32 s6, $0x3  }
0x8: {  	s0 =	rddreg [dreg:$0x6];
	_ =	strace $0x80000047;
	s9 =	sadd.s32 s9, s11  }
0x9: {  	[tilespmem:s2], [sflag:$0x1] =	stream.linear.gather [hbm4b:s9+s2], $0x10, $0x38;
	[tilespmem:$0x1DA0] =	vst v63  }
0xa: {  	s22 =	simm.s32 $0x10  }
0xb: {  	[tilespmem:s22], [sflag:$0x1] =	stream.linear.gather [hbm4b:s8+s2], $0x1, $0x38;
	[tilespmem:$0x1DA0] =	vst v63  }
0xc: {  	s24 =	simm.s32 $0x20;
	s25 =	simm.s32 $0x1;
	s23 =	sadd.s32 s10, s11  }
0xd: {  	[tilespmem:s24], [sflag:$0x1] =	stream.linear.gather [hbm4b:s23+s2], $0x10, $0x38;
	[tilespmem:$0x1DA0] =	vst v63  }
0xe: {  	_ =	swait.ge [sflag:s25], $0x10  }
0xf: {  	[sflag:s25] =	ssyncset.done $0x0  }
0x10: {  	[sflag:s25] =	ssyncadd.s32 $0xFFFFFFF0  }
0x11: {  	_ =	swait.ge [sflag:s25], $0x1  }
0x12: {  	[sflag:s25] =	ssyncset.done $0x0  }
0x13: {  	[sflag:s25] =	ssyncadd.s32 $0xFFFFFFFF  }
0x14: {  	_ =	swait.ge [sflag:s25], $0x10  }
0x15: {  	[sflag:s25] =	ssyncset.done $0x0  }
0x16: {  	s26 =	simm.s32 $0x11;
	s12 =	simm.s32 $0x80;
	[sflag:s25] =	ssyncadd.s32 $0xFFFFFFF0  }
0x17: {  	[tilespmem:s12], [sflag:$0x1] =	stream.indirect.gather [hbm4b:s7+s26], $0x80, s2, s26, $0xb8;
	[tilespmem:$0x1DA0] =	vst v63  }
0x18: {  	s28 =	simm.s32 $0xC80  }
0x19: {  	[tilespmem:s28], [sflag:$0x2] =	stream.indirect.gather [hbm4b:s7+s22], $0x80, s24, s22, $0xb8;
	[tilespmem:$0x1DA0] =	vst v63  }
0x1a: {  	_ =	swait.ge [sflag:s25], $0x880  }
0x1b: {  	[sflag:s25] =	ssyncset.done $0x0  }
0x1c: {  	[sflag:s25] =	ssyncadd.s32 $0xFFFFF780  }
0x1d: {  	v7 =	vld [tilespmem:$0x880]  }
0x1e: {  	v6 =	vld [tilespmem:$0x890]  }
0x1f: {  	v5 =	vld [tilespmem:$0x8A0]  }
0x20: {  	v4 =	vld [tilespmem:$0x8B0]  }
0x21: {  	v3 =	vld [tilespmem:$0x8C0]  }
0x22: {  	v2 =	vld [tilespmem:$0x8D0]  }
0x23: {  	v1 =	vld [tilespmem:$0x8E0]  }
0x24: {  	v0 =	vld [tilespmem:$0x8F0]  }
0x25: {  	v8 =	vld [tilespmem:$0x80]  }
0x26: {  	v9 =	vld [tilespmem:$0x90]  }
0x27: {  	v10 =	vld [tilespmem:$0xA0]  }
0x28: {  	v11 =	vld [tilespmem:$0xB0]  }
0x29: {  	v14 =	vld [tilespmem:$0xC0]  }
0x2a: {  	v17 =	vld [tilespmem:$0xD0]  }
0x2b: {  	v18 =	vld [tilespmem:$0xE0]  }
0x2c: {  	v19 =	vld [tilespmem:$0xF0]  }
0x2d: {  	v16 =	vld [tilespmem:$0x100]  }
0x2e: {  	v20 =	vld [tilespmem:$0x110]  }
0x2f: {  	v21 =	vld [tilespmem:$0x120]  }
0x30: {  	v22 =	vld [tilespmem:$0x130]  }
0x31: {  	v23 =	vld [tilespmem:$0x140]  }
0x32: {  	v24 =	vld [tilespmem:$0x150]  }
0x33: {  	v25 =	vld [tilespmem:$0x160]  }
0x34: {  	v26 =	vld [tilespmem:$0x170]  }
0x35: {  	v27 =	vld [tilespmem:$0x180]  }
0x36: {  	v28 =	vld [tilespmem:$0x190]  }
0x37: {  	v29 =	vld [tilespmem:$0x1A0]  }
0x38: {  	v30 =	vld [tilespmem:$0x1B0]  }
0x39: {  	v31 =	vld [tilespmem:$0x1C0]  }
0x3a: {  	v32 =	vld [tilespmem:$0x1D0]  }
0x3b: {  	v33 =	vld [tilespmem:$0x1E0]  }
0x3c: {  	v34 =	vld [tilespmem:$0x1F0]  }
0x3d: {  	v35 =	vld [tilespmem:$0x200]  }
0x3e: {  	v36 =	vld [tilespmem:$0x210]  }
0x3f: {  	v37 =	vld [tilespmem:$0x220]  }
0x40: {  	v38 =	vld [tilespmem:$0x230]  }
0x41: {  	v39 =	vld [tilespmem:$0x240]  }
0x42: {  	v40 =	vld [tilespmem:$0x250]  }
0x43: {  	v41 =	vld [tilespmem:$0x260]  }
0x44: {  	v42 =	vld [tilespmem:$0x270]  }
0x45: {  	v43 =	vld [tilespmem:$0x280]  }
0x46: {  	v44 =	vld [tilespmem:$0x290]  }
0x47: {  	v45 =	vld [tilespmem:$0x2A0]  }
0x48: {  	v46 =	vld [tilespmem:$0x2B0]  }
0x49: {  	v47 =	vld [tilespmem:$0x2C0]  }
0x4a: {  	v48 =	vld [tilespmem:$0x2D0]  }
0x4b: {  	v49 =	vld [tilespmem:$0x2E0]  }
0x4c: {  	v15 =	vld [tilespmem:$0x2F0]  }
0x4d: {  	v50 =	vld [tilespmem:$0x300]  }
0x4e: {  	v51 =	vld [tilespmem:$0x310]  }
0x4f: {  	v52 =	vld [tilespmem:$0x320]  }
0x50: {  	v53 =	vld [tilespmem:$0x330]  }
0x51: {  	v54 =	vld [tilespmem:$0x340]  }
0x52: {  	v55 =	vld [tilespmem:$0x350]  }
0x53: {  	v12 =	vld [tilespmem:$0x360]  }
0x54: {  	v13 =	vld [tilespmem:$0x370]  }
0x55: {  	v56 =	vld [tilespmem:$0x380]  }
0x56: {  	v57 =	vld [tilespmem:$0x390]  }
0x57: {  	v58 =	vld [tilespmem:$0x3A0];
	v8 =	vmul.f32 v8, v7;
	v9 =	vmul.f32 v9, v6  }
0x58: {  	v59 =	vld [tilespmem:$0x3B0];
	v62 =	vmul.f32 v16, v7;
	v63 =	vmul.f32 v20, v6  }
0x59: {  	v60 =	vld [tilespmem:$0x3C0];
	v61 =	vmul.f32 v10, v5  }
0x5a: {  	v8 =	vadd.f32 v9, v8;
	v10 =	vadd.f32 v63, v62;
	v62 =	vmul.f32 v21, v5;
	v21 =	vld [tilespmem:$0x400]  }
0x5b: {  	v63 =	vmul.f32 v17, v2;
	v17 =	vmul.f32 v22, v4;
	v22 =	vld [tilespmem:$0x410]  }
0x5c: {  	v20 =	vld [tilespmem:$0x3D0];
	v25 =	vmul.f32 v25, v1;
	v9 =	vmul.f32 v11, v4;
	v8 =	vadd.f32 v61, v8  }
0x5d: {  	v16 =	vld [tilespmem:$0x3E0];
	v26 =	vmul.f32 v26, v0;
	v33 =	vmul.f32 v33, v1;
	v10 =	vadd.f32 v62, v10  }
0x5e: {  	v46 =	vmul.f32 v46, v4;
	v61 =	vmul.f32 v14, v3;
	v14 =	vld [tilespmem:$0x3F0];
	v8 =	vadd.f32 v9, v8  }
0x5f: {  	v62 =	vmul.f32 v18, v1;
	v18 =	vld [tilespmem:$0x430];
	v10 =	vadd.f32 v17, v10;
	v17 =	vmul.f32 v27, v7  }
0x60: {  	v27 =	vld [tilespmem:$0x440];
	v21 =	vmul.f32 v21, v7;
	v22 =	vmul.f32 v22, v6;
	v8 =	vadd.f32 v61, v8  }
0x61: {  	v42 =	vmul.f32 v42, v0;
	v53 =	vmul.f32 v53, v4;
	v61 =	vld [tilespmem:$0x420]  }
0x62: {  	v21 =	vadd.f32 v22, v21;
	v22 =	vld [tilespmem:$0x600];
	v8 =	vadd.f32 v63, v8;
	v63 =	vmul.f32 v23, v3  }
0x63: {  	v59 =	vmul.f32 v59, v4;
	v23 =	vmul.f32 v28, v6;
	v28 =	vld [tilespmem:$0x460]  }
0x64: {  	v8 =	vadd.f32 v62, v8;
	v62 =	vadd.f32 v63, v10;
	v63 =	vmul.f32 v24, v2;
	v24 =	vld [tilespmem:$0x450]  }
0x65: {  	v11 =	vmul.f32 v19, v0;
	v19 =	vadd.f32 v23, v17;
	v23 =	vmul.f32 v29, v5;
	v17 =	vld [tilespmem:$0x470]  }
0x66: {  	v29 =	vld [tilespmem:$0x490];
	v9 =	vadd.f32 v63, v62;
	v62 =	vmul.f32 v35, v7;
	v63 =	vmul.f32 v36, v6  }
0x67: {  	v35 =	vmul.f32 v30, v4;
	v30 =	vld [tilespmem:$0x480];
	v36 =	vmul.f32 v37, v5  }
0x68: {  	v37 =	vmul.f32 v31, v3;
	v31 =	vmul.f32 v32, v2;
	v32 =	vld [tilespmem:$0x4B0]  }
0x69: {  	v19 =	vadd.f32 v23, v19;
	v8 =	vadd.f32 v11, v8;
	v11 =	vmul.f32 v38, v4;
	v38 =	vld [tilespmem:$0x4F0]  }
0x6a: {  	v15 =	vmul.f32 v15, v0;
	v13 =	vmul.f32 v13, v0;
	v9 =	vadd.f32 v25, v9;
	v25 =	vld [tilespmem:$0x4A0]  }
0x6b: {  	v10 =	vadd.f32 v63, v62;
	v19 =	vadd.f32 v35, v19;
	v63 =	vmul.f32 v44, v6;
	v35 =	vld [tilespmem:$0x4E0]  }
0x6c: {  	v44 =	vmul.f32 v45, v5;
	v45 =	vmul.f32 v40, v2;
	v40 =	vld [tilespmem:$0x520]  }
0x6d: {  	v62 =	vmul.f32 v43, v7;
	v43 =	vmul.f32 v39, v3;
	v39 =	vld [tilespmem:$0x540]  }
0x6e: {  	v20 =	vmul.f32 v20, v2;
	v16 =	vmul.f32 v16, v1;
	v10 =	vadd.f32 v36, v10;
	v36 =	vld [tilespmem:$0x4C0]  }
0x6f: {  	v18 =	vmul.f32 v18, v4;
	v14 =	vmul.f32 v14, v0;
	v19 =	vadd.f32 v37, v19;
	v37 =	vld [tilespmem:$0x4D0]  }
0x70: {  	v22 =	vmul.f32 v22, v7;
	v23 =	vadd.f32 v63, v62;
	v62 =	vmul.f32 v34, v0;
	v34 =	vld [tilespmem:$0x510]  }
0x71: {  	v63 =	vmul.f32 v41, v1;
	v41 =	vld [tilespmem:$0x530];
	v10 =	vadd.f32 v11, v10;
	v19 =	vadd.f32 v31, v19  }
0x72: {  	v23 =	vadd.f32 v44, v23;
	v31 =	vld [tilespmem:$0x500];
	v44 =	vmul.f32 v47, v3;
	v47 =	vmul.f32 v48, v2  }
0x73: {  	v9 =	vadd.f32 v26, v9;
	v48 =	vmul.f32 v52, v5;
	v52 =	vmul.f32 v49, v1;
	v49 =	vld [tilespmem:$0x5A0]  }
0x74: {  	v17 =	vmul.f32 v17, v0;
	v10 =	vadd.f32 v43, v10;
	v23 =	vadd.f32 v46, v23;
	v43 =	vld [tilespmem:$0x550]  }
0x75: {  	v25 =	vmul.f32 v25, v5;
	v19 =	vadd.f32 v33, v19;
	v46 =	vmul.f32 v51, v6;
	v33 =	vld [tilespmem:$0x5B0]  }
0x76: {  	v11 =	vadd.f32 v45, v10;
	v45 =	vmul.f32 v50, v7;
	v23 =	vadd.f32 v44, v23;
	v44 =	vld [tilespmem:$0x580]  }
0x77: {  	v10 =	vadd.f32 v62, v19;
	v62 =	vmul.f32 v60, v3;
	v60 =	vmul.f32 v28, v1;
	v28 =	vld [tilespmem:$0x670]  }
0x78: {  	v51 =	vmul.f32 v57, v6;
	v57 =	vmul.f32 v54, v3;
	v19 =	vadd.f32 v46, v45;
	v45 =	vld [tilespmem:$0x560]  }
0x79: {  	v54 =	vmul.f32 v12, v1;
	v50 =	vmul.f32 v56, v7;
	v23 =	vadd.f32 v47, v23;
	v47 =	vld [tilespmem:$0x570]  }
0x7a: {  	v36 =	vmul.f32 v36, v3;
	v56 =	vmul.f32 v58, v5;
	v11 =	vadd.f32 v63, v11;
	v46 =	vld [tilespmem:$0x590]  }
0x7b: {  	v58 =	vmul.f32 v55, v2;
	v26 =	vadd.f32 v51, v50;
	v50 =	vld [tilespmem:$0x5C0];
	v63 =	vmul.f32 v61, v5  }
0x7c: {  	v61 =	vmul.f32 v31, v7;
	v31 =	vld [tilespmem:$0x680];
	v19 =	vadd.f32 v48, v19;
	v11 =	vadd.f32 v42, v11  }
0x7d: {  	v51 =	vmul.f32 v41, v4;
	v23 =	vadd.f32 v52, v23;
	v26 =	vadd.f32 v56, v26;
	v48 =	vld [tilespmem:$0x5D0]  }
0x7e: {  	v42 =	vld [tilespmem:$0x5E0];
	v55 =	vadd.f32 v63, v21;
	v56 =	vmul.f32 v27, v3;
	v63 =	vmul.f32 v32, v4  }
0x7f: {  	v21 =	vld [tilespmem:$0x5F0];
	v28 =	vmul.f32 v28, v0;
	v19 =	vadd.f32 v53, v19;
	v26 =	vadd.f32 v59, v26  }
0x80: {  	v27 =	vld [tilespmem:$0x620];
	v12 =	vadd.f32 v15, v23;
	v59 =	vmul.f32 v24, v2;
	v53 =	vmul.f32 v37, v2  }
0x81: {  	v32 =	vld [tilespmem:$0x6E0];
	v15 =	vadd.f32 v18, v55;
	v55 =	vmul.f32 v39, v3;
	v50 =	vmul.f32 v50, v3  }
0x82: {  	v23 =	vld [tilespmem:$0x610];
	v19 =	vadd.f32 v57, v19;
	v26 =	vadd.f32 v62, v26;
	v57 =	vmul.f32 v30, v7  }
0x83: {  	v24 =	vld [tilespmem:$0x690];
	v15 =	vadd.f32 v56, v15;
	v62 =	vmul.f32 v34, v6;
	v34 =	vmul.f32 v40, v5  }
0x84: {  	v30 =	vld [tilespmem:$0x660];
	v56 =	vmul.f32 v38, v0;
	v21 =	vmul.f32 v21, v0;
	v19 =	vadd.f32 v58, v19  }
0x85: {  	v38 =	vld [tilespmem:$0x6D0];
	v20 =	vadd.f32 v20, v26;
	v58 =	vmul.f32 v29, v6;
	v15 =	vadd.f32 v59, v15  }
0x86: {  	v26 =	vld [tilespmem:$0x640];
	v18 =	vadd.f32 v62, v61;
	v59 =	vmul.f32 v46, v6;
	v61 =	vmul.f32 v45, v1  }
0x87: {  	v62 =	vmul.f32 v27, v5;
	v45 =	vld [tilespmem:$0x710];
	v23 =	vmul.f32 v23, v6;
	v19 =	vadd.f32 v54, v19  }
0x88: {  	v46 =	vld [tilespmem:$0x720];
	v24 =	vmul.f32 v24, v6;
	v16 =	vadd.f32 v16, v20;
	v15 =	vadd.f32 v60, v15  }
0x89: {  	v20 =	vld [tilespmem:$0x630];
	v40 =	vadd.f32 v34, v18;
	v54 =	vmul.f32 v35, v1;
	v60 =	vmul.f32 v49, v5  }
0x8a: {  	v34 =	vld [tilespmem:$0x6B0];
	v49 =	vmul.f32 v47, v0;
	v22 =	vadd.f32 v23, v22;
	v13 =	vadd.f32 v13, v19  }
0x8b: {  	v47 =	vld [tilespmem:$0x830];
	v30 =	vmul.f32 v30, v1;
	v19 =	vadd.f32 v58, v57;
	v14 =	vadd.f32 v14, v16  }
0x8c: {  	v41 =	vmul.f32 v38, v2;
	v15 =	vadd.f32 v17, v15;
	v16 =	vadd.f32 v51, v40;
	v51 =	vld [tilespmem:$0x730]  }
0x8d: {  	v57 =	vmul.f32 v43, v2;
	v58 =	vmul.f32 v44, v7;
	v22 =	vadd.f32 v62, v22;
	v62 =	vld [tilespmem:$0x800]  }
0x8e: {  	v44 =	vmul.f32 v33, v4;
	v33 =	vmul.f32 v45, v6;
	v19 =	vadd.f32 v25, v19;
	v25 =	vld [tilespmem:$0x6A0]  }
0x8f: {  	v23 =	vmul.f32 v46, v5;
	v16 =	vadd.f32 v55, v16;
	v18 =	vadd.f32 v59, v58;
	v59 =	vld [tilespmem:$0x780]  }
0x90: {  	v58 =	vmul.f32 v42, v1;
	v42 =	vld [tilespmem:$0x820];
	v20 =	vmul.f32 v20, v4;
	v19 =	vadd.f32 v63, v19  }
0x91: {  	v40 =	vld [tilespmem:$0x7A0];
	v55 =	vmul.f32 v31, v7;
	v16 =	vadd.f32 v57, v16;
	v18 =	vadd.f32 v60, v18  }
0x92: {  	v63 =	vld [tilespmem:$0x700];
	v60 =	vmul.f32 v34, v4;
	v20 =	vadd.f32 v20, v22;
	v43 =	vmul.f32 v51, v4  }
0x93: {  	v52 =	vadd.f32 v36, v19;
	v36 =	vld [tilespmem:$0x6C0];
	v18 =	vadd.f32 v44, v18;
	v35 =	vmul.f32 v62, v7  }
0x94: {  	v29 =	vld [tilespmem:$0x650];
	v19 =	vadd.f32 v24, v55;
	v57 =	vmul.f32 v25, v5;
	v45 =	vmul.f32 v59, v7  }
0x95: {  	v31 =	vld [tilespmem:$0x750];
	v24 =	vmul.f32 v42, v5;
	v59 =	vmul.f32 v47, v4;
	v17 =	vadd.f32 v53, v52  }
0x96: {  	v37 =	vld [tilespmem:$0x6F0];
	v16 =	vadd.f32 v61, v16;
	v52 =	vmul.f32 v48, v2;
	v53 =	vmul.f32 v26, v3  }
0x97: {  	v61 =	vld [tilespmem:$0x790];
	v18 =	vadd.f32 v50, v18;
	v50 =	vmul.f32 v40, v5;
	v17 =	vadd.f32 v54, v17  }
0x98: {  	v16 =	vadd.f32 v49, v16;
	v27 =	vmul.f32 v63, v7;
	v63 =	vmul.f32 v36, v3;
	v36 =	vld [tilespmem:$0x810]  }
0x99: {  	v51 =	vld [tilespmem:$0x840];
	v20 =	vadd.f32 v53, v20;
	v17 =	vadd.f32 v56, v17;
	v56 =	vmul.f32 v29, v2  }
0x9a: {  	v44 =	vld [tilespmem:$0x7B0];
	v19 =	vadd.f32 v57, v19;
	v57 =	vmul.f32 v31, v2;
	v18 =	vadd.f32 v52, v18  }
0x9b: {  	v54 =	vld [tilespmem:$0x740];
	v52 =	vmul.f32 v32, v1;
	v27 =	vadd.f32 v33, v27;
	v20 =	vadd.f32 v56, v20  }
0x9c: {  	v48 =	vld [tilespmem:$0x7C0];
	v19 =	vadd.f32 v60, v19;
	v46 =	vmul.f32 v61, v6;
	v18 =	vadd.f32 v58, v18  }
0x9d: {  	v61 =	vld [tilespmem:$0x860];
	v23 =	vadd.f32 v23, v27;
	v20 =	vadd.f32 v30, v20;
	v30 =	vmul.f32 v36, v6  }
0x9e: {  	(xrf2) =	vadd.scan.msk.f32 $0xffff, v8;
	v53 =	vld [tilespmem:$0x7D0];
	v32 =	vmul.f32 v37, v0;
	v18 =	vadd.f32 v21, v18;
	v21 =	vadd.f32 v46, v45  }
0x9f: {  	(xrf2) =	vadd.scan.msk.f32 $0xffff, v9;
	v55 =	vmul.f32 v44, v4;
	v29 =	vld [tilespmem:$0x760];
	v19 =	vadd.f32 v63, v19;
	v30 =	vadd.f32 v30, v35  }
0xa0: {  	(xrf2) =	vadd.scan.msk.f32 $0xffff, v10;
	v56 =	vld [tilespmem:$0x850];
	v23 =	vadd.f32 v43, v23;
	v49 =	vmul.f32 v54, v3;
	v54 =	vadd.f32 v50, v21  }
0xa1: {  	(xrf2) =	vadd.scan.msk.f32 $0xffff, v11;
	v58 =	vld [tilespmem:$0x7E0];
	v60 =	vmul.f32 v48, v3;
	v19 =	vadd.f32 v41, v19;
	v24 =	vadd.f32 v24, v30  }
0xa2: {  	(xrf2) =	vadd.scan.msk.f32 $0xffff, v12;
	v25 =	vld [tilespmem:$0x770];
	v36 =	vmul.f32 v61, v1;
	v8 =	vadd.f32 v49, v23;
	v10 =	vadd.f32 v55, v54  }
0xa3: {  	(xrf2) =	vadd.scan.msk.f32 $0xffff, v13;
	v62 =	vld [tilespmem:$0x7F0];
	v20 =	vadd.f32 v28, v20;
	v28 =	vmul.f32 v51, v3;
	v63 =	vadd.f32 v59, v24  }
0xa4: {  	(xrf2) =	vadd.scan.msk.f32 $0xffff, v14;
	v31 =	vld [tilespmem:$0x870];
	v29 =	vmul.f32 v29, v1;
	v10 =	vadd.f32 v60, v10;
	v30 =	vmul.f32 v53, v2  }
0xa5: {  	(xrf2) =	vadd.scan.msk.f32 $0xffff, v15;
	v8 =	vadd.f32 v57, v8;
	v33 =	vmul.f32 v56, v2;
	v13 =	vadd.f32 v28, v63  }
0xa6: {  	(xrf2) =	vadd.scan.msk.f32 $0xffff, v17;
	v9 =	vadd.f32 v52, v19;
	v34 =	vmul.f32 v58, v1;
	v12 =	vadd.f32 v30, v10  }
0xa7: {  	(xrf2) =	vadd.scan.msk.f32 $0xffff, v16;
	v35 =	vmul.f32 v25, v0;
	v8 =	vadd.f32 v29, v8;
	v13 =	vadd.f32 v33, v13  }
0xa8: {  	v37, _, _ =	vpop (xrf2);
	v11 =	vmul.f32 v62, v0;
	(xrf2) =	vadd.scan.msk.f32 $0xffff, v18;
	v9 =	vadd.f32 v32, v9;
	v12 =	vadd.f32 v34, v12  }
0xa9: {  	v38, _, _ =	vpop (xrf2);
	v39 =	vmul.f32 v31, v0;
	(xrf2) =	vadd.scan.msk.f32 $0xffff, v20;
	v8 =	vadd.f32 v35, v8;
	v13 =	vadd.f32 v36, v13  }
0xaa: {  	v40, _, _ =	vpop (xrf2);
	(xrf2) =	vadd.scan.msk.f32 $0xffff, v9;
	v41 =	vadd.f32 v11, v12  }
0xab: {  	v20, _, _ =	vpop (xrf2);
	(xrf2) =	vadd.scan.msk.f32 $0xffff, v8;
	v42 =	vadd.f32 v39, v13  }
0xac: {  	v21, _, _ =	vpop (xrf2);
	(xrf2) =	vadd.scan.msk.f32 $0xffff, v41  }
0xad: {  	[tilespmem:$0x1FF40] =	vst v37;
	v22, _, _ =	vpop (xrf2);
	(xrf2) =	vadd.scan.msk.f32 $0xffff, v42  }
0xae: {  	[tilespmem:$0x1FF50] =	vst v38;
	v23, _, _ =	vpop (xrf2)  }
0xaf: {  	[tilespmem:$0x1FF60] =	vst v40;
	v43, _, _ =	vpop (xrf2)  }
0xb0: {  	[tilespmem:$0x1FF70] =	vst v43;
	v44, _, _ =	vpop (xrf2)  }
0xb1: {  	[tilespmem:$0x1FF80] =	vst v44;
	v45, _, _ =	vpop (xrf2)  }
0xb2: {  	[tilespmem:$0x1FF90] =	vst v45;
	v46, _, _ =	vpop (xrf2)  }
0xb3: {  	[tilespmem:$0x1FFA0] =	vst v46;
	v47, _, _ =	vpop (xrf2)  }
0xb4: {  	[tilespmem:$0x1FFB0] =	vst v47;
	v48, _, _ =	vpop (xrf2)  }
0xb5: {  	[tilespmem:$0x1FFC0] =	vst v48;
	v49, _, _ =	vpop (xrf2)  }
0xb6: {  	[tilespmem:$0x1FFD0] =	vst v49;
	v50, _, _ =	vpop (xrf2)  }
0xb7: {  	[tilespmem:$0x1FFE0] =	vst v50;
	v51, _, _ =	vpop (xrf2)  }
0xb8: {  	s29 =	simm.s32 $0x2;
	[tilespmem:$0x1FFF0] =	vst v51  }
0xb9: {  	_ =	swait.ge [sflag:s29], $0x800  }
0xba: {  	[sflag:s29] =	ssyncset.done $0x0  }
0xbb: {  	[sflag:s29] =	ssyncadd.s32 $0xFFFFF800  }
0xbc: {  	v24 =	vld [tilespmem:$0xC80]  }
0xbd: {  	v25 =	vld [tilespmem:$0xC90]  }
0xbe: {  	v26 =	vld [tilespmem:$0xCA0]  }
0xbf: {  	v27 =	vld [tilespmem:$0xCB0]  }
0xc0: {  	v30 =	vld [tilespmem:$0xCC0]  }
0xc1: {  	v33 =	vld [tilespmem:$0xCD0]  }
0xc2: {  	v34 =	vld [tilespmem:$0xCE0]  }
0xc3: {  	v35 =	vld [tilespmem:$0xCF0]  }
0xc4: {  	v32 =	vld [tilespmem:$0xD00]  }
0xc5: {  	v36 =	vld [tilespmem:$0xD10]  }
0xc6: {  	v37 =	vld [tilespmem:$0xD20]  }
0xc7: {  	v38 =	vld [tilespmem:$0xD30]  }
0xc8: {  	v39 =	vld [tilespmem:$0xD40]  }
0xc9: {  	v40 =	vld [tilespmem:$0xD50]  }
0xca: {  	v41 =	vld [tilespmem:$0xD60]  }
0xcb: {  	v42 =	vld [tilespmem:$0xD70]  }
0xcc: {  	v43 =	vld [tilespmem:$0xD80]  }
0xcd: {  	v44 =	vld [tilespmem:$0xD90]  }
0xce: {  	v45 =	vld [tilespmem:$0xDA0]  }
0xcf: {  	v46 =	vld [tilespmem:$0xDB0]  }
0xd0: {  	v47 =	vld [tilespmem:$0xDC0]  }
0xd1: {  	v48 =	vld [tilespmem:$0xDD0]  }
0xd2: {  	v49 =	vld [tilespmem:$0xDE0]  }
0xd3: {  	v50 =	vld [tilespmem:$0xDF0]  }
0xd4: {  	v51 =	vld [tilespmem:$0xE00]  }
0xd5: {  	v52 =	vld [tilespmem:$0xE10]  }
0xd6: {  	v53 =	vld [tilespmem:$0xE20]  }
0xd7: {  	v54 =	vld [tilespmem:$0xE30]  }
0xd8: {  	v55 =	vld [tilespmem:$0xE40]  }
0xd9: {  	v56 =	vld [tilespmem:$0xE50]  }
0xda: {  	v57 =	vld [tilespmem:$0xE60]  }
0xdb: {  	v58 =	vld [tilespmem:$0xE70]  }
0xdc: {  	v59 =	vld [tilespmem:$0xE80]  }
0xdd: {  	v60 =	vld [tilespmem:$0xE90]  }
0xde: {  	v61 =	vld [tilespmem:$0xEA0]  }
0xdf: {  	v62 =	vld [tilespmem:$0xEB0]  }
0xe0: {  	v63 =	vld [tilespmem:$0xEC0]  }
0xe1: {  	v15 =	vld [tilespmem:$0xED0]  }
0xe2: {  	v18 =	vld [tilespmem:$0xEE0]  }
0xe3: {  	v28 =	vld [tilespmem:$0xEF0]  }
0xe4: {  	v8 =	vld [tilespmem:$0xF00]  }
0xe5: {  	v9 =	vld [tilespmem:$0xF10]  }
0xe6: {  	v10 =	vld [tilespmem:$0xF20]  }
0xe7: {  	v11 =	vld [tilespmem:$0xF30]  }
0xe8: {  	v14 =	vld [tilespmem:$0xF40]  }
0xe9: {  	v17 =	vld [tilespmem:$0xF50]  }
0xea: {  	v31 =	vld [tilespmem:$0xF60]  }
0xeb: {  	v29 =	vld [tilespmem:$0xF70]  }
0xec: {  	v12 =	vld [tilespmem:$0xF80]  }
0xed: {  	v13 =	vld [tilespmem:$0xF90];
	v24 =	vmul.f32 v24, v7;
	v25 =	vmul.f32 v25, v6  }
0xee: {  	v16 =	vld [tilespmem:$0xFB0];
	v32 =	vmul.f32 v32, v7;
	v36 =	vmul.f32 v36, v6  }
0xef: {  	v19 =	vld [tilespmem:$0xFD0];
	v24 =	vadd.f32 v25, v24;
	v25 =	vmul.f32 v26, v5  }
0xf0: {  	v37 =	vmul.f32 v37, v5;
	v26 =	vld [tilespmem:$0xFA0];
	v36 =	vadd.f32 v36, v32  }
0xf1: {  	v33 =	vmul.f32 v33, v2;
	v32 =	vld [tilespmem:$0xFE0];
	v24 =	vadd.f32 v25, v24;
	v25 =	vmul.f32 v27, v4  }
0xf2: {  	v35 =	vmul.f32 v35, v0;
	v53 =	vmul.f32 v53, v5;
	v27 =	vld [tilespmem:$0xFC0];
	v36 =	vadd.f32 v37, v36  }
0xf3: {  	v37 =	vmul.f32 v38, v4;
	v38 =	vld [tilespmem:$0x1000];
	v24 =	vadd.f32 v25, v24;
	v25 =	vmul.f32 v30, v3  }
0xf4: {  	v59 =	vmul.f32 v59, v7;
	v60 =	vmul.f32 v60, v6;
	v30 =	vld [tilespmem:$0xFF0]  }
0xf5: {  	v24 =	vadd.f32 v25, v24;
	v25 =	vadd.f32 v37, v36;
	v36 =	vmul.f32 v39, v3;
	v37 =	vld [tilespmem:$0x1010]  }
0xf6: {  	v39 =	vmul.f32 v43, v7;
	v43 =	vmul.f32 v44, v6;
	v44 =	vld [tilespmem:$0x1020]  }
0xf7: {  	v24 =	vadd.f32 v33, v24;
	v25 =	vadd.f32 v36, v25;
	v33 =	vmul.f32 v34, v1;
	v34 =	vld [tilespmem:$0x1030]  }
0xf8: {  	v36 =	vadd.f32 v43, v39;
	v39 =	vmul.f32 v40, v2;
	v40 =	vmul.f32 v45, v5;
	v43 =	vld [tilespmem:$0x1040]  }
0xf9: {  	v45 =	vmul.f32 v52, v6;
	v52 =	vmul.f32 v46, v4;
	v46 =	vld [tilespmem:$0x1090]  }
0xfa: {  	v8 =	vmul.f32 v8, v7;
	v24 =	vadd.f32 v33, v24;
	v33 =	vmul.f32 v51, v7;
	v51 =	vld [tilespmem:$0x1050]  }
0xfb: {  	v25 =	vadd.f32 v39, v25;
	v36 =	vadd.f32 v40, v36;
	v40 =	vld [tilespmem:$0x1060];
	v39 =	vmul.f32 v41, v1  }
0xfc: {  	v9 =	vmul.f32 v9, v6;
	v41 =	vmul.f32 v47, v3;
	v47 =	vld [tilespmem:$0x1080];
	v45 =	vadd.f32 v45, v33  }
0xfd: {  	v33 =	vld [tilespmem:$0x1070];
	v25 =	vadd.f32 v39, v25;
	v39 =	vadd.f32 v60, v59;
	v60 =	vmul.f32 v61, v5  }
0xfe: {  	v36 =	vadd.f32 v52, v36;
	v61 =	vmul.f32 v62, v4;
	v62 =	vmul.f32 v50, v0;
	v50 =	vld [tilespmem:$0x1110]  }
0xff: {  	v10 =	vmul.f32 v10, v5;
	v59 =	vmul.f32 v56, v2;
	v56 =	vld [tilespmem:$0x1120]  }
0x100: {  	v52 =	vadd.f32 v53, v45;
	v53 =	vmul.f32 v54, v4;
	v36 =	vadd.f32 v41, v36;
	v41 =	vld [tilespmem:$0x10A0]  }
0x101: {  	v54 =	vmul.f32 v42, v0;
	v42 =	vmul.f32 v48, v2;
	v48 =	vld [tilespmem:$0x10B0]  }
0x102: {  	v45 =	vmul.f32 v55, v3;
	v39 =	vadd.f32 v60, v39;
	v60 =	vmul.f32 v57, v1;
	v55 =	vld [tilespmem:$0x1150]  }
0x103: {  	v57 =	vmul.f32 v58, v0;
	v58 =	vmul.f32 v18, v1;
	v18 =	vld [tilespmem:$0x1170]  }
0x104: {  	v15 =	vmul.f32 v15, v2;
	v24 =	vadd.f32 v35, v24;
	v35 =	vadd.f32 v53, v52;
	v53 =	vld [tilespmem:$0x10C0]  }
0x105: {  	v14 =	vmul.f32 v14, v3;
	v12 =	vmul.f32 v12, v7;
	v25 =	vadd.f32 v54, v25;
	v54 =	vld [tilespmem:$0x10E0]  }
0x106: {  	v13 =	vmul.f32 v13, v6;
	v19 =	vmul.f32 v19, v2;
	v52 =	vld [tilespmem:$0x1100]  }
0x107: {  	v9 =	vadd.f32 v9, v8;
	v36 =	vadd.f32 v42, v36;
	v42 =	vmul.f32 v49, v1;
	v49 =	vld [tilespmem:$0x1140]  }
0x108: {  	v39 =	vadd.f32 v61, v39;
	v61 =	vmul.f32 v63, v3;
	v35 =	vadd.f32 v45, v35;
	v45 =	vld [tilespmem:$0x10D0]  }
0x109: {  	v12 =	vadd.f32 v13, v12;
	v27 =	vmul.f32 v27, v3;
	v36 =	vadd.f32 v42, v36;
	v42 =	vld [tilespmem:$0x10F0]  }
0x10a: {  	v30 =	vmul.f32 v30, v0;
	v63 =	vadd.f32 v61, v39;
	v61 =	vmul.f32 v38, v7;
	v38 =	vld [tilespmem:$0x11B0]  }
0x10b: {  	v9 =	vadd.f32 v10, v9;
	v40 =	vmul.f32 v40, v1;
	v33 =	vmul.f32 v33, v0;
	v39 =	vld [tilespmem:$0x1220]  }
0x10c: {  	v35 =	vadd.f32 v59, v35;
	v8 =	vadd.f32 v62, v36;
	v62 =	vmul.f32 v11, v4;
	v11 =	vld [tilespmem:$0x1130]  }
0x10d: {  	v18 =	vmul.f32 v18, v0;
	v15 =	vadd.f32 v15, v63;
	v63 =	vmul.f32 v16, v4;
	v16 =	vld [tilespmem:$0x11A0]  }
0x10e: {  	v59 =	vmul.f32 v17, v2;
	v17 =	vld [tilespmem:$0x11D0];
	v52 =	vmul.f32 v52, v7;
	v35 =	vadd.f32 v60, v35  }
0x10f: {  	v36 =	vld [tilespmem:$0x1200];
	v10 =	vadd.f32 v62, v9;
	v60 =	vmul.f32 v26, v5;
	v62 =	vmul.f32 v37, v6  }
0x110: {  	v26 =	vld [tilespmem:$0x1180];
	v45 =	vmul.f32 v45, v2;
	v42 =	vmul.f32 v42, v0;
	v9 =	vadd.f32 v57, v35  }
0x111: {  	v37 =	vld [tilespmem:$0x1190];
	v10 =	vadd.f32 v14, v10;
	v14 =	vadd.f32 v58, v15;
	v57 =	vmul.f32 v28, v0  }
0x112: {  	v35 =	vld [tilespmem:$0x1160];
	v15 =	vadd.f32 v62, v61;
	v58 =	vmul.f32 v44, v5;
	v61 =	vmul.f32 v34, v4  }
0x113: {  	vm0 =	vmmov $0x1;
	v62 =	vmul.f32 v29, v0;
	v34 =	vld [tilespmem:$0x11F0];
	v44 =	vmul.f32 v46, v6  }
0x114: {  	v12 =	vadd.f32 v60, v12;
	v46 =	vmul.f32 v32, v1;
	v32 =	vld [tilespmem:$0x1240];
	v11 =	vmul.f32 v11, v4  }
0x115: {  	v16 =	vmul.f32 v16, v5;
	v10 =	vadd.f32 v59, v10;
	v59 =	vmul.f32 v31, v1;
	v31 =	vld [tilespmem:$0x11C0]  }
0x116: {  	v36 =	vmul.f32 v36, v7;
	v17 =	vmul.f32 v17, v2;
	v60 =	vadd.f32 v58, v15;
	v15 =	vld [tilespmem:$0x1210]  }
0x117: {  	v12 =	vadd.f32 v63, v12;
	v63 =	vmul.f32 v43, v3;
	v43 =	vmul.f32 v47, v7;
	v58 =	vld [tilespmem:$0x1230]  }
0x118: {  	v28 =	vadd.f32 v57, v14;
	v47 =	vmul.f32 v51, v2;
	v57 =	vmul.f32 v50, v6;
	v50 =	vld [tilespmem:$0x12A0]  }
0x119: {  	vm1 =	vmmov $0x3;
	v51 =	vmul.f32 v41, v5;
	v41 =	vld [tilespmem:$0x1370];
	v26 =	vmul.f32 v26, v7  }
0x11a: {  	v10 =	vadd.f32 v59, v10;
	v12 =	vadd.f32 v27, v12;
	v27 =	vld [tilespmem:$0x11E0];
	v59 =	vmul.f32 v48, v4  }
0x11b: {  	v14 =	vadd.f32 v61, v60;
	v60 =	vmul.f32 v56, v5;
	v61 =	vmul.f32 v53, v3;
	v48 =	vld [tilespmem:$0x1290]  }
0x11c: {  	v53 =	vmul.f32 v55, v2;
	v55 =	vmul.f32 v39, v5;
	v39 =	vld [tilespmem:$0x12F0];
	v29 =	vadd.f32 v62, v10  }
0x11d: {  	v35 =	vmul.f32 v35, v1;
	v12 =	vadd.f32 v19, v12;
	v10 =	vadd.f32 v44, v43;
	v44 =	vld [tilespmem:$0x1250]  }
0x11e: {  	v32 =	vmul.f32 v32, v3;
	v14 =	vadd.f32 v63, v14;
	v19 =	vadd.f32 v57, v52;
	v63 =	vld [tilespmem:$0x1280]  }
0x11f: {  	v52 =	vld [tilespmem:$0x12B0];
	v15 =	vmul.f32 v15, v6;
	v56 =	vmul.f32 v31, v3;
	v12 =	vadd.f32 v46, v12  }
0x120: {  	v57 =	vld [tilespmem:$0x1300];
	v58 =	vmul.f32 v58, v4;
	v14 =	vadd.f32 v47, v14;
	v10 =	vadd.f32 v51, v10  }
0x121: {  	v46 =	vld [tilespmem:$0x1260];
	v62 =	vadd.f32 v60, v19;
	v47 =	vmul.f32 v49, v3;
	v49 =	vmul.f32 v37, v6  }
0x122: {  	v19 =	vld [tilespmem:$0x1270];
	v51 =	vmul.f32 v54, v1;
	v15 =	vadd.f32 v15, v36;
	v10 =	vadd.f32 v59, v10  }
0x123: {  	v54 =	vmul.f32 v38, v4;
	v38 =	vld [tilespmem:$0x12E0];
	v30 =	vadd.f32 v30, v12;
	v14 =	vadd.f32 v40, v14  }
0x124: {  	v60 =	vld [tilespmem:$0x1320];
	v43 =	vmul.f32 v27, v1;
	v11 =	vadd.f32 v11, v62;
	v26 =	vadd.f32 v49, v26  }
0x125: {  	v40 =	vld [tilespmem:$0x12D0];
	v62 =	vmul.f32 v48, v6;
	v48 =	vmul.f32 v50, v5;
	v15 =	vadd.f32 v55, v15  }
0x126: {  	v59 =	vld [tilespmem:$0x1310];
	v13 =	vmul.f32 v63, v7;
	v50 =	vmul.f32 v57, v7;
	v10 =	vadd.f32 v61, v10  }
0x127: {  	v49 =	vld [tilespmem:$0x1360];
	v12 =	vmul.f32 v52, v4;
	v14 =	vadd.f32 v33, v14;
	v11 =	vadd.f32 v47, v11  }
0x128: {  	v63 =	vld [tilespmem:$0x1340];
	v16 =	vadd.f32 v16, v26;
	v47 =	vmul.f32 v44, v2;
	v15 =	vadd.f32 v58, v15  }
0x129: {  	v33 =	vld [tilespmem:$0x12C0];
	v13 =	vadd.f32 v62, v13;
	v26 =	vmul.f32 v60, v5;
	v55 =	vmul.f32 v46, v1  }
0x12a: {  	v61 =	vld [tilespmem:$0x1330];
	v19 =	vmul.f32 v19, v0;
	v10 =	vadd.f32 v45, v10;
	v11 =	vadd.f32 v53, v11  }
0x12b: {  	v52 =	vld [tilespmem:$0x1380];
	v46 =	vmul.f32 v38, v1;
	v16 =	vadd.f32 v54, v16;
	v15 =	vadd.f32 v32, v15  }
0x12c: {  	v45 =	vld [tilespmem:$0x1350];
	v53 =	vmul.f32 v34, v0;
	v13 =	vadd.f32 v48, v13;
	v10 =	vadd.f32 v51, v10  }
0x12d: {  	v54 =	vld [tilespmem:$0x1390];
	v48 =	vmul.f32 v49, v1;
	v11 =	vadd.f32 v35, v11;
	v16 =	vadd.f32 v56, v16  }
0x12e: {  	v60 =	vld [tilespmem:$0x1410];
	v51 =	vmul.f32 v59, v6;
	v62 =	vmul.f32 v63, v3;
	v15 =	vadd.f32 v47, v15  }
0x12f: {  	v57 =	vld [tilespmem:$0x13A0];
	v12 =	vadd.f32 v12, v13;
	v56 =	vmul.f32 v33, v3;
	v58 =	vmul.f32 v61, v4  }
0x130: {  	v59 =	vld [tilespmem:$0x1400];
	v61 =	vmul.f32 v40, v2;
	v10 =	vadd.f32 v42, v10;
	v11 =	vadd.f32 v18, v11  }
0x131: {  	v63 =	vld [tilespmem:$0x13B0];
	v16 =	vadd.f32 v17, v16;
	v17 =	vadd.f32 v51, v50;
	v18 =	vmul.f32 v52, v7  }
0x132: {  	v36 =	vld [tilespmem:$0x1420];
	v15 =	vadd.f32 v55, v15;
	v31 =	vmul.f32 v54, v6;
	v40 =	vmul.f32 v45, v2  }
0x133: {  	v42 =	vld [tilespmem:$0x13C0];
	v12 =	vadd.f32 v56, v12;
	v6 =	vmul.f32 v60, v6;
	v56 =	vmul.f32 v39, v0  }
0x134: {  	(xrf2) =	vadd.scan.msk.f32 $0xffff, v24;
	v44 =	vld [tilespmem:$0x1430];
	v16 =	vadd.f32 v43, v16;
	v43 =	vmul.f32 v57, v5;
	v18 =	vadd.f32 v31, v18  }
0x135: {  	(xrf2) =	vadd.scan.msk.f32 $0xffff, v25;
	v47 =	vld [tilespmem:$0x13D0];
	v17 =	vadd.f32 v26, v17;
	v15 =	vadd.f32 v19, v15;
	v7 =	vmul.f32 v59, v7  }
0x136: {  	(xrf2) =	vadd.scan.msk.f32 $0xffff, v8;
	v50 =	vld [tilespmem:$0x1440];
	v12 =	vadd.f32 v61, v12;
	v49 =	vmul.f32 v63, v4;
	v18 =	vadd.f32 v43, v18  }
0x137: {  	(xrf2) =	vadd.scan.msk.f32 $0xffff, v9;
	v52 =	vld [tilespmem:$0x13E0];
	v5 =	vmul.f32 v36, v5;
	v17 =	vadd.f32 v58, v17;
	v6 =	vadd.f32 v6, v7  }
0x138: {  	(xrf2) =	vadd.scan.msk.f32 $0xffff, v28;
	v55 =	vld [tilespmem:$0x1450];
	v16 =	vadd.f32 v53, v16;
	v54 =	vmul.f32 v42, v3;
	v53 =	vadd.f32 v49, v18  }
0x139: {  	(xrf2) =	vadd.scan.msk.f32 $0xffff, v29;
	v57 =	vld [tilespmem:$0x13F0];
	v4 =	vmul.f32 v44, v4;
	v17 =	vadd.f32 v62, v17;
	v5 =	vadd.f32 v5, v6  }
0x13a: {  	(xrf2) =	vadd.scan.msk.f32 $0xffff, v30;
	v59 =	vld [tilespmem:$0x1460];
	v13 =	vmul.f32 v47, v2;
	v51 =	vadd.f32 v46, v12;
	v12 =	vadd.f32 v54, v53  }
0x13b: {  	(xrf2) =	vadd.scan.msk.f32 $0xffff, v14;
	v3 =	vmul.f32 v50, v3;
	v45 =	vadd.f32 v40, v17;
	v4 =	vadd.f32 v4, v5  }
0x13c: {  	(xrf2) =	vadd.scan.msk.f32 $0xffff, v10;
	v63 =	vld [tilespmem:$0x1470];
	v58 =	vmul.f32 v41, v0;
	v7 =	vmul.f32 v52, v1;
	v62 =	vadd.f32 v13, v12  }
0x13d: {  	(xrf2) =	vadd.scan.msk.f32 $0xffff, v11;
	v2 =	vmul.f32 v55, v2;
	v8 =	vadd.f32 v48, v45;
	v3 =	vadd.f32 v3, v4  }
0x13e: {  	v61, _, _ =	vpop (xrf2);
	(xrf2) =	vadd.scan.msk.f32 $0xffff, v16;
	v6 =	vadd.f32 v56, v51;
	v14 =	vmul.f32 v57, v0;
	v7 =	vadd.f32 v7, v62  }
0x13f: {  	v1 =	vmul.f32 v59, v1;
	v13, _, _ =	vpop (xrf2);
	(xrf2) =	vadd.scan.msk.f32 $0xffff, v15;
	v60 =	vadd.f32 v58, v8;
	v2 =	vadd.f32 v2, v3  }
0x140: {  	v12 =	vbroadcast v61, $0xF;
	v8 =	vbroadcast v13, $0xF;
	v15, _, _ =	vpop (xrf2);
	(xrf2) =	vadd.scan.msk.f32 $0xffff, v6;
	v16 =	vadd.f32 v14, v7  }
0x141: {  	v0 =	vmul.f32 v63, v0;
	v3 =	vbroadcast v15, $0xF;
	v17, _, _ =	vpop (xrf2);
	(xrf2) =	vadd.scan.msk.f32 $0xffff, v60;
	v1 =	vadd.f32 v1, v2  }
0x142: {  	vm2 =	vmmov $0x7;
	v4 =	vsel vm0, v12, v8;
	v19 =	vbroadcast v17, $0xF;
	v24, _, _ =	vpop (xrf2);
	(xrf2) =	vadd.scan.msk.f32 $0xffff, v16  }
0x143: {  	v18 =	vsel vm1, v4, v3;
	v25, _, _ =	vpop (xrf2);
	v4 =	vbroadcast v24, $0xF;
	v0 =	vadd.f32 v0, v1  }
0x144: {  	vm4 =	vmmov $0xf;
	v26, _, _ =	vpop (xrf2);
	v2 =	vsel vm2, v18, v19;
	v27 =	vbroadcast v25, $0xF  }
0x145: {  	vm3 =	vmmov $0x1f;
	v2 =	vsel vm4, v2, v4;
	v1 =	vbroadcast v26, $0xF;
	v28, _, _ =	vpop (xrf2);
	(xrf2) =	vadd.scan.msk.f32 $0xffff, v0  }
0x146: {  	vm5 =	vmmov $0x3f;
	v29, _, _ =	vpop (xrf2);
	v2 =	vsel vm3, v2, v27;
	v30 =	vbroadcast v28, $0xF  }
0x147: {  	vm6 =	vmmov $0x7f;
	v31, _, _ =	vpop (xrf2);
	v1 =	vsel vm5, v2, v1;
	v0 =	vbroadcast v29, $0xF  }
0x148: {  	vm7 =	vmmov $0xff;
	v32, _, _ =	vpop (xrf2);
	v1 =	vsel vm6, v1, v30;
	v33 =	vbroadcast v31, $0xF  }
0x149: {  	vm8 =	vmmov $0x1ff;
	v34, _, _ =	vpop (xrf2);
	v0 =	vsel vm7, v1, v0;
	v35 =	vbroadcast v32, $0xF  }
0x14a: {  	vm9 =	vmmov $0x3ff;
	v36, _, _ =	vpop (xrf2);
	v0 =	vsel vm8, v0, v33;
	v37 =	vbroadcast v34, $0xF  }
0x14b: {  	vm10 =	vmmov $0x7ff;
	v0 =	vsel vm9, v0, v35;
	v39 =	vbroadcast v36, $0xF;
	v38, _, _ =	vpop (xrf2)  }
0x14c: {  	vm11 =	vmmov $0xfff;
	v0 =	vsel vm10, v0, v37;
	v41 =	vbroadcast v38, $0xF;
	v40, _, _ =	vpop (xrf2)  }
0x14d: {  	vm12 =	vmmov $0x1fff;
	v0 =	vsel vm11, v0, v39;
	v42 =	vbroadcast v40, $0xF  }
0x14e: {  	vm14 =	vmmov $0x3fff;
	v0 =	vsel vm12, v0, v41  }
0x14f: {  	vm13 =	vmmov $0x7fff;
	v43, _, _ =	vpop (xrf2);
	v0 =	vsel vm14, v0, v42  }
0x150: {  	v0 =	vsel vm13, v0, v43  }
0x151: {  	v44 =	vld [tilespmem:$0x1FF40];
	v0 =	vmul.f32 $1.442695020e+00, v0  }
0x152: {  	v45 =	vld [tilespmem:$0x1FF50]  }
0x153: {  	v46 =	vld [tilespmem:$0x1FF60];
	(erf) = vpow2.f32 v0;
	_ =	sdelay $0x3  }
0x154: {  	v1 =	vbroadcast v45, $0xF;
	v0 =	vbroadcast v44, $0xF  }
0x155: {  	v52 =	vld [tilespmem:$0x1FF70];
	v2 =	vbroadcast v46, $0xF  }
0x156: {  	v47 =	vbroadcast v20, $0xF;
	v53 =	vld [tilespmem:$0x1FF80];
	v0 =	vsel vm0, v0, v1  }
0x157: {  	v54 =	vld [tilespmem:$0x1FF90];
	v48 =	vbroadcast v21, $0xF;
	v0 =	vsel vm1, v0, v2  }
0x158: {  	v55 =	vld [tilespmem:$0x1FFA0];
	v49 =	vbroadcast v22, $0xF;
	v0 =	vsel vm2, v0, v47  }
0x159: {  	v50 =	vbroadcast v23, $0xF;
	v56 =	vld [tilespmem:$0x1FFB0];
	v0 =	vsel vm4, v0, v48;
	v51 =	vpop (erf)  }
0x15a: {  	v57 =	vld [tilespmem:$0x1FFC0];
	v1 =	vbroadcast v52, $0xF;
	v0 =	vsel vm3, v0, v49;
	v3 =	vadd.f32 $1.000000000e+00, v51  }
0x15b: {  	v58 =	vld [tilespmem:$0x1FFD0];
	v2 =	vbroadcast v53, $0xF;
	v0 =	vsel vm5, v0, v50  }
0x15c: {  	v59 =	vld [tilespmem:$0x1FFE0];
	v0 =	vsel vm6, v0, v1;
	v1 =	vbroadcast v54, $0xF;
	(erf) = vrcp.f32 v3  }
0x15d: {  	v0 =	vsel vm7, v0, v2;
	v2 =	vbroadcast v55, $0xF  }
0x15e: {  	v0 =	vsel vm8, v0, v1;
	v1 =	vbroadcast v56, $0xF  }
0x15f: {  	v62 =	vld [tilespmem:$0x1FFF0];
	v0 =	vsel vm9, v0, v2;
	v2 =	vbroadcast v57, $0xF  }
0x160: {  	v0 =	vsel vm10, v0, v1;
	v1 =	vbroadcast v58, $0xF  }
0x161: {  	v0 =	vsel vm11, v0, v2;
	v2 =	vbroadcast v59, $0xF  }
0x162: {  	v60 =	vlaneseq.u32;
	v0 =	vsel vm12, v0, v1  }
0x163: {  	v61 =	vadd.s32 s6, v60;
	v0 =	vsel vm14, v0, v2  }
0x164: {  	vm15 =	vlt.u32 v61, s5;
	v0 =	vsel vm13, v0, v62  }
0x165: {  	v0 =	vsel vm15, $0x0, v0;
	v63 =	vpop (erf)  }
0x166: {  	s30 =	sshll.u32 s4, $0x7;
	[tilespmem:$0x1480] =	vst v0;
	v1 =	vsel vm15, $0x0, v63  }
0x167: {  	s31 =	simm.s32 $0x1480;
	s5 =	sadd.s32 s30, s3;
	[tilespmem:$0x1490] =	vst v1  }
0x168: {  	[spmem:s5] =	stream.linear.scatter [tilespmem:s31], [sflag:$0x3], $0x80, $0x38;
	[tilespmem:$0x1DA0] =	vst v63  }
0x169: {  	s5 =	simm.s32 $0x3  }
0x16a: {  	_ =	swait.ge [sflag:s5], $0x80  }
0x16b: {  	[sflag:s5] =	ssyncset.done $0x0  }
0x16c: {  	[sflag:s5] =	ssyncadd.s32 $0xFFFFFF80  }
0x16d: {  	p0 =	sne.s32 s4, $0x0;
	[bflag:$0x0] =	sbarrier.arrive $0xFFFF  }
0x16e: {  	_ =	sfence.sel @p0 $0x180000  }
0x16f: {  	[bflag:$0x0] =	sbarrier.arrive @p0 $0xFFFF  }
0x170: {  	_ =	strace @p0 $0x90000047  }
0x171: {  	[bflag:$0x2] =	sbarrier.arrive @p0 $0xFFFF  }
0x172: {  	_ =	shalt @p0  }
.LBB2_1:
0x173: {  	s4 =	simm.s32 $0x1520  }
0x174: {  	[tilespmem:s4], [sflag:$0x3] =	stream.linear.gather [spmem:s3], $0x800, $0x38;
	[tilespmem:$0x1DA0] =	vst v63  }
0x175: {  	_ =	swait.ge [sflag:s5], $0x800  }
0x176: {  	[sflag:s5] =	ssyncset.done $0x0  }
0x177: {  	[sflag:s5] =	ssyncadd.s32 $0xFFFFF800  }
0x178: {  	v0 =	vld [tilespmem:$0x1520];
	_ =	sdelay $0x1  }
0x179: {  	v1 =	vld [tilespmem:$0x15A0];
	_ =	sdelay $0x1  }
0x17a: {  	v2 =	vld [tilespmem:$0x1620]  }
0x17b: {  	v0 =	vadd.f32 $0.0e+00, v0  }
0x17c: {  	v3 =	vld [tilespmem:$0x16A0]  }
0x17d: {  	v0 =	vadd.f32 v1, v0  }
0x17e: {  	v30 =	vld [tilespmem:$0x1720]  }
0x17f: {  	v0 =	vadd.f32 v2, v0  }
0x180: {  	v31 =	vld [tilespmem:$0x17A0]  }
0x181: {  	v0 =	vadd.f32 v3, v0  }
0x182: {  	v32 =	vld [tilespmem:$0x1820]  }
0x183: {  	v0 =	vadd.f32 v30, v0  }
0x184: {  	v33 =	vld [tilespmem:$0x18A0]  }
0x185: {  	v0 =	vadd.f32 v31, v0  }
0x186: {  	v34 =	vld [tilespmem:$0x1920]  }
0x187: {  	v0 =	vadd.f32 v32, v0  }
0x188: {  	v35 =	vld [tilespmem:$0x19A0]  }
0x189: {  	v0 =	vadd.f32 v33, v0  }
0x18a: {  	v36 =	vld [tilespmem:$0x1A20]  }
0x18b: {  	v0 =	vadd.f32 v34, v0  }
0x18c: {  	v37 =	vld [tilespmem:$0x1AA0]  }
0x18d: {  	v0 =	vadd.f32 v35, v0  }
0x18e: {  	v38 =	vld [tilespmem:$0x1B20]  }
0x18f: {  	v0 =	vadd.f32 v36, v0  }
0x190: {  	v39 =	vld [tilespmem:$0x1BA0]  }
0x191: {  	v0 =	vadd.f32 v37, v0  }
0x192: {  	v40 =	vld [tilespmem:$0x1C20]  }
0x193: {  	v0 =	vadd.f32 v38, v0  }
0x194: {  	v41 =	vld [tilespmem:$0x1CA0]  }
0x195: {  	v0 =	vadd.f32 v39, v0;
	_ =	sdelay $0x1  }
0x196: {  	v0 =	vadd.f32 v40, v0;
	_ =	sdelay $0x1  }
0x197: {  	v0 =	vadd.f32 v41, v0;
	_ =	sdelay $0x1  }
0x198: {  	(xrf2) =	vadd.scan.msk.f32 $0xffff, v0;
	_ =	sdelay $0x9  }
0x199: {  	v0, _, _ =	vpop (xrf2)  }
0x19a: {  	v0 =	vsub.f32 $0.0e+00, v0;
	_ =	sdelay $0x1  }
0x19b: {  	v0 =	vmul.f32 $1.442695020e+00, v0;
	_ =	sdelay $0x1  }
0x19c: {  	v0 =	vbroadcast v0, $0xF;
	_ =	sdelay $0x1  }
0x19d: {  	(erf) = vpow2.f32 v0;
	_ =	sdelay $0x8  }
0x19e: {  	v0 =	vpop (erf)  }
0x19f: {  	v0 =	vadd.f32 $1.000000000e+00, v0;
	_ =	sdelay $0x1  }
0x1a0: {  	(erf) = vrcp.f32 v0;
	_ =	sdelay $0x8  }
0x1a1: {  	v0 =	vpop (erf)  }
0x1a2: {  	v0 =	vmax.f32 v0, $1.000000010e-07  }
0x1a3: {  	v0 =	vmin.f32 v0, $9.999998800e-01  }
0x1a4: {  	v42 =	vcvt.s32.f32 v0;
	_ =	sdelay $0x1  }
0x1a5: {  	v1 =	vmul.f32 $1.192092900e-07, v42;
	_ =	sdelay $0x1  }
0x1a6: {  	v1 =	vadd.f32 $-1.269426960e+02, v1;
	_ =	sdelay $0x1  }
0x1a7: {  	v1 =	vmul.f32 $6.931471820e-01, v1;
	_ =	sdelay $0x1  }
0x1a8: {  	v43 =	vsub.f32 $0.0e+00, v1;
	_ =	sdelay $0x1  }
0x1a9: {  	v2 =	vmul.f32 $1.442695020e+00, v43;
	_ =	sdelay $0x1  }
0x1aa: {  	(erf) = vpow2.f32 v2;
	_ =	sdelay $0x5  }
0x1ab: {  	v44 =	vld [tilespmem:$0x1530];
	_ =	sdelay $0x1  }
0x1ac: {  	v45 =	vld [tilespmem:$0x15B0]  }
0x1ad: {  	v4 =	vpop (erf)  }
0x1ae: {  	v5 =	vld [tilespmem:$0x1630];
	v4 =	vmul.f32 v4, v0  }
0x1af: {  	v2 =	vadd.f32 $0.0e+00, v44  }
0x1b0: {  	v6 =	vld [tilespmem:$0x16B0];
	v1 =	vadd.f32 v4, v1  }
0x1b1: {  	v2 =	vadd.f32 v45, v2  }
0x1b2: {  	v46 =	vld [tilespmem:$0x1730];
	v1 =	vadd.f32 $-1.000000000e+00, v1  }
0x1b3: {  	v2 =	vadd.f32 v5, v2  }
0x1b4: {  	v47 =	vld [tilespmem:$0x17B0];
	v48 =	vsub.f32 $0.0e+00, v1  }
0x1b5: {  	v2 =	vadd.f32 v6, v2  }
0x1b6: {  	v49 =	vld [tilespmem:$0x1830];
	v5 =	vmul.f32 $1.442695020e+00, v48  }
0x1b7: {  	v2 =	vadd.f32 v46, v2  }
0x1b8: {  	v50 =	vld [tilespmem:$0x18B0];
	(erf) = vpow2.f32 v5  }
0x1b9: {  	v2 =	vadd.f32 v47, v2  }
0x1ba: {  	v51 =	vld [tilespmem:$0x1930]  }
0x1bb: {  	v2 =	vadd.f32 v49, v2  }
0x1bc: {  	v52 =	vld [tilespmem:$0x19B0]  }
0x1bd: {  	v2 =	vadd.f32 v50, v2  }
0x1be: {  	v53 =	vld [tilespmem:$0x1A30]  }
0x1bf: {  	v2 =	vadd.f32 v51, v2  }
0x1c0: {  	v54 =	vld [tilespmem:$0x1AB0]  }
0x1c1: {  	v2 =	vadd.f32 v52, v2;
	v55 =	vpop (erf)  }
0x1c2: {  	v56 =	vld [tilespmem:$0x1B30];
	v5 =	vmul.f32 v55, v0  }
0x1c3: {  	v2 =	vadd.f32 v53, v2  }
0x1c4: {  	v57 =	vld [tilespmem:$0x1BB0];
	v1 =	vadd.f32 v5, v1  }
0x1c5: {  	v2 =	vadd.f32 v54, v2  }
0x1c6: {  	v58 =	vld [tilespmem:$0x1C30];
	v1 =	vadd.f32 $-1.000000000e+00, v1  }
0x1c7: {  	v2 =	vadd.f32 v56, v2  }
0x1c8: {  	v59 =	vld [tilespmem:$0x1CB0];
	v60 =	vsub.f32 $0.0e+00, v1  }
0x1c9: {  	v2 =	vadd.f32 v57, v2  }
0x1ca: {  	v61 =	vmul.f32 $1.442695020e+00, v60  }
0x1cb: {  	v2 =	vadd.f32 v58, v2  }
0x1cc: {  	(erf) = vpow2.f32 v61  }
0x1cd: {  	v2 =	vadd.f32 v59, v2;
	_ =	sdelay $0x1  }
0x1ce: {  	(xrf2) =	vadd.scan.msk.f32 $0xffff, v2;
	_ =	sdelay $0x5  }
0x1cf: {  	v62 =	vpop (erf)  }
0x1d0: {  	v0 =	vmul.f32 v62, v0;
	_ =	sdelay $0x1  }
0x1d1: {  	v0 =	vadd.f32 v0, v1  }
0x1d2: {  	v63, _, _ =	vpop (xrf2)  }
0x1d3: {  	v1 =	vmax.f32 v63, $1.000000010e-07;
	v0 =	vadd.f32 $-1.000000000e+00, v0  }
0x1d4: {  	v1 =	vmin.f32 v1, $9.999998800e-01  }
0x1d5: {  	v1 =	vbroadcast v1, $0xF;
	v0 =	vsub.f32 $0.0e+00, v0;
	_ =	sdelay $0x1  }
0x1d6: {  	v0 =	vsub.f32 v0, v1;
	_ =	sdelay $0x1  }
0x1d7: {  	s31 =	simm.s32 $0x1D20;
	[tilespmem:$0x1D20] =	vst v0  }
0x1d8: {  	[hbm4b:s1+s2] =	stream.linear.scatter [tilespmem:s31], [sflag:$0x3], $0x1, $0x38;
	[tilespmem:$0x1DA0] =	vst v63  }
0x1d9: {  	_ =	swait.ge [sflag:s5], $0x1  }
0x1da: {  	[sflag:s5] =	ssyncset.done $0x0  }
0x1db: {  	[sflag:s5] =	ssyncadd.s32 $0xFFFFFFFF  }
0x1dc: {  	_ =	sfence.sel $0x180000  }
0x1dd: {  	[bflag:$0x0] =	sbarrier.arrive $0xFFFF  }
0x1de: {  	_ =	strace $0x90000047  }
0x1df: {  	s0 =	sadd.s32 $0x100000, s0;
	[bflag:$0x2] =	sbarrier.arrive $0xFFFF  }
0x1e0: {  	[sflag:s0] =	ssyncadd.tile.s32 $0x1;
	_ =	shalt  }
.Lfunc_end2:
_tile_overlayer_lowered:
.L_overlay_start_2:
0x1e1: {  	(tag) =	ssettag $0x2  }
0x1e2: {  	s0 =	rddreg [dreg:$0x0];
	s2 =	stileid.u32  }
0x1e3: {  	s1 =	rddreg [dreg:$0x1];
	p0 =	sne.s32 s2, $0x0  }
0x1e4: {  	s3 =	rddreg [dreg:$0x2];
	[bflag:$0x3] =	sbarrier.arrive $0xFFFF;
	s2 =	simm.s32 @!p0 $0x1C03  }
0x1e5: {  	[timem:s3], [sflag:s2] =	dma.local @!p0 [hbm:s0], s1  }
0x1e6: {  	s0 =	simm.s32 @!p0 $0x3  }
0x1e7: {  	_ =	swait.ge @!p0 [sflag:s0], s1  }
0x1e8: {  	s1 =	ssub.s32 @!p0 $0x0, s1;
	[sflag:s0] =	ssyncset.done @!p0 $0x0  }
0x1e9: {  	[sflag:s0] =	ssyncadd.s32 @!p0 s1  }
0x1ea: {  	[bflag:$0x3] =	sbarrier.arrive $0xFFFF  }
0x1eb: {  	_ =	shalt  }

</sc_bundles>
